<compile_context>
chip_gen: v7x
topology: tpu7x:2x2x1
jax: 0.10.2.dev20260603
libtpu: 0.0.44.dev20260713+nightly
codegen_flags: <defaults>
</compile_context>

<pallas_src>
import numpy as np
import jax
import jax.numpy as jnp
from jax import lax
from jax.experimental import pallas as pl
from jax.experimental.pallas import tpu as pltpu
from jax.experimental.pallas import tpu_sc as plsc

N = 10000
E = 320000
IN_C = 128
HID = 128
OUT_C = 16
MAX_DEG = 512
OMEGA = 0.1

NC = 2
NS = 16
NW = NC * NS
CH = 128
CPT = 80
PCH = 40
TOTCH = NW * CPT
EPT = CH * CPT
EPAD = NW * EPT
NPAD = 10240
RPT = NPAD // NS
DEGW = 128
DEGO = 8

RBLK = 1000

_FREQ = (1.0 / np.power(10000.0, np.arange(16, dtype=np.float32) / 16.0)
         ).reshape(1, 16)

_PERM = np.array([32 * g + off + t
                  for g in range(HID // 32)
                  for t in range(16)
                  for off in (0, 16)], dtype=np.int32)


def _pack_bf16(h):
    hp = h[:, _PERM].astype(jnp.bfloat16)
    return jax.lax.bitcast_convert_type(
        hp.reshape(N, HID // 2, 2), jnp.int32)


def _lrelu(v):
    return jnp.where(v >= 0, v, 0.01 * v)



def _sc_mesh():
    return plsc.VectorSubcoreMesh(
        core_axis_name="c", subcore_axis_name="s",
        num_cores=NC, num_subcores=NS)


def _make_edge_agg():
    out_type = jax.ShapeDtypeStruct((NC, NPAD, HID), jnp.float32)
    scratch = [
        pltpu.VMEM((PCH, CH), jnp.int32),
        pltpu.VMEM((PCH, CH), jnp.int32),
        pltpu.VMEM((2, CH, HID // 2), jnp.int32),
        pltpu.VMEM((CH, HID), jnp.float32),
        pltpu.VMEM_SHARED((NPAD, HID), jnp.float32),
        pltpu.SemaphoreType.DMA,
        pltpu.SemaphoreType.DMA,
    ]

    def body(h_hbm, src_hbm, dst_hbm, zrow_hbm,
             agg_out, src_v, dst_v, rb_v, rf_v, agg_sh, sem0, sem1):
        c = lax.axis_index("c")
        s = lax.axis_index("s")
        wid = c * NS + s
        rs = pl.ds(s * RPT, RPT)

        pltpu.sync_copy(zrow_hbm, agg_sh.at[rs])
        plsc.subcore_barrier()

        sems = (sem0, sem1)
        mhi = jnp.int32(-65536)

        def gather(j, b):
            pltpu.async_copy(h_hbm.at[src_v.at[j]], rb_v.at[b], sems[b])

        def gwait(b):
            pltpu.make_async_copy(h_hbm.at[src_v.at[0]], rb_v.at[b],
                                  sems[b]).wait()

        def run_phase(p):
            pltpu.sync_copy(src_hbm.at[wid, pl.ds(p * PCH, PCH)], src_v)
            pltpu.sync_copy(dst_hbm.at[wid, pl.ds(p * PCH, PCH)], dst_v)
            gather(0, 0)
            gather(1, 1)

            def step(g, carry):
                for b in range(2):
                    j = g * 2 + b
                    gwait(b)

                    def unpack_row(r, carry2):
                        for q in range(HID // 32):
                            w = rb_v[b, r, pl.ds(16 * q, 16)]
                            lo = lax.bitcast_convert_type(w << 16,
                                                          jnp.float32)
                            hi = lax.bitcast_convert_type(w & mhi,
                                                          jnp.float32)
                            rf_v[r, pl.ds(32 * q, 16)] = lo
                            rf_v[r, pl.ds(32 * q + 16, 16)] = hi
                        return carry2

                    lax.fori_loop(0, CH, unpack_row, 0)
                    pltpu.sync_copy(rf_v, agg_sh.at[dst_v.at[j]], add=True)

                    @pl.when(j + 2 < PCH)
                    def _():
                        gather(j + 2, b)
                return carry

            lax.fori_loop(0, PCH // 2, step, 0)

        for p in range(CPT // PCH):
            run_phase(p)

        plsc.subcore_barrier()
        pltpu.sync_copy(agg_sh.at[rs], agg_out.at[c, rs])

    return pl.kernel(body, out_type=out_type, mesh=_sc_mesh(),
                     scratch_types=scratch,
                     compiler_params=pltpu.CompilerParams(
                         use_tc_tiling_on_sc=False))


def _make_deg():
    out_type = jax.ShapeDtypeStruct((NC, NPAD, DEGW), jnp.float32)
    scratch = [
        pltpu.VMEM((CPT, CH), jnp.int32),
        pltpu.VMEM((CH, DEGW), jnp.float32),
        pltpu.VMEM_SHARED((NPAD, DEGW), jnp.float32),
    ]

    def body(dst_hbm, zdeg_hbm, ones_hbm, deg_out,
             dst_v, ones_v, deg_sh):
        c = lax.axis_index("c")
        s = lax.axis_index("s")
        wid = c * NS + s
        rs = pl.ds(s * RPT, RPT)

        pltpu.sync_copy(zdeg_hbm, deg_sh.at[rs])
        pltpu.sync_copy(dst_hbm.at[wid], dst_v)
        pltpu.sync_copy(ones_hbm, ones_v)
        plsc.subcore_barrier()

        def step(j, carry):
            pltpu.sync_copy(ones_v, deg_sh.at[dst_v.at[j]], add=True)
            return carry

        lax.fori_loop(0, CPT, step, 0)
        plsc.subcore_barrier()
        pltpu.sync_copy(deg_sh.at[rs], deg_out.at[c, rs])

    return pl.kernel(body, out_type=out_type, mesh=_sc_mesh(),
                     scratch_types=scratch)


_edge_agg = _make_edge_agg()
_deg_count = _make_deg()



def _mm_body(x_ref, w_ref, o_ref):
    o_ref[...] = jnp.dot(x_ref[...], w_ref[...],
                         preferred_element_type=jnp.float32)


_matmul = pl.pallas_call(
    _mm_body,
    grid=(N // RBLK,),
    in_specs=[
        pl.BlockSpec((RBLK, IN_C), lambda i: (i, 0)),
        pl.BlockSpec((IN_C, HID), lambda i: (0, 0)),
    ],
    out_specs=pl.BlockSpec((RBLK, HID), lambda i: (i, 0)),
    out_shape=jax.ShapeDtypeStruct((N, HID), jnp.float32),
)


def _make_tail(out_w):
    def body(h_ref, aggp_ref, degp_ref, d_ref, head_ref, freq_ref,
             wge, wgo, bg, wbe, wbo, bb, wa, ba, wr, br, wlast, blast,
             o_ref, lb_ref, f_ref):
        i = pl.program_id(0)
        h = h_ref[...]
        deg = degp_ref[0, :, 0:1] + degp_ref[1, :, 0:1] + 1.0
        agg = (aggp_ref[0] + aggp_ref[1]) / deg
        ang = jnp.clip(d_ref[...], 0.0, float(MAX_DEG)) * freq_ref[...]
        sn = jnp.sin(ang)
        cs = jnp.cos(ang)
        gam = _lrelu(jnp.dot(sn, wge[...], preferred_element_type=jnp.float32)
                     + jnp.dot(cs, wgo[...],
                               preferred_element_type=jnp.float32)
                     + bg[...])
        bet = _lrelu(jnp.dot(sn, wbe[...], preferred_element_type=jnp.float32)
                     + jnp.dot(cs, wbo[...],
                               preferred_element_type=jnp.float32)
                     + bb[...])
        ta = (jnp.dot(agg, wa[...], preferred_element_type=jnp.float32)
              + ba[...])
        tr = (jnp.dot(agg, wr[...], preferred_element_type=jnp.float32)
              + br[...])
        badd = gam * ta + bet
        brev = gam * tr + bet
        rr = head_ref[...]
        out = h + agg + OMEGA * (rr * badd - (1.0 - rr) * brev)
        act = _lrelu(out)
        o_ref[...] = (jnp.dot(act, wlast[...],
                              preferred_element_type=jnp.float32)
                      + blast[...])

        lbsum = jnp.sum(jnp.abs(badd)) + jnp.sum(jnp.abs(brev))
        fsum = jnp.sum(gam * gam) + jnp.sum(bet * bet)

        @pl.when(i == 0)
        def _():
            lb_ref[0, 0] = 0.0
            f_ref[0, 0] = 0.0

        lb_ref[0, 0] += lbsum
        f_ref[0, 0] += fsum

    def full(shape):
        return pl.BlockSpec(shape, lambda i: tuple(0 for _ in shape))

    return pl.pallas_call(
        body,
        grid=(N // RBLK,),
        in_specs=[
            pl.BlockSpec((RBLK, HID), lambda i: (i, 0)),
            pl.BlockSpec((NC, RBLK, HID), lambda i: (0, i, 0)),
            pl.BlockSpec((NC, RBLK, DEGO), lambda i: (0, i, 0)),
            pl.BlockSpec((RBLK, 1), lambda i: (i, 0)),
            pl.BlockSpec((RBLK, 1), lambda i: (i, 0)),
            full((1, 16)),
            full((16, HID)), full((16, HID)), full((1, HID)),
            full((16, HID)), full((16, HID)), full((1, HID)),
            full((HID, HID)), full((1, HID)),
            full((HID, HID)), full((1, HID)),
            full((HID, out_w)), full((1, out_w)),
        ],
        out_specs=[
            pl.BlockSpec((RBLK, out_w), lambda i: (i, 0)),
            pl.BlockSpec(memory_space=pltpu.SMEM),
            pl.BlockSpec(memory_space=pltpu.SMEM),
        ],
        out_shape=[
            jax.ShapeDtypeStruct((N, out_w), jnp.float32),
            jax.ShapeDtypeStruct((1, 1), jnp.float32),
            jax.ShapeDtypeStruct((1, 1), jnp.float32),
        ],
    )


_tail_mid = _make_tail(HID)
_tail_fin = _make_tail(OUT_C)



@jax.jit
def kernel(x, adj, d, idx, edge, head,
           W1, Wg1, bg1, Wb1, bb1, Wa1, ba1, Wr1, br1,
           W2, Wg2, bg2, Wb2, bb2, Wa2, ba2, Wr2, br2,
           Wfc, bfc):
    src = adj[0].astype(jnp.int32)
    dst = adj[1].astype(jnp.int32)
    pad = EPAD - E
    src_p = jnp.concatenate([src, jnp.zeros((pad,), jnp.int32)])
    dst_p = jnp.concatenate([dst, jnp.full((pad,), NPAD - 1, jnp.int32)])
    src_r = src_p.reshape(NW, CPT, CH)
    dst_r = dst_p.reshape(NW, CPT, CH)
    zrow = jnp.zeros((RPT, HID), jnp.float32)
    zdeg = jnp.zeros((RPT, DEGW), jnp.float32)
    ones = jnp.ones((CH, DEGW), jnp.float32)
    dcol = d.astype(jnp.float32).reshape(N, 1)
    hcol = head.astype(jnp.float32).reshape(N, 1)

    def prep(Wg, Wb, bg, bb, ba, br):
        return (Wg[0::2], Wg[1::2], bg.reshape(1, HID),
                Wb[0::2], Wb[1::2], bb.reshape(1, HID),
                ba.reshape(1, HID), br.reshape(1, HID))

    wge1, wgo1, bg1r, wbe1, wbo1, bb1r, ba1r, br1r = prep(
        Wg1, Wb1, bg1, bb1, ba1, br1)
    wge2, wgo2, bg2r, wbe2, wbo2, bb2r, ba2r, br2r = prep(
        Wg2, Wb2, bg2, bb2, ba2, br2)

    h1 = _matmul(x, W1)
    degp = _deg_count(dst_r, zdeg, ones)[:, :, :DEGO]
    aggp1 = _edge_agg(_pack_bf16(h1), src_r, dst_r, zrow)
    h2, lb1, f1 = _tail_mid(
        h1, aggp1, degp, dcol, hcol, _FREQ,
        wge1, wgo1, bg1r, wbe1, wbo1, bb1r,
        Wa1, ba1r, Wr1, br1r, W2, jnp.zeros((1, HID), jnp.float32))
    aggp2 = _edge_agg(_pack_bf16(h2), src_r, dst_r, zrow)
    logits, lb2, f2 = _tail_fin(
        h2, aggp2, degp, dcol, hcol, _FREQ,
        wge2, wgo2, bg2r, wbe2, wbo2, bb2r,
        Wa2, ba2r, Wr2, br2r, Wfc, bfc.reshape(1, OUT_C))

    scale = 1.0 / (N * HID)
    return (logits,
            (lb1[0, 0] + lb2[0, 0]) * scale,
            (f1[0, 0] + f2[0, 0]) * scale)

# --- scband reference (transcript-rebuilt; emitter-appended) ---
"""Pipeline reference for scband-dfair-gcn-21835613733507 (READ-ONLY COPY).

The authoritative reference and input builder live on the scoring server;
editing this copy changes nothing except your own understanding.
"""

import jax, jax.numpy as jnp
import numpy as np

N = 10000
E = 320000
IN_C = 128
HID = 128
OUT_C = 16
DIM_D = 32
MAX_DEG = 512
OMEGA = 0.1

def _pe_table():
    pos = np.arange(MAX_DEG + 1, dtype=np.float32)[:, None]
    i = np.arange(DIM_D // 2, dtype=np.float32)[None, :]
    ang = pos / np.power(10000.0, 2.0 * i / DIM_D)
    pe = np.zeros((MAX_DEG + 1, DIM_D), dtype=np.float32)
    pe[:, 0::2] = np.sin(ang)
    pe[:, 1::2] = np.cos(ang)
    return jnp.asarray(pe)

PE = _pe_table()

def _debias(x, ei, d, head, W, Wg, bg, Wb, bb, Wa, ba, Wr, br):
    h = x @ W
    src = ei[0]
    dst = ei[1]
    deg = jnp.zeros((N,), jnp.float32).at[dst].add(1.0) + 1.0
    agg = jnp.zeros((N, h.shape[1]), jnp.float32).at[dst].add(h[src]) / deg[:, None]
    pe = PE[jnp.clip(d, 0, MAX_DEG)]
    gamma = jax.nn.leaky_relu(pe @ Wg + bg)
    beta = jax.nn.leaky_relu(pe @ Wb + bb)
    b_add = gamma * (agg @ Wa + ba) + beta
    b_rev = gamma * (agg @ Wr + br) + beta
    R = head.astype(jnp.float32)[:, None]
    out = h + agg + OMEGA * (R * b_add - (1.0 - R) * b_rev)
    L_b = jnp.mean(jnp.abs(b_add)) + jnp.mean(jnp.abs(b_rev))
    L_film = jnp.mean(gamma ** 2) + jnp.mean(beta ** 2)
    return out, L_b, L_film

def setup_inputs(seed: int = 0):
    key = jax.random.key(seed)
    ks = jax.random.split(key, 40)
    def p(k, shape):
        return jax.random.normal(k, shape, jnp.float32) * 0.05
    inp = {}
    inp['x'] = jax.random.normal(ks[0], (N, IN_C), jnp.float32)
    inp['adj'] = jax.random.randint(ks[1], (2, E), 0, N)
    inp['d'] = jax.random.randint(ks[2], (N,), 0, 64)
    inp['idx'] = jax.random.randint(ks[3], (5000,), 0, N)
    inp['edge'] = jax.random.randint(ks[4], (2, E), 0, N)
    inp['head'] = jax.random.bernoulli(ks[5], 0.3, (N,))
    inp['W1'] = p(ks[6], (IN_C, HID))
    inp['Wg1'] = p(ks[7], (DIM_D, HID))
    inp['bg1'] = jnp.zeros((HID,), jnp.float32)
    inp['Wb1'] = p(ks[8], (DIM_D, HID))
    inp['bb1'] = jnp.zeros((HID,), jnp.float32)
    inp['Wa1'] = p(ks[9], (HID, HID))
    inp['ba1'] = jnp.zeros((HID,), jnp.float32)
    inp['Wr1'] = p(ks[10], (HID, HID))
    inp['br1'] = jnp.zeros((HID,), jnp.float32)
    inp['W2'] = p(ks[11], (HID, HID))
    inp['Wg2'] = p(ks[12], (DIM_D, HID))
    inp['bg2'] = jnp.zeros((HID,), jnp.float32)
    inp['Wb2'] = p(ks[13], (DIM_D, HID))
    inp['bb2'] = jnp.zeros((HID,), jnp.float32)
    inp['Wa2'] = p(ks[14], (HID, HID))
    inp['ba2'] = jnp.zeros((HID,), jnp.float32)
    inp['Wr2'] = p(ks[15], (HID, HID))
    inp['br2'] = jnp.zeros((HID,), jnp.float32)
    inp['Wfc'] = p(ks[16], (HID, OUT_C))
    inp['bfc'] = jnp.zeros((OUT_C,), jnp.float32)
    return inp

def reference(x, adj, d, idx, edge, head, W1, Wg1, bg1, Wb1, bb1, Wa1, ba1, Wr1, br1, W2, Wg2, bg2, Wb2, bb2, Wa2, ba2, Wr2, br2, Wfc, bfc):
    h1, b1, f1 = _debias(x, adj, d, head, W1, Wg1, bg1, Wb1, bb1, Wa1, ba1, Wr1, br1)
    h1 = jax.nn.leaky_relu(h1)
    h2, b2, f2 = _debias(h1, adj, d, head, W2, Wg2, bg2, Wb2, bb2, Wa2, ba2, Wr2, br2)
    h2 = jax.nn.leaky_relu(h2)
    logits = h2 @ Wfc + bfc
    return (logits, b1 + b2, f1 + f2)

if __name__ == "__main__":
    import jax
    _d = setup_inputs()
    print(jax.jit(kernel)(*tuple(_d.values())))

</pallas_src>

<mosaic_0001>
#map = affine_map<(d0, d1) -> (0, 0)>
#map1 = affine_map<(d0, d1) -> (0, 0, 0)>
module attributes {stable_mosaic.version = 14 : i64} {
  func.func @body(%arg0: i32, %arg1: i32, %arg2: memref<10000x64xi32, #tpu.memory_space<hbm>>, %arg3: memref<32x80x128xi32, #tpu.memory_space<hbm>>, %arg4: memref<32x80x128xi32, #tpu.memory_space<hbm>>, %arg5: memref<640x128xf32, #tpu.memory_space<hbm>>, %arg6: memref<2x10240x128xf32, #tpu.memory_space<hbm>>, %arg7: memref<40x128xi32, #tpu.memory_space<vmem>>, %arg8: memref<40x128xi32, #tpu.memory_space<vmem>>, %arg9: memref<2x128x64xi32, #tpu.memory_space<vmem>>, %arg10: memref<128x128xf32, #tpu.memory_space<vmem>>, %arg11: memref<10240x128xf32, #tpu.memory_space<vmem_shared>>, %arg12: memref<!tpu.dma_semaphore, #tpu.memory_space<semaphore_mem>>, %arg13: memref<!tpu.dma_semaphore, #tpu.memory_space<semaphore_mem>>) attributes {dimension_semantics = [#tpu.dimension_semantics<core_parallel>, #tpu.dimension_semantics<subcore_parallel>], iteration_bounds = array<i64: 2, 16>, scalar_prefetch = 0 : i64, scratch_operands = 7 : i64, tpu.core_type = #tpu.core_type<sc_vector_subcore>, window_params = [{transform_indices = #map}, {transform_indices = #map1}, {transform_indices = #map1}, {transform_indices = #map}, {transform_indices = #map1}]} {
    %mul3A = arith.constant 16 : i32
    %mul3A_0 = arith.muli %arg0, %mul3A : i32
    %add3A = arith.addi %mul3A_0, %arg1 : i32
    %mul3A_1 = arith.constant 640 : i32
    %mul3A_2 = arith.muli %arg1, %mul3A_1 : i32
    "tpu.region"() ({
      %run_scoped3A = tpu.sem_alloc : memref<!tpu.dma_semaphore, #tpu.memory_space<semaphore_mem>>
      %dma_start3A_64 = arith.constant 0 : i32
      %dma_start3A_65 = tpu.memref_slice %arg11[%mul3A_2, %dma_start3A_64] : memref<10240x128xf32, #tpu.memory_space<vmem_shared>> -> memref<640x128xf32, #tpu.memory_space<vmem_shared>>
      tpu.enqueue_dma source(%arg5 : memref<640x128xf32, #tpu.memory_space<hbm>>) target(%dma_start3A_65 : memref<640x128xf32, #tpu.memory_space<vmem_shared>>) target_semaphore(%run_scoped3A : memref<!tpu.dma_semaphore, #tpu.memory_space<semaphore_mem>>)
      %dma_wait3A = arith.constant 0 : i32
      %dma_wait3A_66 = tpu.memref_slice %arg11[%mul3A_2, %dma_wait3A] : memref<10240x128xf32, #tpu.memory_space<vmem_shared>> -> memref<640x128xf32, #tpu.memory_space<vmem_shared>>
      tpu.wait_dma2 semaphore(%run_scoped3A : memref<!tpu.dma_semaphore, #tpu.memory_space<semaphore_mem>>) src(%arg5 : memref<640x128xf32, #tpu.memory_space<hbm>>) dst(%dma_wait3A_66 : memref<640x128xf32, #tpu.memory_space<vmem_shared>>)
      tpu.yield
    }) : () -> ()
    %barrier3A = arith.constant 0 : index
    tpu.barrier barrier_id(%barrier3A)
    "tpu.region"() ({
      %run_scoped3A = tpu.sem_alloc : memref<!tpu.dma_semaphore, #tpu.memory_space<semaphore_mem>>
      %dma_start3A_64 = arith.constant 0 : i32
      %dma_start3A_65 = arith.constant 0 : i32
      %dma_start3A_66 = tpu.memref_slice %arg3[%add3A, %dma_start3A_64, %dma_start3A_65] : memref<32x80x128xi32, #tpu.memory_space<hbm>> -> memref<1x40x128xi32, #tpu.memory_space<hbm>>
      %dma_start3A_67 = tpu.memref_squeeze %dma_start3A_66 : memref<1x40x128xi32, #tpu.memory_space<hbm>> -> memref<40x128xi32, #tpu.memory_space<hbm>>
      %dma_start3A_68 = arith.constant 0 : i32
      %dma_start3A_69 = arith.constant 0 : i32
      %dma_start3A_70 = tpu.memref_slice %arg3[%add3A, %dma_start3A_68, %dma_start3A_69] : memref<32x80x128xi32, #tpu.memory_space<hbm>> -> memref<1x40x128xi32, #tpu.memory_space<hbm>>
      %dma_start3A_71 = tpu.memref_squeeze %dma_start3A_70 : memref<1x40x128xi32, #tpu.memory_space<hbm>> -> memref<40x128xi32, #tpu.memory_space<hbm>>
      tpu.enqueue_dma source(%dma_start3A_71 : memref<40x128xi32, #tpu.memory_space<hbm>>) target(%arg7 : memref<40x128xi32, #tpu.memory_space<vmem>>) target_semaphore(%run_scoped3A : memref<!tpu.dma_semaphore, #tpu.memory_space<semaphore_mem>>)
      %dma_wait3A = arith.constant 0 : i32
      %dma_wait3A_72 = arith.constant 0 : i32
      %dma_wait3A_73 = tpu.memref_slice %arg3[%add3A, %dma_wait3A, %dma_wait3A_72] : memref<32x80x128xi32, #tpu.memory_space<hbm>> -> memref<1x40x128xi32, #tpu.memory_space<hbm>>
      %dma_wait3A_74 = tpu.memref_squeeze %dma_wait3A_73 : memref<1x40x128xi32, #tpu.memory_space<hbm>> -> memref<40x128xi32, #tpu.memory_space<hbm>>
      %dma_wait3A_75 = arith.constant 0 : i32
      %dma_wait3A_76 = arith.constant 0 : i32
      %dma_wait3A_77 = tpu.memref_slice %arg3[%add3A, %dma_wait3A_75, %dma_wait3A_76] : memref<32x80x128xi32, #tpu.memory_space<hbm>> -> memref<1x40x128xi32, #tpu.memory_space<hbm>>
      %dma_wait3A_78 = tpu.memref_squeeze %dma_wait3A_77 : memref<1x40x128xi32, #tpu.memory_space<hbm>> -> memref<40x128xi32, #tpu.memory_space<hbm>>
      tpu.wait_dma2 semaphore(%run_scoped3A : memref<!tpu.dma_semaphore, #tpu.memory_space<semaphore_mem>>) src(%dma_wait3A_78 : memref<40x128xi32, #tpu.memory_space<hbm>>) dst(%arg7 : memref<40x128xi32, #tpu.memory_space<vmem>>)
      tpu.yield
    }) : () -> ()
    "tpu.region"() ({
      %run_scoped3A = tpu.sem_alloc : memref<!tpu.dma_semaphore, #tpu.memory_space<semaphore_mem>>
      %dma_start3A_64 = arith.constant 0 : i32
      %dma_start3A_65 = arith.constant 0 : i32
      %dma_start3A_66 = tpu.memref_slice %arg4[%add3A, %dma_start3A_64, %dma_start3A_65] : memref<32x80x128xi32, #tpu.memory_space<hbm>> -> memref<1x40x128xi32, #tpu.memory_space<hbm>>
      %dma_start3A_67 = tpu.memref_squeeze %dma_start3A_66 : memref<1x40x128xi32, #tpu.memory_space<hbm>> -> memref<40x128xi32, #tpu.memory_space<hbm>>
      %dma_start3A_68 = arith.constant 0 : i32
      %dma_start3A_69 = arith.constant 0 : i32
      %dma_start3A_70 = tpu.memref_slice %arg4[%add3A, %dma_start3A_68, %dma_start3A_69] : memref<32x80x128xi32, #tpu.memory_space<hbm>> -> memref<1x40x128xi32, #tpu.memory_space<hbm>>
      %dma_start3A_71 = tpu.memref_squeeze %dma_start3A_70 : memref<1x40x128xi32, #tpu.memory_space<hbm>> -> memref<40x128xi32, #tpu.memory_space<hbm>>
      tpu.enqueue_dma source(%dma_start3A_71 : memref<40x128xi32, #tpu.memory_space<hbm>>) target(%arg8 : memref<40x128xi32, #tpu.memory_space<vmem>>) target_semaphore(%run_scoped3A : memref<!tpu.dma_semaphore, #tpu.memory_space<semaphore_mem>>)
      %dma_wait3A = arith.constant 0 : i32
      %dma_wait3A_72 = arith.constant 0 : i32
      %dma_wait3A_73 = tpu.memref_slice %arg4[%add3A, %dma_wait3A, %dma_wait3A_72] : memref<32x80x128xi32, #tpu.memory_space<hbm>> -> memref<1x40x128xi32, #tpu.memory_space<hbm>>
      %dma_wait3A_74 = tpu.memref_squeeze %dma_wait3A_73 : memref<1x40x128xi32, #tpu.memory_space<hbm>> -> memref<40x128xi32, #tpu.memory_space<hbm>>
      %dma_wait3A_75 = arith.constant 0 : i32
      %dma_wait3A_76 = arith.constant 0 : i32
      %dma_wait3A_77 = tpu.memref_slice %arg4[%add3A, %dma_wait3A_75, %dma_wait3A_76] : memref<32x80x128xi32, #tpu.memory_space<hbm>> -> memref<1x40x128xi32, #tpu.memory_space<hbm>>
      %dma_wait3A_78 = tpu.memref_squeeze %dma_wait3A_77 : memref<1x40x128xi32, #tpu.memory_space<hbm>> -> memref<40x128xi32, #tpu.memory_space<hbm>>
      tpu.wait_dma2 semaphore(%run_scoped3A : memref<!tpu.dma_semaphore, #tpu.memory_space<semaphore_mem>>) src(%dma_wait3A_78 : memref<40x128xi32, #tpu.memory_space<hbm>>) dst(%arg8 : memref<40x128xi32, #tpu.memory_space<vmem>>)
      tpu.yield
    }) : () -> ()
    %dma_start3A = arith.constant 0 : i32
    %dma_start3A_3 = arith.constant 0 : i32
    %dma_start3A_4 = arith.constant 0 : i32
    %dma_start3A_5 = arith.constant 0 : i32
    %dma_start3A_6 = tpu.memref_slice %arg9[%dma_start3A_3, %dma_start3A_4, %dma_start3A_5] : memref<2x128x64xi32, #tpu.memory_space<vmem>> -> memref<1x128x64xi32, #tpu.memory_space<vmem>>
    %dma_start3A_7 = tpu.memref_squeeze %dma_start3A_6 : memref<1x128x64xi32, #tpu.memory_space<vmem>> -> memref<128x64xi32, #tpu.memory_space<vmem>>
    %dma_start3A_8 = arith.constant 0 : i32
    %dma_start3A_9 = tpu.memref_slice %arg7[%dma_start3A, %dma_start3A_8] : memref<40x128xi32, #tpu.memory_space<vmem>> -> memref<1x128xi32, #tpu.memory_space<vmem>>
    %dma_start3A_10 = tpu.memref_squeeze %dma_start3A_9 : memref<1x128xi32, #tpu.memory_space<vmem>> -> memref<128xi32, #tpu.memory_space<vmem>>
    %dma_start3A_11 = arith.constant 0 : i32
    %dma_start3A_12 = arith.constant 0 : i32
    %dma_start3A_13 = tpu.memref_slice %arg2[%dma_start3A_11, %dma_start3A_12] : memref<10000x64xi32, #tpu.memory_space<hbm>> -> memref<10000x64xi32, #tpu.memory_space<hbm>>
    tpu.enqueue_indirect_dma source(%dma_start3A_13 : memref<10000x64xi32, #tpu.memory_space<hbm>>) target(%dma_start3A_7 : memref<128x64xi32, #tpu.memory_space<vmem>>) offsets(%dma_start3A_10 : memref<128xi32, #tpu.memory_space<vmem>>) semaphore(%arg12 : memref<!tpu.dma_semaphore, #tpu.memory_space<semaphore_mem>>)
    %dma_start3A_14 = arith.constant 1 : i32
    %dma_start3A_15 = arith.constant 1 : i32
    %dma_start3A_16 = arith.constant 0 : i32
    %dma_start3A_17 = arith.constant 0 : i32
    %dma_start3A_18 = tpu.memref_slice %arg9[%dma_start3A_15, %dma_start3A_16, %dma_start3A_17] : memref<2x128x64xi32, #tpu.memory_space<vmem>> -> memref<1x128x64xi32, #tpu.memory_space<vmem>>
    %dma_start3A_19 = tpu.memref_squeeze %dma_start3A_18 : memref<1x128x64xi32, #tpu.memory_space<vmem>> -> memref<128x64xi32, #tpu.memory_space<vmem>>
    %dma_start3A_20 = arith.constant 0 : i32
    %dma_start3A_21 = tpu.memref_slice %arg7[%dma_start3A_14, %dma_start3A_20] : memref<40x128xi32, #tpu.memory_space<vmem>> -> memref<1x128xi32, #tpu.memory_space<vmem>>
    %dma_start3A_22 = tpu.memref_squeeze %dma_start3A_21 : memref<1x128xi32, #tpu.memory_space<vmem>> -> memref<128xi32, #tpu.memory_space<vmem>>
    %dma_start3A_23 = arith.constant 0 : i32
    %dma_start3A_24 = arith.constant 0 : i32
    %dma_start3A_25 = tpu.memref_slice %arg2[%dma_start3A_23, %dma_start3A_24] : memref<10000x64xi32, #tpu.memory_space<hbm>> -> memref<10000x64xi32, #tpu.memory_space<hbm>>
    tpu.enqueue_indirect_dma source(%dma_start3A_25 : memref<10000x64xi32, #tpu.memory_space<hbm>>) target(%dma_start3A_19 : memref<128x64xi32, #tpu.memory_space<vmem>>) offsets(%dma_start3A_22 : memref<128xi32, #tpu.memory_space<vmem>>) semaphore(%arg13 : memref<!tpu.dma_semaphore, #tpu.memory_space<semaphore_mem>>)
    %scan3A = arith.constant 0 : i32
    %scan3A_26 = arith.constant -65536 : i32
    %scan3A_27 = arith.constant 0 : i32
    %scan3A_28 = arith.constant 20 : i32
    %scan3A_29 = arith.addi %scan3A_27, %scan3A_28 : i32
    %scan3A_30 = arith.constant 1 : i32
    scf.for %scan3A_64 = %scan3A_27 to %scan3A_29 step %scan3A_30  : i32 {
      %mul3A_65 = arith.constant 2 : i32
      %mul3A_66 = arith.muli %scan3A_64, %mul3A_65 : i32
      %add3A_67 = arith.constant 0 : i32
      %add3A_68 = arith.addi %mul3A_66, %add3A_67 : i32
      %dma_wait3A = arith.constant 0 : i32
      %dma_wait3A_69 = arith.constant 0 : i32
      %dma_wait3A_70 = arith.constant 0 : i32
      %dma_wait3A_71 = arith.constant 0 : i32
      %dma_wait3A_72 = tpu.memref_slice %arg9[%dma_wait3A_69, %dma_wait3A_70, %dma_wait3A_71] : memref<2x128x64xi32, #tpu.memory_space<vmem>> -> memref<1x128x64xi32, #tpu.memory_space<vmem>>
      %dma_wait3A_73 = tpu.memref_squeeze %dma_wait3A_72 : memref<1x128x64xi32, #tpu.memory_space<vmem>> -> memref<128x64xi32, #tpu.memory_space<vmem>>
      %dma_wait3A_74 = arith.constant 0 : i32
      %dma_wait3A_75 = tpu.memref_slice %arg7[%dma_wait3A, %dma_wait3A_74] : memref<40x128xi32, #tpu.memory_space<vmem>> -> memref<1x128xi32, #tpu.memory_space<vmem>>
      %dma_wait3A_76 = tpu.memref_squeeze %dma_wait3A_75 : memref<1x128xi32, #tpu.memory_space<vmem>> -> memref<128xi32, #tpu.memory_space<vmem>>
      %dma_wait3A_77 = arith.constant 0 : i32
      %dma_wait3A_78 = arith.constant 0 : i32
      %dma_wait3A_79 = tpu.memref_slice %arg2[%dma_wait3A_77, %dma_wait3A_78] : memref<10000x64xi32, #tpu.memory_space<hbm>> -> memref<10000x64xi32, #tpu.memory_space<hbm>>
      tpu.wait_indirect_dma semaphore(%arg12 : memref<!tpu.dma_semaphore, #tpu.memory_space<semaphore_mem>>) src(%dma_wait3A_79 : memref<10000x64xi32, #tpu.memory_space<hbm>>) dst(%dma_wait3A_73 : memref<128x64xi32, #tpu.memory_space<vmem>>)
      %scan3A_80 = arith.constant 0 : i32
      %scan3A_81 = arith.constant 0 : i32
      %scan3A_82 = arith.constant 128 : i32
      %scan3A_83 = arith.addi %scan3A_81, %scan3A_82 : i32
      %scan3A_84 = arith.constant 1 : i32
      scf.for %scan3A_119 = %scan3A_81 to %scan3A_83 step %scan3A_84  : i32 {
        %get3A = arith.constant 0 : i32
        %get3A_120 = arith.index_cast %get3A : i32 to index
        %get3A_121 = arith.index_cast %scan3A_119 : i32 to index
        %get3A_122 = arith.constant 0 : index
        %get3A_123 = tpu.vector_load %arg9[%get3A_120, %get3A_121, %get3A_122] {strides = array<i32>} : memref<2x128x64xi32, #tpu.memory_space<vmem>>, vector<1x1x16xi32>,
        %get3A_124 = vector.shape_cast %get3A_123 : vector<1x1x16xi32> to vector<16xi32>
        %shift_left3A = arith.constant 16 : i32
        %shift_left3A_125 = vector.broadcast %shift_left3A : i32 to vector<16xi32>
        %shift_left3A_126 = arith.shli %get3A_124, %shift_left3A_125 : vector<16xi32>
        %bitcast_convert_type3A = tpu.bitcast %shift_left3A_126 : vector<16xi32> -> vector<16xf32>
        %and3A = vector.broadcast %scan3A_26 : i32 to vector<16xi32>
        %and3A_127 = arith.andi %get3A_124, %and3A : vector<16xi32>
        %bitcast_convert_type3A_128 = tpu.bitcast %and3A_127 : vector<16xi32> -> vector<16xf32>
        %swap3A = arith.index_cast %scan3A_119 : i32 to index
        %swap3A_129 = arith.constant 0 : index
        %swap3A_130 = tpu.vector_load %arg10[%swap3A, %swap3A_129] {strides = array<i32>} : memref<128x128xf32, #tpu.memory_space<vmem>>, vector<1x16xf32>,
        %swap3A_131 = vector.shape_cast %swap3A_130 : vector<1x16xf32> to vector<16xf32>
        %swap3A_132 = vector.shape_cast %bitcast_convert_type3A : vector<16xf32> to vector<1x16xf32>
        tpu.vector_store %arg10[%swap3A, %swap3A_129], %swap3A_132 {strides = array<i32>} : memref<128x128xf32, #tpu.memory_space<vmem>>, vector<1x16xf32>,
        %swap3A_133 = arith.index_cast %scan3A_119 : i32 to index
        %swap3A_134 = arith.constant 16 : index
        %swap3A_135 = tpu.vector_load %arg10[%swap3A_133, %swap3A_134] {strides = array<i32>} : memref<128x128xf32, #tpu.memory_space<vmem>>, vector<1x16xf32>,
        %swap3A_136 = vector.shape_cast %swap3A_135 : vector<1x16xf32> to vector<16xf32>
        %swap3A_137 = vector.shape_cast %bitcast_convert_type3A_128 : vector<16xf32> to vector<1x16xf32>
        tpu.vector_store %arg10[%swap3A_133, %swap3A_134], %swap3A_137 {strides = array<i32>} : memref<128x128xf32, #tpu.memory_space<vmem>>, vector<1x16xf32>,
        %get3A_138 = arith.constant 0 : i32
        %get3A_139 = arith.index_cast %get3A_138 : i32 to index
        %get3A_140 = arith.index_cast %scan3A_119 : i32 to index
        %get3A_141 = arith.constant 16 : index
        %get3A_142 = tpu.vector_load %arg9[%get3A_139, %get3A_140, %get3A_141] {strides = array<i32>} : memref<2x128x64xi32, #tpu.memory_space<vmem>>, vector<1x1x16xi32>,
        %get3A_143 = vector.shape_cast %get3A_142 : vector<1x1x16xi32> to vector<16xi32>
        %shift_left3A_144 = arith.constant 16 : i32
        %shift_left3A_145 = vector.broadcast %shift_left3A_144 : i32 to vector<16xi32>
        %shift_left3A_146 = arith.shli %get3A_143, %shift_left3A_145 : vector<16xi32>
        %bitcast_convert_type3A_147 = tpu.bitcast %shift_left3A_146 : vector<16xi32> -> vector<16xf32>
        %and3A_148 = vector.broadcast %scan3A_26 : i32 to vector<16xi32>
        %and3A_149 = arith.andi %get3A_143, %and3A_148 : vector<16xi32>
        %bitcast_convert_type3A_150 = tpu.bitcast %and3A_149 : vector<16xi32> -> vector<16xf32>
        %swap3A_151 = arith.index_cast %scan3A_119 : i32 to index
        %swap3A_152 = arith.constant 32 : index
        %swap3A_153 = tpu.vector_load %arg10[%swap3A_151, %swap3A_152] {strides = array<i32>} : memref<128x128xf32, #tpu.memory_space<vmem>>, vector<1x16xf32>,
        %swap3A_154 = vector.shape_cast %swap3A_153 : vector<1x16xf32> to vector<16xf32>
        %swap3A_155 = vector.shape_cast %bitcast_convert_type3A_147 : vector<16xf32> to vector<1x16xf32>
        tpu.vector_store %arg10[%swap3A_151, %swap3A_152], %swap3A_155 {strides = array<i32>} : memref<128x128xf32, #tpu.memory_space<vmem>>, vector<1x16xf32>,
        %swap3A_156 = arith.index_cast %scan3A_119 : i32 to index
        %swap3A_157 = arith.constant 48 : index
        %swap3A_158 = tpu.vector_load %arg10[%swap3A_156, %swap3A_157] {strides = array<i32>} : memref<128x128xf32, #tpu.memory_space<vmem>>, vector<1x16xf32>,
        %swap3A_159 = vector.shape_cast %swap3A_158 : vector<1x16xf32> to vector<16xf32>
        %swap3A_160 = vector.shape_cast %bitcast_convert_type3A_150 : vector<16xf32> to vector<1x16xf32>
        tpu.vector_store %arg10[%swap3A_156, %swap3A_157], %swap3A_160 {strides = array<i32>} : memref<128x128xf32, #tpu.memory_space<vmem>>, vector<1x16xf32>,
        %get3A_161 = arith.constant 0 : i32
        %get3A_162 = arith.index_cast %get3A_161 : i32 to index
        %get3A_163 = arith.index_cast %scan3A_119 : i32 to index
        %get3A_164 = arith.constant 32 : index
        %get3A_165 = tpu.vector_load %arg9[%get3A_162, %get3A_163, %get3A_164] {strides = array<i32>} : memref<2x128x64xi32, #tpu.memory_space<vmem>>, vector<1x1x16xi32>,
        %get3A_166 = vector.shape_cast %get3A_165 : vector<1x1x16xi32> to vector<16xi32>
        %shift_left3A_167 = arith.constant 16 : i32
        %shift_left3A_168 = vector.broadcast %shift_left3A_167 : i32 to vector<16xi32>
        %shift_left3A_169 = arith.shli %get3A_166, %shift_left3A_168 : vector<16xi32>
        %bitcast_convert_type3A_170 = tpu.bitcast %shift_left3A_169 : vector<16xi32> -> vector<16xf32>
        %and3A_171 = vector.broadcast %scan3A_26 : i32 to vector<16xi32>
        %and3A_172 = arith.andi %get3A_166, %and3A_171 : vector<16xi32>
        %bitcast_convert_type3A_173 = tpu.bitcast %and3A_172 : vector<16xi32> -> vector<16xf32>
        %swap3A_174 = arith.index_cast %scan3A_119 : i32 to index
        %swap3A_175 = arith.constant 64 : index
        %swap3A_176 = tpu.vector_load %arg10[%swap3A_174, %swap3A_175] {strides = array<i32>} : memref<128x128xf32, #tpu.memory_space<vmem>>, vector<1x16xf32>,
        %swap3A_177 = vector.shape_cast %swap3A_176 : vector<1x16xf32> to vector<16xf32>
        %swap3A_178 = vector.shape_cast %bitcast_convert_type3A_170 : vector<16xf32> to vector<1x16xf32>
        tpu.vector_store %arg10[%swap3A_174, %swap3A_175], %swap3A_178 {strides = array<i32>} : memref<128x128xf32, #tpu.memory_space<vmem>>, vector<1x16xf32>,
        %swap3A_179 = arith.index_cast %scan3A_119 : i32 to index
        %swap3A_180 = arith.constant 80 : index
        %swap3A_181 = tpu.vector_load %arg10[%swap3A_179, %swap3A_180] {strides = array<i32>} : memref<128x128xf32, #tpu.memory_space<vmem>>, vector<1x16xf32>,
        %swap3A_182 = vector.shape_cast %swap3A_181 : vector<1x16xf32> to vector<16xf32>
        %swap3A_183 = vector.shape_cast %bitcast_convert_type3A_173 : vector<16xf32> to vector<1x16xf32>
        tpu.vector_store %arg10[%swap3A_179, %swap3A_180], %swap3A_183 {strides = array<i32>} : memref<128x128xf32, #tpu.memory_space<vmem>>, vector<1x16xf32>,
        %get3A_184 = arith.constant 0 : i32
        %get3A_185 = arith.index_cast %get3A_184 : i32 to index
        %get3A_186 = arith.index_cast %scan3A_119 : i32 to index
        %get3A_187 = arith.constant 48 : index
        %get3A_188 = tpu.vector_load %arg9[%get3A_185, %get3A_186, %get3A_187] {strides = array<i32>} : memref<2x128x64xi32, #tpu.memory_space<vmem>>, vector<1x1x16xi32>,
        %get3A_189 = vector.shape_cast %get3A_188 : vector<1x1x16xi32> to vector<16xi32>
        %shift_left3A_190 = arith.constant 16 : i32
        %shift_left3A_191 = vector.broadcast %shift_left3A_190 : i32 to vector<16xi32>
        %shift_left3A_192 = arith.shli %get3A_189, %shift_left3A_191 : vector<16xi32>
        %bitcast_convert_type3A_193 = tpu.bitcast %shift_left3A_192 : vector<16xi32> -> vector<16xf32>
        %and3A_194 = vector.broadcast %scan3A_26 : i32 to vector<16xi32>
        %and3A_195 = arith.andi %get3A_189, %and3A_194 : vector<16xi32>
        %bitcast_convert_type3A_196 = tpu.bitcast %and3A_195 : vector<16xi32> -> vector<16xf32>
        %swap3A_197 = arith.index_cast %scan3A_119 : i32 to index
        %swap3A_198 = arith.constant 96 : index
        %swap3A_199 = tpu.vector_load %arg10[%swap3A_197, %swap3A_198] {strides = array<i32>} : memref<128x128xf32, #tpu.memory_space<vmem>>, vector<1x16xf32>,
        %swap3A_200 = vector.shape_cast %swap3A_199 : vector<1x16xf32> to vector<16xf32>
        %swap3A_201 = vector.shape_cast %bitcast_convert_type3A_193 : vector<16xf32> to vector<1x16xf32>
        tpu.vector_store %arg10[%swap3A_197, %swap3A_198], %swap3A_201 {strides = array<i32>} : memref<128x128xf32, #tpu.memory_space<vmem>>, vector<1x16xf32>,
        %swap3A_202 = arith.index_cast %scan3A_119 : i32 to index
        %swap3A_203 = arith.constant 112 : index
        %swap3A_204 = tpu.vector_load %arg10[%swap3A_202, %swap3A_203] {strides = array<i32>} : memref<128x128xf32, #tpu.memory_space<vmem>>, vector<1x16xf32>,
        %swap3A_205 = vector.shape_cast %swap3A_204 : vector<1x16xf32> to vector<16xf32>
        %swap3A_206 = vector.shape_cast %bitcast_convert_type3A_196 : vector<16xf32> to vector<1x16xf32>
        tpu.vector_store %arg10[%swap3A_202, %swap3A_203], %swap3A_206 {strides = array<i32>} : memref<128x128xf32, #tpu.memory_space<vmem>>, vector<1x16xf32>,
      }
      %scan3A_85 = arith.constant 128 : i32
      "tpu.region"() ({
        %run_scoped3A = tpu.sem_alloc : memref<!tpu.dma_semaphore, #tpu.memory_space<semaphore_mem>>
        %dma_start3A_119 = arith.constant 0 : i32
        %dma_start3A_120 = tpu.memref_slice %arg8[%add3A_68, %dma_start3A_119] : memref<40x128xi32, #tpu.memory_space<vmem>> -> memref<1x128xi32, #tpu.memory_space<vmem>>
        %dma_start3A_121 = tpu.memref_squeeze %dma_start3A_120 : memref<1x128xi32, #tpu.memory_space<vmem>> -> memref<128xi32, #tpu.memory_space<vmem>>
        %dma_start3A_122 = arith.constant 0 : i32
        %dma_start3A_123 = arith.constant 0 : i32
        %dma_start3A_124 = tpu.memref_slice %arg11[%dma_start3A_122, %dma_start3A_123] : memref<10240x128xf32, #tpu.memory_space<vmem_shared>> -> memref<10240x128xf32, #tpu.memory_space<vmem_shared>>
        tpu.enqueue_indirect_dma source(%arg10 : memref<128x128xf32, #tpu.memory_space<vmem>>) target(%dma_start3A_124 : memref<10240x128xf32, #tpu.memory_space<vmem_shared>>) offsets(%dma_start3A_121 : memref<128xi32, #tpu.memory_space<vmem>>) semaphore(%run_scoped3A : memref<!tpu.dma_semaphore, #tpu.memory_space<semaphore_mem>>) {add = true}
        %dma_wait3A_125 = arith.constant 0 : i32
        %dma_wait3A_126 = tpu.memref_slice %arg8[%add3A_68, %dma_wait3A_125] : memref<40x128xi32, #tpu.memory_space<vmem>> -> memref<1x128xi32, #tpu.memory_space<vmem>>
        %dma_wait3A_127 = tpu.memref_squeeze %dma_wait3A_126 : memref<1x128xi32, #tpu.memory_space<vmem>> -> memref<128xi32, #tpu.memory_space<vmem>>
        %dma_wait3A_128 = arith.constant 0 : i32
        %dma_wait3A_129 = arith.constant 0 : i32
        %dma_wait3A_130 = tpu.memref_slice %arg11[%dma_wait3A_128, %dma_wait3A_129] : memref<10240x128xf32, #tpu.memory_space<vmem_shared>> -> memref<10240x128xf32, #tpu.memory_space<vmem_shared>>
        tpu.wait_indirect_dma semaphore(%run_scoped3A : memref<!tpu.dma_semaphore, #tpu.memory_space<semaphore_mem>>) src(%arg10 : memref<128x128xf32, #tpu.memory_space<vmem>>) dst(%dma_wait3A_130 : memref<10240x128xf32, #tpu.memory_space<vmem_shared>>)
        tpu.yield
      }) : () -> ()
      %add3A_86 = arith.constant 2 : i32
      %add3A_87 = arith.addi %add3A_68, %add3A_86 : i32
      %lt3A = arith.constant 40 : i32
      %lt3A_88 = arith.cmpi slt, %add3A_87, %lt3A : i32
      %convert_element_type3A = arith.extui %lt3A_88 : i1 to i32
      %cond3A = arith.constant 0 : i32
      %cond3A_89 = arith.cmpi ne, %convert_element_type3A, %cond3A : i32
      scf.if %cond3A_89 {
        %add3A_119 = arith.constant 2 : i32
        %add3A_120 = arith.addi %add3A_68, %add3A_119 : i32
        %dma_start3A_121 = arith.constant 0 : i32
        %dma_start3A_122 = arith.constant 0 : i32
        %dma_start3A_123 = arith.constant 0 : i32
        %dma_start3A_124 = tpu.memref_slice %arg9[%dma_start3A_121, %dma_start3A_122, %dma_start3A_123] : memref<2x128x64xi32, #tpu.memory_space<vmem>> -> memref<1x128x64xi32, #tpu.memory_space<vmem>>
        %dma_start3A_125 = tpu.memref_squeeze %dma_start3A_124 : memref<1x128x64xi32, #tpu.memory_space<vmem>> -> memref<128x64xi32, #tpu.memory_space<vmem>>
        %dma_start3A_126 = arith.constant 0 : i32
        %dma_start3A_127 = tpu.memref_slice %arg7[%add3A_120, %dma_start3A_126] : memref<40x128xi32, #tpu.memory_space<vmem>> -> memref<1x128xi32, #tpu.memory_space<vmem>>
        %dma_start3A_128 = tpu.memref_squeeze %dma_start3A_127 : memref<1x128xi32, #tpu.memory_space<vmem>> -> memref<128xi32, #tpu.memory_space<vmem>>
        %dma_start3A_129 = arith.constant 0 : i32
        %dma_start3A_130 = arith.constant 0 : i32
        %dma_start3A_131 = tpu.memref_slice %arg2[%dma_start3A_129, %dma_start3A_130] : memref<10000x64xi32, #tpu.memory_space<hbm>> -> memref<10000x64xi32, #tpu.memory_space<hbm>>
        tpu.enqueue_indirect_dma source(%dma_start3A_131 : memref<10000x64xi32, #tpu.memory_space<hbm>>) target(%dma_start3A_125 : memref<128x64xi32, #tpu.memory_space<vmem>>) offsets(%dma_start3A_128 : memref<128xi32, #tpu.memory_space<vmem>>) semaphore(%arg12 : memref<!tpu.dma_semaphore, #tpu.memory_space<semaphore_mem>>)
      } else {
      }
      %mul3A_90 = arith.constant 2 : i32
      %mul3A_91 = arith.muli %scan3A_64, %mul3A_90 : i32
      %add3A_92 = arith.constant 1 : i32
      %add3A_93 = arith.addi %mul3A_91, %add3A_92 : i32
      %dma_wait3A_94 = arith.constant 0 : i32
      %dma_wait3A_95 = arith.constant 1 : i32
      %dma_wait3A_96 = arith.constant 0 : i32
      %dma_wait3A_97 = arith.constant 0 : i32
      %dma_wait3A_98 = tpu.memref_slice %arg9[%dma_wait3A_95, %dma_wait3A_96, %dma_wait3A_97] : memref<2x128x64xi32, #tpu.memory_space<vmem>> -> memref<1x128x64xi32, #tpu.memory_space<vmem>>
      %dma_wait3A_99 = tpu.memref_squeeze %dma_wait3A_98 : memref<1x128x64xi32, #tpu.memory_space<vmem>> -> memref<128x64xi32, #tpu.memory_space<vmem>>
      %dma_wait3A_100 = arith.constant 0 : i32
      %dma_wait3A_101 = tpu.memref_slice %arg7[%dma_wait3A_94, %dma_wait3A_100] : memref<40x128xi32, #tpu.memory_space<vmem>> -> memref<1x128xi32, #tpu.memory_space<vmem>>
      %dma_wait3A_102 = tpu.memref_squeeze %dma_wait3A_101 : memref<1x128xi32, #tpu.memory_space<vmem>> -> memref<128xi32, #tpu.memory_space<vmem>>
      %dma_wait3A_103 = arith.constant 0 : i32
      %dma_wait3A_104 = arith.constant 0 : i32
      %dma_wait3A_105 = tpu.memref_slice %arg2[%dma_wait3A_103, %dma_wait3A_104] : memref<10000x64xi32, #tpu.memory_space<hbm>> -> memref<10000x64xi32, #tpu.memory_space<hbm>>
      tpu.wait_indirect_dma semaphore(%arg13 : memref<!tpu.dma_semaphore, #tpu.memory_space<semaphore_mem>>) src(%dma_wait3A_105 : memref<10000x64xi32, #tpu.memory_space<hbm>>) dst(%dma_wait3A_99 : memref<128x64xi32, #tpu.memory_space<vmem>>)
      %scan3A_106 = arith.constant 0 : i32
      %scan3A_107 = arith.constant 0 : i32
      %scan3A_108 = arith.constant 128 : i32
      %scan3A_109 = arith.addi %scan3A_107, %scan3A_108 : i32
      %scan3A_110 = arith.constant 1 : i32
      scf.for %scan3A_119 = %scan3A_107 to %scan3A_109 step %scan3A_110  : i32 {
        %get3A = arith.constant 1 : i32
        %get3A_120 = arith.index_cast %get3A : i32 to index
        %get3A_121 = arith.index_cast %scan3A_119 : i32 to index
        %get3A_122 = arith.constant 0 : index
        %get3A_123 = tpu.vector_load %arg9[%get3A_120, %get3A_121, %get3A_122] {strides = array<i32>} : memref<2x128x64xi32, #tpu.memory_space<vmem>>, vector<1x1x16xi32>,
        %get3A_124 = vector.shape_cast %get3A_123 : vector<1x1x16xi32> to vector<16xi32>
        %shift_left3A = arith.constant 16 : i32
        %shift_left3A_125 = vector.broadcast %shift_left3A : i32 to vector<16xi32>
        %shift_left3A_126 = arith.shli %get3A_124, %shift_left3A_125 : vector<16xi32>
        %bitcast_convert_type3A = tpu.bitcast %shift_left3A_126 : vector<16xi32> -> vector<16xf32>
        %and3A = vector.broadcast %scan3A_26 : i32 to vector<16xi32>
        %and3A_127 = arith.andi %get3A_124, %and3A : vector<16xi32>
        %bitcast_convert_type3A_128 = tpu.bitcast %and3A_127 : vector<16xi32> -> vector<16xf32>
        %swap3A = arith.index_cast %scan3A_119 : i32 to index
        %swap3A_129 = arith.constant 0 : index
        %swap3A_130 = tpu.vector_load %arg10[%swap3A, %swap3A_129] {strides = array<i32>} : memref<128x128xf32, #tpu.memory_space<vmem>>, vector<1x16xf32>,
        %swap3A_131 = vector.shape_cast %swap3A_130 : vector<1x16xf32> to vector<16xf32>
        %swap3A_132 = vector.shape_cast %bitcast_convert_type3A : vector<16xf32> to vector<1x16xf32>
        tpu.vector_store %arg10[%swap3A, %swap3A_129], %swap3A_132 {strides = array<i32>} : memref<128x128xf32, #tpu.memory_space<vmem>>, vector<1x16xf32>,
        %swap3A_133 = arith.index_cast %scan3A_119 : i32 to index
        %swap3A_134 = arith.constant 16 : index
        %swap3A_135 = tpu.vector_load %arg10[%swap3A_133, %swap3A_134] {strides = array<i32>} : memref<128x128xf32, #tpu.memory_space<vmem>>, vector<1x16xf32>,
        %swap3A_136 = vector.shape_cast %swap3A_135 : vector<1x16xf32> to vector<16xf32>
        %swap3A_137 = vector.shape_cast %bitcast_convert_type3A_128 : vector<16xf32> to vector<1x16xf32>
        tpu.vector_store %arg10[%swap3A_133, %swap3A_134], %swap3A_137 {strides = array<i32>} : memref<128x128xf32, #tpu.memory_space<vmem>>, vector<1x16xf32>,
        %get3A_138 = arith.constant 1 : i32
        %get3A_139 = arith.index_cast %get3A_138 : i32 to index
        %get3A_140 = arith.index_cast %scan3A_119 : i32 to index
        %get3A_141 = arith.constant 16 : index
        %get3A_142 = tpu.vector_load %arg9[%get3A_139, %get3A_140, %get3A_141] {strides = array<i32>} : memref<2x128x64xi32, #tpu.memory_space<vmem>>, vector<1x1x16xi32>,
        %get3A_143 = vector.shape_cast %get3A_142 : vector<1x1x16xi32> to vector<16xi32>
        %shift_left3A_144 = arith.constant 16 : i32
        %shift_left3A_145 = vector.broadcast %shift_left3A_144 : i32 to vector<16xi32>
        %shift_left3A_146 = arith.shli %get3A_143, %shift_left3A_145 : vector<16xi32>
        %bitcast_convert_type3A_147 = tpu.bitcast %shift_left3A_146 : vector<16xi32> -> vector<16xf32>
        %and3A_148 = vector.broadcast %scan3A_26 : i32 to vector<16xi32>
        %and3A_149 = arith.andi %get3A_143, %and3A_148 : vector<16xi32>
        %bitcast_convert_type3A_150 = tpu.bitcast %and3A_149 : vector<16xi32> -> vector<16xf32>
        %swap3A_151 = arith.index_cast %scan3A_119 : i32 to index
        %swap3A_152 = arith.constant 32 : index
        %swap3A_153 = tpu.vector_load %arg10[%swap3A_151, %swap3A_152] {strides = array<i32>} : memref<128x128xf32, #tpu.memory_space<vmem>>, vector<1x16xf32>,
        %swap3A_154 = vector.shape_cast %swap3A_153 : vector<1x16xf32> to vector<16xf32>
        %swap3A_155 = vector.shape_cast %bitcast_convert_type3A_147 : vector<16xf32> to vector<1x16xf32>
        tpu.vector_store %arg10[%swap3A_151, %swap3A_152], %swap3A_155 {strides = array<i32>} : memref<128x128xf32, #tpu.memory_space<vmem>>, vector<1x16xf32>,
        %swap3A_156 = arith.index_cast %scan3A_119 : i32 to index
        %swap3A_157 = arith.constant 48 : index
        %swap3A_158 = tpu.vector_load %arg10[%swap3A_156, %swap3A_157] {strides = array<i32>} : memref<128x128xf32, #tpu.memory_space<vmem>>, vector<1x16xf32>,
        %swap3A_159 = vector.shape_cast %swap3A_158 : vector<1x16xf32> to vector<16xf32>
        %swap3A_160 = vector.shape_cast %bitcast_convert_type3A_150 : vector<16xf32> to vector<1x16xf32>
        tpu.vector_store %arg10[%swap3A_156, %swap3A_157], %swap3A_160 {strides = array<i32>} : memref<128x128xf32, #tpu.memory_space<vmem>>, vector<1x16xf32>,
        %get3A_161 = arith.constant 1 : i32
        %get3A_162 = arith.index_cast %get3A_161 : i32 to index
        %get3A_163 = arith.index_cast %scan3A_119 : i32 to index
        %get3A_164 = arith.constant 32 : index
        %get3A_165 = tpu.vector_load %arg9[%get3A_162, %get3A_163, %get3A_164] {strides = array<i32>} : memref<2x128x64xi32, #tpu.memory_space<vmem>>, vector<1x1x16xi32>,
        %get3A_166 = vector.shape_cast %get3A_165 : vector<1x1x16xi32> to vector<16xi32>
        %shift_left3A_167 = arith.constant 16 : i32
        %shift_left3A_168 = vector.broadcast %shift_left3A_167 : i32 to vector<16xi32>
        %shift_left3A_169 = arith.shli %get3A_166, %shift_left3A_168 : vector<16xi32>
        %bitcast_convert_type3A_170 = tpu.bitcast %shift_left3A_169 : vector<16xi32> -> vector<16xf32>
        %and3A_171 = vector.broadcast %scan3A_26 : i32 to vector<16xi32>
        %and3A_172 = arith.andi %get3A_166, %and3A_171 : vector<16xi32>
        %bitcast_convert_type3A_173 = tpu.bitcast %and3A_172 : vector<16xi32> -> vector<16xf32>
        %swap3A_174 = arith.index_cast %scan3A_119 : i32 to index
        %swap3A_175 = arith.constant 64 : index
        %swap3A_176 = tpu.vector_load %arg10[%swap3A_174, %swap3A_175] {strides = array<i32>} : memref<128x128xf32, #tpu.memory_space<vmem>>, vector<1x16xf32>,
        %swap3A_177 = vector.shape_cast %swap3A_176 : vector<1x16xf32> to vector<16xf32>
        %swap3A_178 = vector.shape_cast %bitcast_convert_type3A_170 : vector<16xf32> to vector<1x16xf32>
        tpu.vector_store %arg10[%swap3A_174, %swap3A_175], %swap3A_178 {strides = array<i32>} : memref<128x128xf32, #tpu.memory_space<vmem>>, vector<1x16xf32>,
        %swap3A_179 = arith.index_cast %scan3A_119 : i32 to index
        %swap3A_180 = arith.constant 80 : index
        %swap3A_181 = tpu.vector_load %arg10[%swap3A_179, %swap3A_180] {strides = array<i32>} : memref<128x128xf32, #tpu.memory_space<vmem>>, vector<1x16xf32>,
        %swap3A_182 = vector.shape_cast %swap3A_181 : vector<1x16xf32> to vector<16xf32>
        %swap3A_183 = vector.shape_cast %bitcast_convert_type3A_173 : vector<16xf32> to vector<1x16xf32>
        tpu.vector_store %arg10[%swap3A_179, %swap3A_180], %swap3A_183 {strides = array<i32>} : memref<128x128xf32, #tpu.memory_space<vmem>>, vector<1x16xf32>,
        %get3A_184 = arith.constant 1 : i32
        %get3A_185 = arith.index_cast %get3A_184 : i32 to index
        %get3A_186 = arith.index_cast %scan3A_119 : i32 to index
        %get3A_187 = arith.constant 48 : index
        %get3A_188 = tpu.vector_load %arg9[%get3A_185, %get3A_186, %get3A_187] {strides = array<i32>} : memref<2x128x64xi32, #tpu.memory_space<vmem>>, vector<1x1x16xi32>,
        %get3A_189 = vector.shape_cast %get3A_188 : vector<1x1x16xi32> to vector<16xi32>
        %shift_left3A_190 = arith.constant 16 : i32
        %shift_left3A_191 = vector.broadcast %shift_left3A_190 : i32 to vector<16xi32>
        %shift_left3A_192 = arith.shli %get3A_189, %shift_left3A_191 : vector<16xi32>
        %bitcast_convert_type3A_193 = tpu.bitcast %shift_left3A_192 : vector<16xi32> -> vector<16xf32>
        %and3A_194 = vector.broadcast %scan3A_26 : i32 to vector<16xi32>
        %and3A_195 = arith.andi %get3A_189, %and3A_194 : vector<16xi32>
        %bitcast_convert_type3A_196 = tpu.bitcast %and3A_195 : vector<16xi32> -> vector<16xf32>
        %swap3A_197 = arith.index_cast %scan3A_119 : i32 to index
        %swap3A_198 = arith.constant 96 : index
        %swap3A_199 = tpu.vector_load %arg10[%swap3A_197, %swap3A_198] {strides = array<i32>} : memref<128x128xf32, #tpu.memory_space<vmem>>, vector<1x16xf32>,
        %swap3A_200 = vector.shape_cast %swap3A_199 : vector<1x16xf32> to vector<16xf32>
        %swap3A_201 = vector.shape_cast %bitcast_convert_type3A_193 : vector<16xf32> to vector<1x16xf32>
        tpu.vector_store %arg10[%swap3A_197, %swap3A_198], %swap3A_201 {strides = array<i32>} : memref<128x128xf32, #tpu.memory_space<vmem>>, vector<1x16xf32>,
        %swap3A_202 = arith.index_cast %scan3A_119 : i32 to index
        %swap3A_203 = arith.constant 112 : index
        %swap3A_204 = tpu.vector_load %arg10[%swap3A_202, %swap3A_203] {strides = array<i32>} : memref<128x128xf32, #tpu.memory_space<vmem>>, vector<1x16xf32>,
        %swap3A_205 = vector.shape_cast %swap3A_204 : vector<1x16xf32> to vector<16xf32>
        %swap3A_206 = vector.shape_cast %bitcast_convert_type3A_196 : vector<16xf32> to vector<1x16xf32>
        tpu.vector_store %arg10[%swap3A_202, %swap3A_203], %swap3A_206 {strides = array<i32>} : memref<128x128xf32, #tpu.memory_space<vmem>>, vector<1x16xf32>,
      }
      %scan3A_111 = arith.constant 128 : i32
      "tpu.region"() ({
        %run_scoped3A = tpu.sem_alloc : memref<!tpu.dma_semaphore, #tpu.memory_space<semaphore_mem>>
        %dma_start3A_119 = arith.constant 0 : i32
        %dma_start3A_120 = tpu.memref_slice %arg8[%add3A_93, %dma_start3A_119] : memref<40x128xi32, #tpu.memory_space<vmem>> -> memref<1x128xi32, #tpu.memory_space<vmem>>
        %dma_start3A_121 = tpu.memref_squeeze %dma_start3A_120 : memref<1x128xi32, #tpu.memory_space<vmem>> -> memref<128xi32, #tpu.memory_space<vmem>>
        %dma_start3A_122 = arith.constant 0 : i32
        %dma_start3A_123 = arith.constant 0 : i32
        %dma_start3A_124 = tpu.memref_slice %arg11[%dma_start3A_122, %dma_start3A_123] : memref<10240x128xf32, #tpu.memory_space<vmem_shared>> -> memref<10240x128xf32, #tpu.memory_space<vmem_shared>>
        tpu.enqueue_indirect_dma source(%arg10 : memref<128x128xf32, #tpu.memory_space<vmem>>) target(%dma_start3A_124 : memref<10240x128xf32, #tpu.memory_space<vmem_shared>>) offsets(%dma_start3A_121 : memref<128xi32, #tpu.memory_space<vmem>>) semaphore(%run_scoped3A : memref<!tpu.dma_semaphore, #tpu.memory_space<semaphore_mem>>) {add = true}
        %dma_wait3A_125 = arith.constant 0 : i32
        %dma_wait3A_126 = tpu.memref_slice %arg8[%add3A_93, %dma_wait3A_125] : memref<40x128xi32, #tpu.memory_space<vmem>> -> memref<1x128xi32, #tpu.memory_space<vmem>>
        %dma_wait3A_127 = tpu.memref_squeeze %dma_wait3A_126 : memref<1x128xi32, #tpu.memory_space<vmem>> -> memref<128xi32, #tpu.memory_space<vmem>>
        %dma_wait3A_128 = arith.constant 0 : i32
        %dma_wait3A_129 = arith.constant 0 : i32
        %dma_wait3A_130 = tpu.memref_slice %arg11[%dma_wait3A_128, %dma_wait3A_129] : memref<10240x128xf32, #tpu.memory_space<vmem_shared>> -> memref<10240x128xf32, #tpu.memory_space<vmem_shared>>
        tpu.wait_indirect_dma semaphore(%run_scoped3A : memref<!tpu.dma_semaphore, #tpu.memory_space<semaphore_mem>>) src(%arg10 : memref<128x128xf32, #tpu.memory_space<vmem>>) dst(%dma_wait3A_130 : memref<10240x128xf32, #tpu.memory_space<vmem_shared>>)
        tpu.yield
      }) : () -> ()
      %add3A_112 = arith.constant 2 : i32
      %add3A_113 = arith.addi %add3A_93, %add3A_112 : i32
      %lt3A_114 = arith.constant 40 : i32
      %lt3A_115 = arith.cmpi slt, %add3A_113, %lt3A_114 : i32
      %convert_element_type3A_116 = arith.extui %lt3A_115 : i1 to i32
      %cond3A_117 = arith.constant 0 : i32
      %cond3A_118 = arith.cmpi ne, %convert_element_type3A_116, %cond3A_117 : i32
      scf.if %cond3A_118 {
        %add3A_119 = arith.constant 2 : i32
        %add3A_120 = arith.addi %add3A_93, %add3A_119 : i32
        %dma_start3A_121 = arith.constant 1 : i32
        %dma_start3A_122 = arith.constant 0 : i32
        %dma_start3A_123 = arith.constant 0 : i32
        %dma_start3A_124 = tpu.memref_slice %arg9[%dma_start3A_121, %dma_start3A_122, %dma_start3A_123] : memref<2x128x64xi32, #tpu.memory_space<vmem>> -> memref<1x128x64xi32, #tpu.memory_space<vmem>>
        %dma_start3A_125 = tpu.memref_squeeze %dma_start3A_124 : memref<1x128x64xi32, #tpu.memory_space<vmem>> -> memref<128x64xi32, #tpu.memory_space<vmem>>
        %dma_start3A_126 = arith.constant 0 : i32
        %dma_start3A_127 = tpu.memref_slice %arg7[%add3A_120, %dma_start3A_126] : memref<40x128xi32, #tpu.memory_space<vmem>> -> memref<1x128xi32, #tpu.memory_space<vmem>>
        %dma_start3A_128 = tpu.memref_squeeze %dma_start3A_127 : memref<1x128xi32, #tpu.memory_space<vmem>> -> memref<128xi32, #tpu.memory_space<vmem>>
        %dma_start3A_129 = arith.constant 0 : i32
        %dma_start3A_130 = arith.constant 0 : i32
        %dma_start3A_131 = tpu.memref_slice %arg2[%dma_start3A_129, %dma_start3A_130] : memref<10000x64xi32, #tpu.memory_space<hbm>> -> memref<10000x64xi32, #tpu.memory_space<hbm>>
        tpu.enqueue_indirect_dma source(%dma_start3A_131 : memref<10000x64xi32, #tpu.memory_space<hbm>>) target(%dma_start3A_125 : memref<128x64xi32, #tpu.memory_space<vmem>>) offsets(%dma_start3A_128 : memref<128xi32, #tpu.memory_space<vmem>>) semaphore(%arg13 : memref<!tpu.dma_semaphore, #tpu.memory_space<semaphore_mem>>)
      } else {
      }
    }
    %scan3A_31 = arith.constant 20 : i32
    "tpu.region"() ({
      %run_scoped3A = tpu.sem_alloc : memref<!tpu.dma_semaphore, #tpu.memory_space<semaphore_mem>>
      %dma_start3A_64 = arith.constant 40 : i32
      %dma_start3A_65 = arith.constant 0 : i32
      %dma_start3A_66 = tpu.memref_slice %arg3[%add3A, %dma_start3A_64, %dma_start3A_65] : memref<32x80x128xi32, #tpu.memory_space<hbm>> -> memref<1x40x128xi32, #tpu.memory_space<hbm>>
      %dma_start3A_67 = tpu.memref_squeeze %dma_start3A_66 : memref<1x40x128xi32, #tpu.memory_space<hbm>> -> memref<40x128xi32, #tpu.memory_space<hbm>>
      %dma_start3A_68 = arith.constant 40 : i32
      %dma_start3A_69 = arith.constant 0 : i32
      %dma_start3A_70 = tpu.memref_slice %arg3[%add3A, %dma_start3A_68, %dma_start3A_69] : memref<32x80x128xi32, #tpu.memory_space<hbm>> -> memref<1x40x128xi32, #tpu.memory_space<hbm>>
      %dma_start3A_71 = tpu.memref_squeeze %dma_start3A_70 : memref<1x40x128xi32, #tpu.memory_space<hbm>> -> memref<40x128xi32, #tpu.memory_space<hbm>>
      tpu.enqueue_dma source(%dma_start3A_71 : memref<40x128xi32, #tpu.memory_space<hbm>>) target(%arg7 : memref<40x128xi32, #tpu.memory_space<vmem>>) target_semaphore(%run_scoped3A : memref<!tpu.dma_semaphore, #tpu.memory_space<semaphore_mem>>)
      %dma_wait3A = arith.constant 40 : i32
      %dma_wait3A_72 = arith.constant 0 : i32
      %dma_wait3A_73 = tpu.memref_slice %arg3[%add3A, %dma_wait3A, %dma_wait3A_72] : memref<32x80x128xi32, #tpu.memory_space<hbm>> -> memref<1x40x128xi32, #tpu.memory_space<hbm>>
      %dma_wait3A_74 = tpu.memref_squeeze %dma_wait3A_73 : memref<1x40x128xi32, #tpu.memory_space<hbm>> -> memref<40x128xi32, #tpu.memory_space<hbm>>
      %dma_wait3A_75 = arith.constant 40 : i32
      %dma_wait3A_76 = arith.constant 0 : i32
      %dma_wait3A_77 = tpu.memref_slice %arg3[%add3A, %dma_wait3A_75, %dma_wait3A_76] : memref<32x80x128xi32, #tpu.memory_space<hbm>> -> memref<1x40x128xi32, #tpu.memory_space<hbm>>
      %dma_wait3A_78 = tpu.memref_squeeze %dma_wait3A_77 : memref<1x40x128xi32, #tpu.memory_space<hbm>> -> memref<40x128xi32, #tpu.memory_space<hbm>>
      tpu.wait_dma2 semaphore(%run_scoped3A : memref<!tpu.dma_semaphore, #tpu.memory_space<semaphore_mem>>) src(%dma_wait3A_78 : memref<40x128xi32, #tpu.memory_space<hbm>>) dst(%arg7 : memref<40x128xi32, #tpu.memory_space<vmem>>)
      tpu.yield
    }) : () -> ()
    "tpu.region"() ({
      %run_scoped3A = tpu.sem_alloc : memref<!tpu.dma_semaphore, #tpu.memory_space<semaphore_mem>>
      %dma_start3A_64 = arith.constant 40 : i32
      %dma_start3A_65 = arith.constant 0 : i32
      %dma_start3A_66 = tpu.memref_slice %arg4[%add3A, %dma_start3A_64, %dma_start3A_65] : memref<32x80x128xi32, #tpu.memory_space<hbm>> -> memref<1x40x128xi32, #tpu.memory_space<hbm>>
      %dma_start3A_67 = tpu.memref_squeeze %dma_start3A_66 : memref<1x40x128xi32, #tpu.memory_space<hbm>> -> memref<40x128xi32, #tpu.memory_space<hbm>>
      %dma_start3A_68 = arith.constant 40 : i32
      %dma_start3A_69 = arith.constant 0 : i32
      %dma_start3A_70 = tpu.memref_slice %arg4[%add3A, %dma_start3A_68, %dma_start3A_69] : memref<32x80x128xi32, #tpu.memory_space<hbm>> -> memref<1x40x128xi32, #tpu.memory_space<hbm>>
      %dma_start3A_71 = tpu.memref_squeeze %dma_start3A_70 : memref<1x40x128xi32, #tpu.memory_space<hbm>> -> memref<40x128xi32, #tpu.memory_space<hbm>>
      tpu.enqueue_dma source(%dma_start3A_71 : memref<40x128xi32, #tpu.memory_space<hbm>>) target(%arg8 : memref<40x128xi32, #tpu.memory_space<vmem>>) target_semaphore(%run_scoped3A : memref<!tpu.dma_semaphore, #tpu.memory_space<semaphore_mem>>)
      %dma_wait3A = arith.constant 40 : i32
      %dma_wait3A_72 = arith.constant 0 : i32
      %dma_wait3A_73 = tpu.memref_slice %arg4[%add3A, %dma_wait3A, %dma_wait3A_72] : memref<32x80x128xi32, #tpu.memory_space<hbm>> -> memref<1x40x128xi32, #tpu.memory_space<hbm>>
      %dma_wait3A_74 = tpu.memref_squeeze %dma_wait3A_73 : memref<1x40x128xi32, #tpu.memory_space<hbm>> -> memref<40x128xi32, #tpu.memory_space<hbm>>
      %dma_wait3A_75 = arith.constant 40 : i32
      %dma_wait3A_76 = arith.constant 0 : i32
      %dma_wait3A_77 = tpu.memref_slice %arg4[%add3A, %dma_wait3A_75, %dma_wait3A_76] : memref<32x80x128xi32, #tpu.memory_space<hbm>> -> memref<1x40x128xi32, #tpu.memory_space<hbm>>
      %dma_wait3A_78 = tpu.memref_squeeze %dma_wait3A_77 : memref<1x40x128xi32, #tpu.memory_space<hbm>> -> memref<40x128xi32, #tpu.memory_space<hbm>>
      tpu.wait_dma2 semaphore(%run_scoped3A : memref<!tpu.dma_semaphore, #tpu.memory_space<semaphore_mem>>) src(%dma_wait3A_78 : memref<40x128xi32, #tpu.memory_space<hbm>>) dst(%arg8 : memref<40x128xi32, #tpu.memory_space<vmem>>)
      tpu.yield
    }) : () -> ()
    %dma_start3A_32 = arith.constant 0 : i32
    %dma_start3A_33 = arith.constant 0 : i32
    %dma_start3A_34 = arith.constant 0 : i32
    %dma_start3A_35 = arith.constant 0 : i32
    %dma_start3A_36 = tpu.memref_slice %arg9[%dma_start3A_33, %dma_start3A_34, %dma_start3A_35] : memref<2x128x64xi32, #tpu.memory_space<vmem>> -> memref<1x128x64xi32, #tpu.memory_space<vmem>>
    %dma_start3A_37 = tpu.memref_squeeze %dma_start3A_36 : memref<1x128x64xi32, #tpu.memory_space<vmem>> -> memref<128x64xi32, #tpu.memory_space<vmem>>
    %dma_start3A_38 = arith.constant 0 : i32
    %dma_start3A_39 = tpu.memref_slice %arg7[%dma_start3A_32, %dma_start3A_38] : memref<40x128xi32, #tpu.memory_space<vmem>> -> memref<1x128xi32, #tpu.memory_space<vmem>>
    %dma_start3A_40 = tpu.memref_squeeze %dma_start3A_39 : memref<1x128xi32, #tpu.memory_space<vmem>> -> memref<128xi32, #tpu.memory_space<vmem>>
    %dma_start3A_41 = arith.constant 0 : i32
    %dma_start3A_42 = arith.constant 0 : i32
    %dma_start3A_43 = tpu.memref_slice %arg2[%dma_start3A_41, %dma_start3A_42] : memref<10000x64xi32, #tpu.memory_space<hbm>> -> memref<10000x64xi32, #tpu.memory_space<hbm>>
    tpu.enqueue_indirect_dma source(%dma_start3A_43 : memref<10000x64xi32, #tpu.memory_space<hbm>>) target(%dma_start3A_37 : memref<128x64xi32, #tpu.memory_space<vmem>>) offsets(%dma_start3A_40 : memref<128xi32, #tpu.memory_space<vmem>>) semaphore(%arg12 : memref<!tpu.dma_semaphore, #tpu.memory_space<semaphore_mem>>)
    %dma_start3A_44 = arith.constant 1 : i32
    %dma_start3A_45 = arith.constant 1 : i32
    %dma_start3A_46 = arith.constant 0 : i32
    %dma_start3A_47 = arith.constant 0 : i32
    %dma_start3A_48 = tpu.memref_slice %arg9[%dma_start3A_45, %dma_start3A_46, %dma_start3A_47] : memref<2x128x64xi32, #tpu.memory_space<vmem>> -> memref<1x128x64xi32, #tpu.memory_space<vmem>>
    %dma_start3A_49 = tpu.memref_squeeze %dma_start3A_48 : memref<1x128x64xi32, #tpu.memory_space<vmem>> -> memref<128x64xi32, #tpu.memory_space<vmem>>
    %dma_start3A_50 = arith.constant 0 : i32
    %dma_start3A_51 = tpu.memref_slice %arg7[%dma_start3A_44, %dma_start3A_50] : memref<40x128xi32, #tpu.memory_space<vmem>> -> memref<1x128xi32, #tpu.memory_space<vmem>>
    %dma_start3A_52 = tpu.memref_squeeze %dma_start3A_51 : memref<1x128xi32, #tpu.memory_space<vmem>> -> memref<128xi32, #tpu.memory_space<vmem>>
    %dma_start3A_53 = arith.constant 0 : i32
    %dma_start3A_54 = arith.constant 0 : i32
    %dma_start3A_55 = tpu.memref_slice %arg2[%dma_start3A_53, %dma_start3A_54] : memref<10000x64xi32, #tpu.memory_space<hbm>> -> memref<10000x64xi32, #tpu.memory_space<hbm>>
    tpu.enqueue_indirect_dma source(%dma_start3A_55 : memref<10000x64xi32, #tpu.memory_space<hbm>>) target(%dma_start3A_49 : memref<128x64xi32, #tpu.memory_space<vmem>>) offsets(%dma_start3A_52 : memref<128xi32, #tpu.memory_space<vmem>>) semaphore(%arg13 : memref<!tpu.dma_semaphore, #tpu.memory_space<semaphore_mem>>)
    %scan3A_56 = arith.constant 0 : i32
    %scan3A_57 = arith.constant -65536 : i32
    %scan3A_58 = arith.constant 0 : i32
    %scan3A_59 = arith.constant 20 : i32
    %scan3A_60 = arith.addi %scan3A_58, %scan3A_59 : i32
    %scan3A_61 = arith.constant 1 : i32
    scf.for %scan3A_64 = %scan3A_58 to %scan3A_60 step %scan3A_61  : i32 {
      %mul3A_65 = arith.constant 2 : i32
      %mul3A_66 = arith.muli %scan3A_64, %mul3A_65 : i32
      %add3A_67 = arith.constant 0 : i32
      %add3A_68 = arith.addi %mul3A_66, %add3A_67 : i32
      %dma_wait3A = arith.constant 0 : i32
      %dma_wait3A_69 = arith.constant 0 : i32
      %dma_wait3A_70 = arith.constant 0 : i32
      %dma_wait3A_71 = arith.constant 0 : i32
      %dma_wait3A_72 = tpu.memref_slice %arg9[%dma_wait3A_69, %dma_wait3A_70, %dma_wait3A_71] : memref<2x128x64xi32, #tpu.memory_space<vmem>> -> memref<1x128x64xi32, #tpu.memory_space<vmem>>
      %dma_wait3A_73 = tpu.memref_squeeze %dma_wait3A_72 : memref<1x128x64xi32, #tpu.memory_space<vmem>> -> memref<128x64xi32, #tpu.memory_space<vmem>>
      %dma_wait3A_74 = arith.constant 0 : i32
      %dma_wait3A_75 = tpu.memref_slice %arg7[%dma_wait3A, %dma_wait3A_74] : memref<40x128xi32, #tpu.memory_space<vmem>> -> memref<1x128xi32, #tpu.memory_space<vmem>>
      %dma_wait3A_76 = tpu.memref_squeeze %dma_wait3A_75 : memref<1x128xi32, #tpu.memory_space<vmem>> -> memref<128xi32, #tpu.memory_space<vmem>>
      %dma_wait3A_77 = arith.constant 0 : i32
      %dma_wait3A_78 = arith.constant 0 : i32
      %dma_wait3A_79 = tpu.memref_slice %arg2[%dma_wait3A_77, %dma_wait3A_78] : memref<10000x64xi32, #tpu.memory_space<hbm>> -> memref<10000x64xi32, #tpu.memory_space<hbm>>
      tpu.wait_indirect_dma semaphore(%arg12 : memref<!tpu.dma_semaphore, #tpu.memory_space<semaphore_mem>>) src(%dma_wait3A_79 : memref<10000x64xi32, #tpu.memory_space<hbm>>) dst(%dma_wait3A_73 : memref<128x64xi32, #tpu.memory_space<vmem>>)
      %scan3A_80 = arith.constant 0 : i32
      %scan3A_81 = arith.constant 0 : i32
      %scan3A_82 = arith.constant 128 : i32
      %scan3A_83 = arith.addi %scan3A_81, %scan3A_82 : i32
      %scan3A_84 = arith.constant 1 : i32
      scf.for %scan3A_119 = %scan3A_81 to %scan3A_83 step %scan3A_84  : i32 {
        %get3A = arith.constant 0 : i32
        %get3A_120 = arith.index_cast %get3A : i32 to index
        %get3A_121 = arith.index_cast %scan3A_119 : i32 to index
        %get3A_122 = arith.constant 0 : index
        %get3A_123 = tpu.vector_load %arg9[%get3A_120, %get3A_121, %get3A_122] {strides = array<i32>} : memref<2x128x64xi32, #tpu.memory_space<vmem>>, vector<1x1x16xi32>,
        %get3A_124 = vector.shape_cast %get3A_123 : vector<1x1x16xi32> to vector<16xi32>
        %shift_left3A = arith.constant 16 : i32
        %shift_left3A_125 = vector.broadcast %shift_left3A : i32 to vector<16xi32>
        %shift_left3A_126 = arith.shli %get3A_124, %shift_left3A_125 : vector<16xi32>
        %bitcast_convert_type3A = tpu.bitcast %shift_left3A_126 : vector<16xi32> -> vector<16xf32>
        %and3A = vector.broadcast %scan3A_57 : i32 to vector<16xi32>
        %and3A_127 = arith.andi %get3A_124, %and3A : vector<16xi32>
        %bitcast_convert_type3A_128 = tpu.bitcast %and3A_127 : vector<16xi32> -> vector<16xf32>
        %swap3A = arith.index_cast %scan3A_119 : i32 to index
        %swap3A_129 = arith.constant 0 : index
        %swap3A_130 = tpu.vector_load %arg10[%swap3A, %swap3A_129] {strides = array<i32>} : memref<128x128xf32, #tpu.memory_space<vmem>>, vector<1x16xf32>,
        %swap3A_131 = vector.shape_cast %swap3A_130 : vector<1x16xf32> to vector<16xf32>
        %swap3A_132 = vector.shape_cast %bitcast_convert_type3A : vector<16xf32> to vector<1x16xf32>
        tpu.vector_store %arg10[%swap3A, %swap3A_129], %swap3A_132 {strides = array<i32>} : memref<128x128xf32, #tpu.memory_space<vmem>>, vector<1x16xf32>,
        %swap3A_133 = arith.index_cast %scan3A_119 : i32 to index
        %swap3A_134 = arith.constant 16 : index
        %swap3A_135 = tpu.vector_load %arg10[%swap3A_133, %swap3A_134] {strides = array<i32>} : memref<128x128xf32, #tpu.memory_space<vmem>>, vector<1x16xf32>,
        %swap3A_136 = vector.shape_cast %swap3A_135 : vector<1x16xf32> to vector<16xf32>
        %swap3A_137 = vector.shape_cast %bitcast_convert_type3A_128 : vector<16xf32> to vector<1x16xf32>
        tpu.vector_store %arg10[%swap3A_133, %swap3A_134], %swap3A_137 {strides = array<i32>} : memref<128x128xf32, #tpu.memory_space<vmem>>, vector<1x16xf32>,
        %get3A_138 = arith.constant 0 : i32
        %get3A_139 = arith.index_cast %get3A_138 : i32 to index
        %get3A_140 = arith.index_cast %scan3A_119 : i32 to index
        %get3A_141 = arith.constant 16 : index
        %get3A_142 = tpu.vector_load %arg9[%get3A_139, %get3A_140, %get3A_141] {strides = array<i32>} : memref<2x128x64xi32, #tpu.memory_space<vmem>>, vector<1x1x16xi32>,
        %get3A_143 = vector.shape_cast %get3A_142 : vector<1x1x16xi32> to vector<16xi32>
        %shift_left3A_144 = arith.constant 16 : i32
        %shift_left3A_145 = vector.broadcast %shift_left3A_144 : i32 to vector<16xi32>
        %shift_left3A_146 = arith.shli %get3A_143, %shift_left3A_145 : vector<16xi32>
        %bitcast_convert_type3A_147 = tpu.bitcast %shift_left3A_146 : vector<16xi32> -> vector<16xf32>
        %and3A_148 = vector.broadcast %scan3A_57 : i32 to vector<16xi32>
        %and3A_149 = arith.andi %get3A_143, %and3A_148 : vector<16xi32>
        %bitcast_convert_type3A_150 = tpu.bitcast %and3A_149 : vector<16xi32> -> vector<16xf32>
        %swap3A_151 = arith.index_cast %scan3A_119 : i32 to index
        %swap3A_152 = arith.constant 32 : index
        %swap3A_153 = tpu.vector_load %arg10[%swap3A_151, %swap3A_152] {strides = array<i32>} : memref<128x128xf32, #tpu.memory_space<vmem>>, vector<1x16xf32>,
        %swap3A_154 = vector.shape_cast %swap3A_153 : vector<1x16xf32> to vector<16xf32>
        %swap3A_155 = vector.shape_cast %bitcast_convert_type3A_147 : vector<16xf32> to vector<1x16xf32>
        tpu.vector_store %arg10[%swap3A_151, %swap3A_152], %swap3A_155 {strides = array<i32>} : memref<128x128xf32, #tpu.memory_space<vmem>>, vector<1x16xf32>,
        %swap3A_156 = arith.index_cast %scan3A_119 : i32 to index
        %swap3A_157 = arith.constant 48 : index
        %swap3A_158 = tpu.vector_load %arg10[%swap3A_156, %swap3A_157] {strides = array<i32>} : memref<128x128xf32, #tpu.memory_space<vmem>>, vector<1x16xf32>,
        %swap3A_159 = vector.shape_cast %swap3A_158 : vector<1x16xf32> to vector<16xf32>
        %swap3A_160 = vector.shape_cast %bitcast_convert_type3A_150 : vector<16xf32> to vector<1x16xf32>
        tpu.vector_store %arg10[%swap3A_156, %swap3A_157], %swap3A_160 {strides = array<i32>} : memref<128x128xf32, #tpu.memory_space<vmem>>, vector<1x16xf32>,
        %get3A_161 = arith.constant 0 : i32
        %get3A_162 = arith.index_cast %get3A_161 : i32 to index
        %get3A_163 = arith.index_cast %scan3A_119 : i32 to index
        %get3A_164 = arith.constant 32 : index
        %get3A_165 = tpu.vector_load %arg9[%get3A_162, %get3A_163, %get3A_164] {strides = array<i32>} : memref<2x128x64xi32, #tpu.memory_space<vmem>>, vector<1x1x16xi32>,
        %get3A_166 = vector.shape_cast %get3A_165 : vector<1x1x16xi32> to vector<16xi32>
        %shift_left3A_167 = arith.constant 16 : i32
        %shift_left3A_168 = vector.broadcast %shift_left3A_167 : i32 to vector<16xi32>
        %shift_left3A_169 = arith.shli %get3A_166, %shift_left3A_168 : vector<16xi32>
        %bitcast_convert_type3A_170 = tpu.bitcast %shift_left3A_169 : vector<16xi32> -> vector<16xf32>
        %and3A_171 = vector.broadcast %scan3A_57 : i32 to vector<16xi32>
        %and3A_172 = arith.andi %get3A_166, %and3A_171 : vector<16xi32>
        %bitcast_convert_type3A_173 = tpu.bitcast %and3A_172 : vector<16xi32> -> vector<16xf32>
        %swap3A_174 = arith.index_cast %scan3A_119 : i32 to index
        %swap3A_175 = arith.constant 64 : index
        %swap3A_176 = tpu.vector_load %arg10[%swap3A_174, %swap3A_175] {strides = array<i32>} : memref<128x128xf32, #tpu.memory_space<vmem>>, vector<1x16xf32>,
        %swap3A_177 = vector.shape_cast %swap3A_176 : vector<1x16xf32> to vector<16xf32>
        %swap3A_178 = vector.shape_cast %bitcast_convert_type3A_170 : vector<16xf32> to vector<1x16xf32>
        tpu.vector_store %arg10[%swap3A_174, %swap3A_175], %swap3A_178 {strides = array<i32>} : memref<128x128xf32, #tpu.memory_space<vmem>>, vector<1x16xf32>,
        %swap3A_179 = arith.index_cast %scan3A_119 : i32 to index
        %swap3A_180 = arith.constant 80 : index
        %swap3A_181 = tpu.vector_load %arg10[%swap3A_179, %swap3A_180] {strides = array<i32>} : memref<128x128xf32, #tpu.memory_space<vmem>>, vector<1x16xf32>,
        %swap3A_182 = vector.shape_cast %swap3A_181 : vector<1x16xf32> to vector<16xf32>
        %swap3A_183 = vector.shape_cast %bitcast_convert_type3A_173 : vector<16xf32> to vector<1x16xf32>
        tpu.vector_store %arg10[%swap3A_179, %swap3A_180], %swap3A_183 {strides = array<i32>} : memref<128x128xf32, #tpu.memory_space<vmem>>, vector<1x16xf32>,
        %get3A_184 = arith.constant 0 : i32
        %get3A_185 = arith.index_cast %get3A_184 : i32 to index
        %get3A_186 = arith.index_cast %scan3A_119 : i32 to index
        %get3A_187 = arith.constant 48 : index
        %get3A_188 = tpu.vector_load %arg9[%get3A_185, %get3A_186, %get3A_187] {strides = array<i32>} : memref<2x128x64xi32, #tpu.memory_space<vmem>>, vector<1x1x16xi32>,
        %get3A_189 = vector.shape_cast %get3A_188 : vector<1x1x16xi32> to vector<16xi32>
        %shift_left3A_190 = arith.constant 16 : i32
        %shift_left3A_191 = vector.broadcast %shift_left3A_190 : i32 to vector<16xi32>
        %shift_left3A_192 = arith.shli %get3A_189, %shift_left3A_191 : vector<16xi32>
        %bitcast_convert_type3A_193 = tpu.bitcast %shift_left3A_192 : vector<16xi32> -> vector<16xf32>
        %and3A_194 = vector.broadcast %scan3A_57 : i32 to vector<16xi32>
        %and3A_195 = arith.andi %get3A_189, %and3A_194 : vector<16xi32>
        %bitcast_convert_type3A_196 = tpu.bitcast %and3A_195 : vector<16xi32> -> vector<16xf32>
        %swap3A_197 = arith.index_cast %scan3A_119 : i32 to index
        %swap3A_198 = arith.constant 96 : index
        %swap3A_199 = tpu.vector_load %arg10[%swap3A_197, %swap3A_198] {strides = array<i32>} : memref<128x128xf32, #tpu.memory_space<vmem>>, vector<1x16xf32>,
        %swap3A_200 = vector.shape_cast %swap3A_199 : vector<1x16xf32> to vector<16xf32>
        %swap3A_201 = vector.shape_cast %bitcast_convert_type3A_193 : vector<16xf32> to vector<1x16xf32>
        tpu.vector_store %arg10[%swap3A_197, %swap3A_198], %swap3A_201 {strides = array<i32>} : memref<128x128xf32, #tpu.memory_space<vmem>>, vector<1x16xf32>,
        %swap3A_202 = arith.index_cast %scan3A_119 : i32 to index
        %swap3A_203 = arith.constant 112 : index
        %swap3A_204 = tpu.vector_load %arg10[%swap3A_202, %swap3A_203] {strides = array<i32>} : memref<128x128xf32, #tpu.memory_space<vmem>>, vector<1x16xf32>,
        %swap3A_205 = vector.shape_cast %swap3A_204 : vector<1x16xf32> to vector<16xf32>
        %swap3A_206 = vector.shape_cast %bitcast_convert_type3A_196 : vector<16xf32> to vector<1x16xf32>
        tpu.vector_store %arg10[%swap3A_202, %swap3A_203], %swap3A_206 {strides = array<i32>} : memref<128x128xf32, #tpu.memory_space<vmem>>, vector<1x16xf32>,
      }
      %scan3A_85 = arith.constant 128 : i32
      "tpu.region"() ({
        %run_scoped3A = tpu.sem_alloc : memref<!tpu.dma_semaphore, #tpu.memory_space<semaphore_mem>>
        %dma_start3A_119 = arith.constant 0 : i32
        %dma_start3A_120 = tpu.memref_slice %arg8[%add3A_68, %dma_start3A_119] : memref<40x128xi32, #tpu.memory_space<vmem>> -> memref<1x128xi32, #tpu.memory_space<vmem>>
        %dma_start3A_121 = tpu.memref_squeeze %dma_start3A_120 : memref<1x128xi32, #tpu.memory_space<vmem>> -> memref<128xi32, #tpu.memory_space<vmem>>
        %dma_start3A_122 = arith.constant 0 : i32
        %dma_start3A_123 = arith.constant 0 : i32
        %dma_start3A_124 = tpu.memref_slice %arg11[%dma_start3A_122, %dma_start3A_123] : memref<10240x128xf32, #tpu.memory_space<vmem_shared>> -> memref<10240x128xf32, #tpu.memory_space<vmem_shared>>
        tpu.enqueue_indirect_dma source(%arg10 : memref<128x128xf32, #tpu.memory_space<vmem>>) target(%dma_start3A_124 : memref<10240x128xf32, #tpu.memory_space<vmem_shared>>) offsets(%dma_start3A_121 : memref<128xi32, #tpu.memory_space<vmem>>) semaphore(%run_scoped3A : memref<!tpu.dma_semaphore, #tpu.memory_space<semaphore_mem>>) {add = true}
        %dma_wait3A_125 = arith.constant 0 : i32
        %dma_wait3A_126 = tpu.memref_slice %arg8[%add3A_68, %dma_wait3A_125] : memref<40x128xi32, #tpu.memory_space<vmem>> -> memref<1x128xi32, #tpu.memory_space<vmem>>
        %dma_wait3A_127 = tpu.memref_squeeze %dma_wait3A_126 : memref<1x128xi32, #tpu.memory_space<vmem>> -> memref<128xi32, #tpu.memory_space<vmem>>
        %dma_wait3A_128 = arith.constant 0 : i32
        %dma_wait3A_129 = arith.constant 0 : i32
        %dma_wait3A_130 = tpu.memref_slice %arg11[%dma_wait3A_128, %dma_wait3A_129] : memref<10240x128xf32, #tpu.memory_space<vmem_shared>> -> memref<10240x128xf32, #tpu.memory_space<vmem_shared>>
        tpu.wait_indirect_dma semaphore(%run_scoped3A : memref<!tpu.dma_semaphore, #tpu.memory_space<semaphore_mem>>) src(%arg10 : memref<128x128xf32, #tpu.memory_space<vmem>>) dst(%dma_wait3A_130 : memref<10240x128xf32, #tpu.memory_space<vmem_shared>>)
        tpu.yield
      }) : () -> ()
      %add3A_86 = arith.constant 2 : i32
      %add3A_87 = arith.addi %add3A_68, %add3A_86 : i32
      %lt3A = arith.constant 40 : i32
      %lt3A_88 = arith.cmpi slt, %add3A_87, %lt3A : i32
      %convert_element_type3A = arith.extui %lt3A_88 : i1 to i32
      %cond3A = arith.constant 0 : i32
      %cond3A_89 = arith.cmpi ne, %convert_element_type3A, %cond3A : i32
      scf.if %cond3A_89 {
        %add3A_119 = arith.constant 2 : i32
        %add3A_120 = arith.addi %add3A_68, %add3A_119 : i32
        %dma_start3A_121 = arith.constant 0 : i32
        %dma_start3A_122 = arith.constant 0 : i32
        %dma_start3A_123 = arith.constant 0 : i32
        %dma_start3A_124 = tpu.memref_slice %arg9[%dma_start3A_121, %dma_start3A_122, %dma_start3A_123] : memref<2x128x64xi32, #tpu.memory_space<vmem>> -> memref<1x128x64xi32, #tpu.memory_space<vmem>>
        %dma_start3A_125 = tpu.memref_squeeze %dma_start3A_124 : memref<1x128x64xi32, #tpu.memory_space<vmem>> -> memref<128x64xi32, #tpu.memory_space<vmem>>
        %dma_start3A_126 = arith.constant 0 : i32
        %dma_start3A_127 = tpu.memref_slice %arg7[%add3A_120, %dma_start3A_126] : memref<40x128xi32, #tpu.memory_space<vmem>> -> memref<1x128xi32, #tpu.memory_space<vmem>>
        %dma_start3A_128 = tpu.memref_squeeze %dma_start3A_127 : memref<1x128xi32, #tpu.memory_space<vmem>> -> memref<128xi32, #tpu.memory_space<vmem>>
        %dma_start3A_129 = arith.constant 0 : i32
        %dma_start3A_130 = arith.constant 0 : i32
        %dma_start3A_131 = tpu.memref_slice %arg2[%dma_start3A_129, %dma_start3A_130] : memref<10000x64xi32, #tpu.memory_space<hbm>> -> memref<10000x64xi32, #tpu.memory_space<hbm>>
        tpu.enqueue_indirect_dma source(%dma_start3A_131 : memref<10000x64xi32, #tpu.memory_space<hbm>>) target(%dma_start3A_125 : memref<128x64xi32, #tpu.memory_space<vmem>>) offsets(%dma_start3A_128 : memref<128xi32, #tpu.memory_space<vmem>>) semaphore(%arg12 : memref<!tpu.dma_semaphore, #tpu.memory_space<semaphore_mem>>)
      } else {
      }
      %mul3A_90 = arith.constant 2 : i32
      %mul3A_91 = arith.muli %scan3A_64, %mul3A_90 : i32
      %add3A_92 = arith.constant 1 : i32
      %add3A_93 = arith.addi %mul3A_91, %add3A_92 : i32
      %dma_wait3A_94 = arith.constant 0 : i32
      %dma_wait3A_95 = arith.constant 1 : i32
      %dma_wait3A_96 = arith.constant 0 : i32
      %dma_wait3A_97 = arith.constant 0 : i32
      %dma_wait3A_98 = tpu.memref_slice %arg9[%dma_wait3A_95, %dma_wait3A_96, %dma_wait3A_97] : memref<2x128x64xi32, #tpu.memory_space<vmem>> -> memref<1x128x64xi32, #tpu.memory_space<vmem>>
      %dma_wait3A_99 = tpu.memref_squeeze %dma_wait3A_98 : memref<1x128x64xi32, #tpu.memory_space<vmem>> -> memref<128x64xi32, #tpu.memory_space<vmem>>
      %dma_wait3A_100 = arith.constant 0 : i32
      %dma_wait3A_101 = tpu.memref_slice %arg7[%dma_wait3A_94, %dma_wait3A_100] : memref<40x128xi32, #tpu.memory_space<vmem>> -> memref<1x128xi32, #tpu.memory_space<vmem>>
      %dma_wait3A_102 = tpu.memref_squeeze %dma_wait3A_101 : memref<1x128xi32, #tpu.memory_space<vmem>> -> memref<128xi32, #tpu.memory_space<vmem>>
      %dma_wait3A_103 = arith.constant 0 : i32
      %dma_wait3A_104 = arith.constant 0 : i32
      %dma_wait3A_105 = tpu.memref_slice %arg2[%dma_wait3A_103, %dma_wait3A_104] : memref<10000x64xi32, #tpu.memory_space<hbm>> -> memref<10000x64xi32, #tpu.memory_space<hbm>>
      tpu.wait_indirect_dma semaphore(%arg13 : memref<!tpu.dma_semaphore, #tpu.memory_space<semaphore_mem>>) src(%dma_wait3A_105 : memref<10000x64xi32, #tpu.memory_space<hbm>>) dst(%dma_wait3A_99 : memref<128x64xi32, #tpu.memory_space<vmem>>)
      %scan3A_106 = arith.constant 0 : i32
      %scan3A_107 = arith.constant 0 : i32
      %scan3A_108 = arith.constant 128 : i32
      %scan3A_109 = arith.addi %scan3A_107, %scan3A_108 : i32
      %scan3A_110 = arith.constant 1 : i32
      scf.for %scan3A_119 = %scan3A_107 to %scan3A_109 step %scan3A_110  : i32 {
        %get3A = arith.constant 1 : i32
        %get3A_120 = arith.index_cast %get3A : i32 to index
        %get3A_121 = arith.index_cast %scan3A_119 : i32 to index
        %get3A_122 = arith.constant 0 : index
        %get3A_123 = tpu.vector_load %arg9[%get3A_120, %get3A_121, %get3A_122] {strides = array<i32>} : memref<2x128x64xi32, #tpu.memory_space<vmem>>, vector<1x1x16xi32>,
        %get3A_124 = vector.shape_cast %get3A_123 : vector<1x1x16xi32> to vector<16xi32>
        %shift_left3A = arith.constant 16 : i32
        %shift_left3A_125 = vector.broadcast %shift_left3A : i32 to vector<16xi32>
        %shift_left3A_126 = arith.shli %get3A_124, %shift_left3A_125 : vector<16xi32>
        %bitcast_convert_type3A = tpu.bitcast %shift_left3A_126 : vector<16xi32> -> vector<16xf32>
        %and3A = vector.broadcast %scan3A_57 : i32 to vector<16xi32>
        %and3A_127 = arith.andi %get3A_124, %and3A : vector<16xi32>
        %bitcast_convert_type3A_128 = tpu.bitcast %and3A_127 : vector<16xi32> -> vector<16xf32>
        %swap3A = arith.index_cast %scan3A_119 : i32 to index
        %swap3A_129 = arith.constant 0 : index
        %swap3A_130 = tpu.vector_load %arg10[%swap3A, %swap3A_129] {strides = array<i32>} : memref<128x128xf32, #tpu.memory_space<vmem>>, vector<1x16xf32>,
        %swap3A_131 = vector.shape_cast %swap3A_130 : vector<1x16xf32> to vector<16xf32>
        %swap3A_132 = vector.shape_cast %bitcast_convert_type3A : vector<16xf32> to vector<1x16xf32>
        tpu.vector_store %arg10[%swap3A, %swap3A_129], %swap3A_132 {strides = array<i32>} : memref<128x128xf32, #tpu.memory_space<vmem>>, vector<1x16xf32>,
        %swap3A_133 = arith.index_cast %scan3A_119 : i32 to index
        %swap3A_134 = arith.constant 16 : index
        %swap3A_135 = tpu.vector_load %arg10[%swap3A_133, %swap3A_134] {strides = array<i32>} : memref<128x128xf32, #tpu.memory_space<vmem>>, vector<1x16xf32>,
        %swap3A_136 = vector.shape_cast %swap3A_135 : vector<1x16xf32> to vector<16xf32>
        %swap3A_137 = vector.shape_cast %bitcast_convert_type3A_128 : vector<16xf32> to vector<1x16xf32>
        tpu.vector_store %arg10[%swap3A_133, %swap3A_134], %swap3A_137 {strides = array<i32>} : memref<128x128xf32, #tpu.memory_space<vmem>>, vector<1x16xf32>,
        %get3A_138 = arith.constant 1 : i32
        %get3A_139 = arith.index_cast %get3A_138 : i32 to index
        %get3A_140 = arith.index_cast %scan3A_119 : i32 to index
        %get3A_141 = arith.constant 16 : index
        %get3A_142 = tpu.vector_load %arg9[%get3A_139, %get3A_140, %get3A_141] {strides = array<i32>} : memref<2x128x64xi32, #tpu.memory_space<vmem>>, vector<1x1x16xi32>,
        %get3A_143 = vector.shape_cast %get3A_142 : vector<1x1x16xi32> to vector<16xi32>
        %shift_left3A_144 = arith.constant 16 : i32
        %shift_left3A_145 = vector.broadcast %shift_left3A_144 : i32 to vector<16xi32>
        %shift_left3A_146 = arith.shli %get3A_143, %shift_left3A_145 : vector<16xi32>
        %bitcast_convert_type3A_147 = tpu.bitcast %shift_left3A_146 : vector<16xi32> -> vector<16xf32>
        %and3A_148 = vector.broadcast %scan3A_57 : i32 to vector<16xi32>
        %and3A_149 = arith.andi %get3A_143, %and3A_148 : vector<16xi32>
        %bitcast_convert_type3A_150 = tpu.bitcast %and3A_149 : vector<16xi32> -> vector<16xf32>
        %swap3A_151 = arith.index_cast %scan3A_119 : i32 to index
        %swap3A_152 = arith.constant 32 : index
        %swap3A_153 = tpu.vector_load %arg10[%swap3A_151, %swap3A_152] {strides = array<i32>} : memref<128x128xf32, #tpu.memory_space<vmem>>, vector<1x16xf32>,
        %swap3A_154 = vector.shape_cast %swap3A_153 : vector<1x16xf32> to vector<16xf32>
        %swap3A_155 = vector.shape_cast %bitcast_convert_type3A_147 : vector<16xf32> to vector<1x16xf32>
        tpu.vector_store %arg10[%swap3A_151, %swap3A_152], %swap3A_155 {strides = array<i32>} : memref<128x128xf32, #tpu.memory_space<vmem>>, vector<1x16xf32>,
        %swap3A_156 = arith.index_cast %scan3A_119 : i32 to index
        %swap3A_157 = arith.constant 48 : index
        %swap3A_158 = tpu.vector_load %arg10[%swap3A_156, %swap3A_157] {strides = array<i32>} : memref<128x128xf32, #tpu.memory_space<vmem>>, vector<1x16xf32>,
        %swap3A_159 = vector.shape_cast %swap3A_158 : vector<1x16xf32> to vector<16xf32>
        %swap3A_160 = vector.shape_cast %bitcast_convert_type3A_150 : vector<16xf32> to vector<1x16xf32>
        tpu.vector_store %arg10[%swap3A_156, %swap3A_157], %swap3A_160 {strides = array<i32>} : memref<128x128xf32, #tpu.memory_space<vmem>>, vector<1x16xf32>,
        %get3A_161 = arith.constant 1 : i32
        %get3A_162 = arith.index_cast %get3A_161 : i32 to index
        %get3A_163 = arith.index_cast %scan3A_119 : i32 to index
        %get3A_164 = arith.constant 32 : index
        %get3A_165 = tpu.vector_load %arg9[%get3A_162, %get3A_163, %get3A_164] {strides = array<i32>} : memref<2x128x64xi32, #tpu.memory_space<vmem>>, vector<1x1x16xi32>,
        %get3A_166 = vector.shape_cast %get3A_165 : vector<1x1x16xi32> to vector<16xi32>
        %shift_left3A_167 = arith.constant 16 : i32
        %shift_left3A_168 = vector.broadcast %shift_left3A_167 : i32 to vector<16xi32>
        %shift_left3A_169 = arith.shli %get3A_166, %shift_left3A_168 : vector<16xi32>
        %bitcast_convert_type3A_170 = tpu.bitcast %shift_left3A_169 : vector<16xi32> -> vector<16xf32>
        %and3A_171 = vector.broadcast %scan3A_57 : i32 to vector<16xi32>
        %and3A_172 = arith.andi %get3A_166, %and3A_171 : vector<16xi32>
        %bitcast_convert_type3A_173 = tpu.bitcast %and3A_172 : vector<16xi32> -> vector<16xf32>
        %swap3A_174 = arith.index_cast %scan3A_119 : i32 to index
        %swap3A_175 = arith.constant 64 : index
        %swap3A_176 = tpu.vector_load %arg10[%swap3A_174, %swap3A_175] {strides = array<i32>} : memref<128x128xf32, #tpu.memory_space<vmem>>, vector<1x16xf32>,
        %swap3A_177 = vector.shape_cast %swap3A_176 : vector<1x16xf32> to vector<16xf32>
        %swap3A_178 = vector.shape_cast %bitcast_convert_type3A_170 : vector<16xf32> to vector<1x16xf32>
        tpu.vector_store %arg10[%swap3A_174, %swap3A_175], %swap3A_178 {strides = array<i32>} : memref<128x128xf32, #tpu.memory_space<vmem>>, vector<1x16xf32>,
        %swap3A_179 = arith.index_cast %scan3A_119 : i32 to index
        %swap3A_180 = arith.constant 80 : index
        %swap3A_181 = tpu.vector_load %arg10[%swap3A_179, %swap3A_180] {strides = array<i32>} : memref<128x128xf32, #tpu.memory_space<vmem>>, vector<1x16xf32>,
        %swap3A_182 = vector.shape_cast %swap3A_181 : vector<1x16xf32> to vector<16xf32>
        %swap3A_183 = vector.shape_cast %bitcast_convert_type3A_173 : vector<16xf32> to vector<1x16xf32>
        tpu.vector_store %arg10[%swap3A_179, %swap3A_180], %swap3A_183 {strides = array<i32>} : memref<128x128xf32, #tpu.memory_space<vmem>>, vector<1x16xf32>,
        %get3A_184 = arith.constant 1 : i32
        %get3A_185 = arith.index_cast %get3A_184 : i32 to index
        %get3A_186 = arith.index_cast %scan3A_119 : i32 to index
        %get3A_187 = arith.constant 48 : index
        %get3A_188 = tpu.vector_load %arg9[%get3A_185, %get3A_186, %get3A_187] {strides = array<i32>} : memref<2x128x64xi32, #tpu.memory_space<vmem>>, vector<1x1x16xi32>,
        %get3A_189 = vector.shape_cast %get3A_188 : vector<1x1x16xi32> to vector<16xi32>
        %shift_left3A_190 = arith.constant 16 : i32
        %shift_left3A_191 = vector.broadcast %shift_left3A_190 : i32 to vector<16xi32>
        %shift_left3A_192 = arith.shli %get3A_189, %shift_left3A_191 : vector<16xi32>
        %bitcast_convert_type3A_193 = tpu.bitcast %shift_left3A_192 : vector<16xi32> -> vector<16xf32>
        %and3A_194 = vector.broadcast %scan3A_57 : i32 to vector<16xi32>
        %and3A_195 = arith.andi %get3A_189, %and3A_194 : vector<16xi32>
        %bitcast_convert_type3A_196 = tpu.bitcast %and3A_195 : vector<16xi32> -> vector<16xf32>
        %swap3A_197 = arith.index_cast %scan3A_119 : i32 to index
        %swap3A_198 = arith.constant 96 : index
        %swap3A_199 = tpu.vector_load %arg10[%swap3A_197, %swap3A_198] {strides = array<i32>} : memref<128x128xf32, #tpu.memory_space<vmem>>, vector<1x16xf32>,
        %swap3A_200 = vector.shape_cast %swap3A_199 : vector<1x16xf32> to vector<16xf32>
        %swap3A_201 = vector.shape_cast %bitcast_convert_type3A_193 : vector<16xf32> to vector<1x16xf32>
        tpu.vector_store %arg10[%swap3A_197, %swap3A_198], %swap3A_201 {strides = array<i32>} : memref<128x128xf32, #tpu.memory_space<vmem>>, vector<1x16xf32>,
        %swap3A_202 = arith.index_cast %scan3A_119 : i32 to index
        %swap3A_203 = arith.constant 112 : index
        %swap3A_204 = tpu.vector_load %arg10[%swap3A_202, %swap3A_203] {strides = array<i32>} : memref<128x128xf32, #tpu.memory_space<vmem>>, vector<1x16xf32>,
        %swap3A_205 = vector.shape_cast %swap3A_204 : vector<1x16xf32> to vector<16xf32>
        %swap3A_206 = vector.shape_cast %bitcast_convert_type3A_196 : vector<16xf32> to vector<1x16xf32>
        tpu.vector_store %arg10[%swap3A_202, %swap3A_203], %swap3A_206 {strides = array<i32>} : memref<128x128xf32, #tpu.memory_space<vmem>>, vector<1x16xf32>,
      }
      %scan3A_111 = arith.constant 128 : i32
      "tpu.region"() ({
        %run_scoped3A = tpu.sem_alloc : memref<!tpu.dma_semaphore, #tpu.memory_space<semaphore_mem>>
        %dma_start3A_119 = arith.constant 0 : i32
        %dma_start3A_120 = tpu.memref_slice %arg8[%add3A_93, %dma_start3A_119] : memref<40x128xi32, #tpu.memory_space<vmem>> -> memref<1x128xi32, #tpu.memory_space<vmem>>
        %dma_start3A_121 = tpu.memref_squeeze %dma_start3A_120 : memref<1x128xi32, #tpu.memory_space<vmem>> -> memref<128xi32, #tpu.memory_space<vmem>>
        %dma_start3A_122 = arith.constant 0 : i32
        %dma_start3A_123 = arith.constant 0 : i32
        %dma_start3A_124 = tpu.memref_slice %arg11[%dma_start3A_122, %dma_start3A_123] : memref<10240x128xf32, #tpu.memory_space<vmem_shared>> -> memref<10240x128xf32, #tpu.memory_space<vmem_shared>>
        tpu.enqueue_indirect_dma source(%arg10 : memref<128x128xf32, #tpu.memory_space<vmem>>) target(%dma_start3A_124 : memref<10240x128xf32, #tpu.memory_space<vmem_shared>>) offsets(%dma_start3A_121 : memref<128xi32, #tpu.memory_space<vmem>>) semaphore(%run_scoped3A : memref<!tpu.dma_semaphore, #tpu.memory_space<semaphore_mem>>) {add = true}
        %dma_wait3A_125 = arith.constant 0 : i32
        %dma_wait3A_126 = tpu.memref_slice %arg8[%add3A_93, %dma_wait3A_125] : memref<40x128xi32, #tpu.memory_space<vmem>> -> memref<1x128xi32, #tpu.memory_space<vmem>>
        %dma_wait3A_127 = tpu.memref_squeeze %dma_wait3A_126 : memref<1x128xi32, #tpu.memory_space<vmem>> -> memref<128xi32, #tpu.memory_space<vmem>>
        %dma_wait3A_128 = arith.constant 0 : i32
        %dma_wait3A_129 = arith.constant 0 : i32
        %dma_wait3A_130 = tpu.memref_slice %arg11[%dma_wait3A_128, %dma_wait3A_129] : memref<10240x128xf32, #tpu.memory_space<vmem_shared>> -> memref<10240x128xf32, #tpu.memory_space<vmem_shared>>
        tpu.wait_indirect_dma semaphore(%run_scoped3A : memref<!tpu.dma_semaphore, #tpu.memory_space<semaphore_mem>>) src(%arg10 : memref<128x128xf32, #tpu.memory_space<vmem>>) dst(%dma_wait3A_130 : memref<10240x128xf32, #tpu.memory_space<vmem_shared>>)
        tpu.yield
      }) : () -> ()
      %add3A_112 = arith.constant 2 : i32
      %add3A_113 = arith.addi %add3A_93, %add3A_112 : i32
      %lt3A_114 = arith.constant 40 : i32
      %lt3A_115 = arith.cmpi slt, %add3A_113, %lt3A_114 : i32
      %convert_element_type3A_116 = arith.extui %lt3A_115 : i1 to i32
      %cond3A_117 = arith.constant 0 : i32
      %cond3A_118 = arith.cmpi ne, %convert_element_type3A_116, %cond3A_117 : i32
      scf.if %cond3A_118 {
        %add3A_119 = arith.constant 2 : i32
        %add3A_120 = arith.addi %add3A_93, %add3A_119 : i32
        %dma_start3A_121 = arith.constant 1 : i32
        %dma_start3A_122 = arith.constant 0 : i32
        %dma_start3A_123 = arith.constant 0 : i32
        %dma_start3A_124 = tpu.memref_slice %arg9[%dma_start3A_121, %dma_start3A_122, %dma_start3A_123] : memref<2x128x64xi32, #tpu.memory_space<vmem>> -> memref<1x128x64xi32, #tpu.memory_space<vmem>>
        %dma_start3A_125 = tpu.memref_squeeze %dma_start3A_124 : memref<1x128x64xi32, #tpu.memory_space<vmem>> -> memref<128x64xi32, #tpu.memory_space<vmem>>
        %dma_start3A_126 = arith.constant 0 : i32
        %dma_start3A_127 = tpu.memref_slice %arg7[%add3A_120, %dma_start3A_126] : memref<40x128xi32, #tpu.memory_space<vmem>> -> memref<1x128xi32, #tpu.memory_space<vmem>>
        %dma_start3A_128 = tpu.memref_squeeze %dma_start3A_127 : memref<1x128xi32, #tpu.memory_space<vmem>> -> memref<128xi32, #tpu.memory_space<vmem>>
        %dma_start3A_129 = arith.constant 0 : i32
        %dma_start3A_130 = arith.constant 0 : i32
        %dma_start3A_131 = tpu.memref_slice %arg2[%dma_start3A_129, %dma_start3A_130] : memref<10000x64xi32, #tpu.memory_space<hbm>> -> memref<10000x64xi32, #tpu.memory_space<hbm>>
        tpu.enqueue_indirect_dma source(%dma_start3A_131 : memref<10000x64xi32, #tpu.memory_space<hbm>>) target(%dma_start3A_125 : memref<128x64xi32, #tpu.memory_space<vmem>>) offsets(%dma_start3A_128 : memref<128xi32, #tpu.memory_space<vmem>>) semaphore(%arg13 : memref<!tpu.dma_semaphore, #tpu.memory_space<semaphore_mem>>)
      } else {
      }
    }
    %scan3A_62 = arith.constant 20 : i32
    %barrier3A_63 = arith.constant 0 : index
    tpu.barrier barrier_id(%barrier3A_63)
    "tpu.region"() ({
      %run_scoped3A = tpu.sem_alloc : memref<!tpu.dma_semaphore, #tpu.memory_space<semaphore_mem>>
      %dma_start3A_64 = arith.constant 0 : i32
      %dma_start3A_65 = tpu.memref_slice %arg6[%arg0, %mul3A_2, %dma_start3A_64] : memref<2x10240x128xf32, #tpu.memory_space<hbm>> -> memref<1x640x128xf32, #tpu.memory_space<hbm>>
      %dma_start3A_66 = tpu.memref_squeeze %dma_start3A_65 : memref<1x640x128xf32, #tpu.memory_space<hbm>> -> memref<640x128xf32, #tpu.memory_space<hbm>>
      %dma_start3A_67 = arith.constant 0 : i32
      %dma_start3A_68 = tpu.memref_slice %arg11[%mul3A_2, %dma_start3A_67] : memref<10240x128xf32, #tpu.memory_space<vmem_shared>> -> memref<640x128xf32, #tpu.memory_space<vmem_shared>>
      tpu.enqueue_dma source(%dma_start3A_68 : memref<640x128xf32, #tpu.memory_space<vmem_shared>>) target(%dma_start3A_66 : memref<640x128xf32, #tpu.memory_space<hbm>>) target_semaphore(%run_scoped3A : memref<!tpu.dma_semaphore, #tpu.memory_space<semaphore_mem>>)
      %dma_wait3A = arith.constant 0 : i32
      %dma_wait3A_69 = tpu.memref_slice %arg6[%arg0, %mul3A_2, %dma_wait3A] : memref<2x10240x128xf32, #tpu.memory_space<hbm>> -> memref<1x640x128xf32, #tpu.memory_space<hbm>>
      %dma_wait3A_70 = tpu.memref_squeeze %dma_wait3A_69 : memref<1x640x128xf32, #tpu.memory_space<hbm>> -> memref<640x128xf32, #tpu.memory_space<hbm>>
      %dma_wait3A_71 = arith.constant 0 : i32
      %dma_wait3A_72 = tpu.memref_slice %arg11[%mul3A_2, %dma_wait3A_71] : memref<10240x128xf32, #tpu.memory_space<vmem_shared>> -> memref<640x128xf32, #tpu.memory_space<vmem_shared>>
      tpu.wait_dma2 semaphore(%run_scoped3A : memref<!tpu.dma_semaphore, #tpu.memory_space<semaphore_mem>>) src(%dma_wait3A_72 : memref<640x128xf32, #tpu.memory_space<vmem_shared>>) dst(%dma_wait3A_70 : memref<640x128xf32, #tpu.memory_space<hbm>>)
      tpu.yield
    }) : () -> ()
    return
  }
}

#map = affine_map<(d0, d1) -> (0, 0)>
#map1 = affine_map<(d0, d1) -> (0, 0, 0)>
module attributes {stable_mosaic.version = 14 : i64} {
  func.func @body(%arg0: i32, %arg1: i32, %arg2: memref<10000x64xi32, #tpu.memory_space<hbm>>, %arg3: memref<32x80x128xi32, #tpu.memory_space<hbm>>, %arg4: memref<32x80x128xi32, #tpu.memory_space<hbm>>, %arg5: memref<640x128xf32, #tpu.memory_space<hbm>>, %arg6: memref<2x10240x128xf32, #tpu.memory_space<hbm>>, %arg7: memref<40x128xi32, #tpu.memory_space<vmem>>, %arg8: memref<40x128xi32, #tpu.memory_space<vmem>>, %arg9: memref<2x128x64xi32, #tpu.memory_space<vmem>>, %arg10: memref<128x128xf32, #tpu.memory_space<vmem>>, %arg11: memref<10240x128xf32, #tpu.memory_space<vmem_shared>>, %arg12: memref<!tpu.dma_semaphore, #tpu.memory_space<semaphore_mem>>, %arg13: memref<!tpu.dma_semaphore, #tpu.memory_space<semaphore_mem>>) attributes {dimension_semantics = [#tpu.dimension_semantics<core_parallel>, #tpu.dimension_semantics<subcore_parallel>], iteration_bounds = array<i64: 2, 16>, scalar_prefetch = 0 : i64, scratch_operands = 7 : i64, tpu.core_type = #tpu.core_type<sc_vector_subcore>, window_params = [{transform_indices = #map}, {transform_indices = #map1}, {transform_indices = #map1}, {transform_indices = #map}, {transform_indices = #map1}]} {
    %mul3A = arith.constant 16 : i32
    %mul3A_0 = arith.muli %arg0, %mul3A : i32
    %add3A = arith.addi %mul3A_0, %arg1 : i32
    %mul3A_1 = arith.constant 640 : i32
    %mul3A_2 = arith.muli %arg1, %mul3A_1 : i32
    "tpu.region"() ({
      %run_scoped3A = tpu.sem_alloc : memref<!tpu.dma_semaphore, #tpu.memory_space<semaphore_mem>>
      %dma_start3A_64 = arith.constant 0 : i32
      %dma_start3A_65 = tpu.memref_slice %arg11[%mul3A_2, %dma_start3A_64] : memref<10240x128xf32, #tpu.memory_space<vmem_shared>> -> memref<640x128xf32, #tpu.memory_space<vmem_shared>>
      tpu.enqueue_dma source(%arg5 : memref<640x128xf32, #tpu.memory_space<hbm>>) target(%dma_start3A_65 : memref<640x128xf32, #tpu.memory_space<vmem_shared>>) target_semaphore(%run_scoped3A : memref<!tpu.dma_semaphore, #tpu.memory_space<semaphore_mem>>)
      %dma_wait3A = arith.constant 0 : i32
      %dma_wait3A_66 = tpu.memref_slice %arg11[%mul3A_2, %dma_wait3A] : memref<10240x128xf32, #tpu.memory_space<vmem_shared>> -> memref<640x128xf32, #tpu.memory_space<vmem_shared>>
      tpu.wait_dma2 semaphore(%run_scoped3A : memref<!tpu.dma_semaphore, #tpu.memory_space<semaphore_mem>>) src(%arg5 : memref<640x128xf32, #tpu.memory_space<hbm>>) dst(%dma_wait3A_66 : memref<640x128xf32, #tpu.memory_space<vmem_shared>>)
      tpu.yield
    }) : () -> ()
    %barrier3A = arith.constant 0 : index
    tpu.barrier barrier_id(%barrier3A)
    "tpu.region"() ({
      %run_scoped3A = tpu.sem_alloc : memref<!tpu.dma_semaphore, #tpu.memory_space<semaphore_mem>>
      %dma_start3A_64 = arith.constant 0 : i32
      %dma_start3A_65 = arith.constant 0 : i32
      %dma_start3A_66 = tpu.memref_slice %arg3[%add3A, %dma_start3A_64, %dma_start3A_65] : memref<32x80x128xi32, #tpu.memory_space<hbm>> -> memref<1x40x128xi32, #tpu.memory_space<hbm>>
      %dma_start3A_67 = tpu.memref_squeeze %dma_start3A_66 : memref<1x40x128xi32, #tpu.memory_space<hbm>> -> memref<40x128xi32, #tpu.memory_space<hbm>>
      %dma_start3A_68 = arith.constant 0 : i32
      %dma_start3A_69 = arith.constant 0 : i32
      %dma_start3A_70 = tpu.memref_slice %arg3[%add3A, %dma_start3A_68, %dma_start3A_69] : memref<32x80x128xi32, #tpu.memory_space<hbm>> -> memref<1x40x128xi32, #tpu.memory_space<hbm>>
      %dma_start3A_71 = tpu.memref_squeeze %dma_start3A_70 : memref<1x40x128xi32, #tpu.memory_space<hbm>> -> memref<40x128xi32, #tpu.memory_space<hbm>>
      tpu.enqueue_dma source(%dma_start3A_71 : memref<40x128xi32, #tpu.memory_space<hbm>>) target(%arg7 : memref<40x128xi32, #tpu.memory_space<vmem>>) target_semaphore(%run_scoped3A : memref<!tpu.dma_semaphore, #tpu.memory_space<semaphore_mem>>)
      %dma_wait3A = arith.constant 0 : i32
      %dma_wait3A_72 = arith.constant 0 : i32
      %dma_wait3A_73 = tpu.memref_slice %arg3[%add3A, %dma_wait3A, %dma_wait3A_72] : memref<32x80x128xi32, #tpu.memory_space<hbm>> -> memref<1x40x128xi32, #tpu.memory_space<hbm>>
      %dma_wait3A_74 = tpu.memref_squeeze %dma_wait3A_73 : memref<1x40x128xi32, #tpu.memory_space<hbm>> -> memref<40x128xi32, #tpu.memory_space<hbm>>
      %dma_wait3A_75 = arith.constant 0 : i32
      %dma_wait3A_76 = arith.constant 0 : i32
      %dma_wait3A_77 = tpu.memref_slice %arg3[%add3A, %dma_wait3A_75, %dma_wait3A_76] : memref<32x80x128xi32, #tpu.memory_space<hbm>> -> memref<1x40x128xi32, #tpu.memory_space<hbm>>
      %dma_wait3A_78 = tpu.memref_squeeze %dma_wait3A_77 : memref<1x40x128xi32, #tpu.memory_space<hbm>> -> memref<40x128xi32, #tpu.memory_space<hbm>>
      tpu.wait_dma2 semaphore(%run_scoped3A : memref<!tpu.dma_semaphore, #tpu.memory_space<semaphore_mem>>) src(%dma_wait3A_78 : memref<40x128xi32, #tpu.memory_space<hbm>>) dst(%arg7 : memref<40x128xi32, #tpu.memory_space<vmem>>)
      tpu.yield
    }) : () -> ()
    "tpu.region"() ({
      %run_scoped3A = tpu.sem_alloc : memref<!tpu.dma_semaphore, #tpu.memory_space<semaphore_mem>>
      %dma_start3A_64 = arith.constant 0 : i32
      %dma_start3A_65 = arith.constant 0 : i32
      %dma_start3A_66 = tpu.memref_slice %arg4[%add3A, %dma_start3A_64, %dma_start3A_65] : memref<32x80x128xi32, #tpu.memory_space<hbm>> -> memref<1x40x128xi32, #tpu.memory_space<hbm>>
      %dma_start3A_67 = tpu.memref_squeeze %dma_start3A_66 : memref<1x40x128xi32, #tpu.memory_space<hbm>> -> memref<40x128xi32, #tpu.memory_space<hbm>>
      %dma_start3A_68 = arith.constant 0 : i32
      %dma_start3A_69 = arith.constant 0 : i32
      %dma_start3A_70 = tpu.memref_slice %arg4[%add3A, %dma_start3A_68, %dma_start3A_69] : memref<32x80x128xi32, #tpu.memory_space<hbm>> -> memref<1x40x128xi32, #tpu.memory_space<hbm>>
      %dma_start3A_71 = tpu.memref_squeeze %dma_start3A_70 : memref<1x40x128xi32, #tpu.memory_space<hbm>> -> memref<40x128xi32, #tpu.memory_space<hbm>>
      tpu.enqueue_dma source(%dma_start3A_71 : memref<40x128xi32, #tpu.memory_space<hbm>>) target(%arg8 : memref<40x128xi32, #tpu.memory_space<vmem>>) target_semaphore(%run_scoped3A : memref<!tpu.dma_semaphore, #tpu.memory_space<semaphore_mem>>)
      %dma_wait3A = arith.constant 0 : i32
      %dma_wait3A_72 = arith.constant 0 : i32
      %dma_wait3A_73 = tpu.memref_slice %arg4[%add3A, %dma_wait3A, %dma_wait3A_72] : memref<32x80x128xi32, #tpu.memory_space<hbm>> -> memref<1x40x128xi32, #tpu.memory_space<hbm>>
      %dma_wait3A_74 = tpu.memref_squeeze %dma_wait3A_73 : memref<1x40x128xi32, #tpu.memory_space<hbm>> -> memref<40x128xi32, #tpu.memory_space<hbm>>
      %dma_wait3A_75 = arith.constant 0 : i32
      %dma_wait3A_76 = arith.constant 0 : i32
      %dma_wait3A_77 = tpu.memref_slice %arg4[%add3A, %dma_wait3A_75, %dma_wait3A_76] : memref<32x80x128xi32, #tpu.memory_space<hbm>> -> memref<1x40x128xi32, #tpu.memory_space<hbm>>
      %dma_wait3A_78 = tpu.memref_squeeze %dma_wait3A_77 : memref<1x40x128xi32, #tpu.memory_space<hbm>> -> memref<40x128xi32, #tpu.memory_space<hbm>>
      tpu.wait_dma2 semaphore(%run_scoped3A : memref<!tpu.dma_semaphore, #tpu.memory_space<semaphore_mem>>) src(%dma_wait3A_78 : memref<40x128xi32, #tpu.memory_space<hbm>>) dst(%arg8 : memref<40x128xi32, #tpu.memory_space<vmem>>)
      tpu.yield
    }) : () -> ()
    %dma_start3A = arith.constant 0 : i32
    %dma_start3A_3 = arith.constant 0 : i32
    %dma_start3A_4 = arith.constant 0 : i32
    %dma_start3A_5 = arith.constant 0 : i32
    %dma_start3A_6 = tpu.memref_slice %arg9[%dma_start3A_3, %dma_start3A_4, %dma_start3A_5] : memref<2x128x64xi32, #tpu.memory_space<vmem>> -> memref<1x128x64xi32, #tpu.memory_space<vmem>>
    %dma_start3A_7 = tpu.memref_squeeze %dma_start3A_6 : memref<1x128x64xi32, #tpu.memory_space<vmem>> -> memref<128x64xi32, #tpu.memory_space<vmem>>
    %dma_start3A_8 = arith.constant 0 : i32
    %dma_start3A_9 = tpu.memref_slice %arg7[%dma_start3A, %dma_start3A_8] : memref<40x128xi32, #tpu.memory_space<vmem>> -> memref<1x128xi32, #tpu.memory_space<vmem>>
    %dma_start3A_10 = tpu.memref_squeeze %dma_start3A_9 : memref<1x128xi32, #tpu.memory_space<vmem>> -> memref<128xi32, #tpu.memory_space<vmem>>
    %dma_start3A_11 = arith.constant 0 : i32
    %dma_start3A_12 = arith.constant 0 : i32
    %dma_start3A_13 = tpu.memref_slice %arg2[%dma_start3A_11, %dma_start3A_12] : memref<10000x64xi32, #tpu.memory_space<hbm>> -> memref<10000x64xi32, #tpu.memory_space<hbm>>
    tpu.enqueue_indirect_dma source(%dma_start3A_13 : memref<10000x64xi32, #tpu.memory_space<hbm>>) target(%dma_start3A_7 : memref<128x64xi32, #tpu.memory_space<vmem>>) offsets(%dma_start3A_10 : memref<128xi32, #tpu.memory_space<vmem>>) semaphore(%arg12 : memref<!tpu.dma_semaphore, #tpu.memory_space<semaphore_mem>>)
    %dma_start3A_14 = arith.constant 1 : i32
    %dma_start3A_15 = arith.constant 1 : i32
    %dma_start3A_16 = arith.constant 0 : i32
    %dma_start3A_17 = arith.constant 0 : i32
    %dma_start3A_18 = tpu.memref_slice %arg9[%dma_start3A_15, %dma_start3A_16, %dma_start3A_17] : memref<2x128x64xi32, #tpu.memory_space<vmem>> -> memref<1x128x64xi32, #tpu.memory_space<vmem>>
    %dma_start3A_19 = tpu.memref_squeeze %dma_start3A_18 : memref<1x128x64xi32, #tpu.memory_space<vmem>> -> memref<128x64xi32, #tpu.memory_space<vmem>>
    %dma_start3A_20 = arith.constant 0 : i32
    %dma_start3A_21 = tpu.memref_slice %arg7[%dma_start3A_14, %dma_start3A_20] : memref<40x128xi32, #tpu.memory_space<vmem>> -> memref<1x128xi32, #tpu.memory_space<vmem>>
    %dma_start3A_22 = tpu.memref_squeeze %dma_start3A_21 : memref<1x128xi32, #tpu.memory_space<vmem>> -> memref<128xi32, #tpu.memory_space<vmem>>
    %dma_start3A_23 = arith.constant 0 : i32
    %dma_start3A_24 = arith.constant 0 : i32
    %dma_start3A_25 = tpu.memref_slice %arg2[%dma_start3A_23, %dma_start3A_24] : memref<10000x64xi32, #tpu.memory_space<hbm>> -> memref<10000x64xi32, #tpu.memory_space<hbm>>
    tpu.enqueue_indirect_dma source(%dma_start3A_25 : memref<10000x64xi32, #tpu.memory_space<hbm>>) target(%dma_start3A_19 : memref<128x64xi32, #tpu.memory_space<vmem>>) offsets(%dma_start3A_22 : memref<128xi32, #tpu.memory_space<vmem>>) semaphore(%arg13 : memref<!tpu.dma_semaphore, #tpu.memory_space<semaphore_mem>>)
    %scan3A = arith.constant 0 : i32
    %scan3A_26 = arith.constant -65536 : i32
    %scan3A_27 = arith.constant 0 : i32
    %scan3A_28 = arith.constant 20 : i32
    %scan3A_29 = arith.addi %scan3A_27, %scan3A_28 : i32
    %scan3A_30 = arith.constant 1 : i32
    scf.for %scan3A_64 = %scan3A_27 to %scan3A_29 step %scan3A_30  : i32 {
      %mul3A_65 = arith.constant 2 : i32
      %mul3A_66 = arith.muli %scan3A_64, %mul3A_65 : i32
      %add3A_67 = arith.constant 0 : i32
      %add3A_68 = arith.addi %mul3A_66, %add3A_67 : i32
      %dma_wait3A = arith.constant 0 : i32
      %dma_wait3A_69 = arith.constant 0 : i32
      %dma_wait3A_70 = arith.constant 0 : i32
      %dma_wait3A_71 = arith.constant 0 : i32
      %dma_wait3A_72 = tpu.memref_slice %arg9[%dma_wait3A_69, %dma_wait3A_70, %dma_wait3A_71] : memref<2x128x64xi32, #tpu.memory_space<vmem>> -> memref<1x128x64xi32, #tpu.memory_space<vmem>>
      %dma_wait3A_73 = tpu.memref_squeeze %dma_wait3A_72 : memref<1x128x64xi32, #tpu.memory_space<vmem>> -> memref<128x64xi32, #tpu.memory_space<vmem>>
      %dma_wait3A_74 = arith.constant 0 : i32
      %dma_wait3A_75 = tpu.memref_slice %arg7[%dma_wait3A, %dma_wait3A_74] : memref<40x128xi32, #tpu.memory_space<vmem>> -> memref<1x128xi32, #tpu.memory_space<vmem>>
      %dma_wait3A_76 = tpu.memref_squeeze %dma_wait3A_75 : memref<1x128xi32, #tpu.memory_space<vmem>> -> memref<128xi32, #tpu.memory_space<vmem>>
      %dma_wait3A_77 = arith.constant 0 : i32
      %dma_wait3A_78 = arith.constant 0 : i32
      %dma_wait3A_79 = tpu.memref_slice %arg2[%dma_wait3A_77, %dma_wait3A_78] : memref<10000x64xi32, #tpu.memory_space<hbm>> -> memref<10000x64xi32, #tpu.memory_space<hbm>>
      tpu.wait_indirect_dma semaphore(%arg12 : memref<!tpu.dma_semaphore, #tpu.memory_space<semaphore_mem>>) src(%dma_wait3A_79 : memref<10000x64xi32, #tpu.memory_space<hbm>>) dst(%dma_wait3A_73 : memref<128x64xi32, #tpu.memory_space<vmem>>)
      %scan3A_80 = arith.constant 0 : i32
      %scan3A_81 = arith.constant 0 : i32
      %scan3A_82 = arith.constant 128 : i32
      %scan3A_83 = arith.addi %scan3A_81, %scan3A_82 : i32
      %scan3A_84 = arith.constant 1 : i32
      scf.for %scan3A_119 = %scan3A_81 to %scan3A_83 step %scan3A_84  : i32 {
        %get3A = arith.constant 0 : i32
        %get3A_120 = arith.index_cast %get3A : i32 to index
        %get3A_121 = arith.index_cast %scan3A_119 : i32 to index
        %get3A_122 = arith.constant 0 : index
        %get3A_123 = tpu.vector_load %arg9[%get3A_120, %get3A_121, %get3A_122] {strides = array<i32>} : memref<2x128x64xi32, #tpu.memory_space<vmem>>, vector<1x1x16xi32>,
        %get3A_124 = vector.shape_cast %get3A_123 : vector<1x1x16xi32> to vector<16xi32>
        %shift_left3A = arith.constant 16 : i32
        %shift_left3A_125 = vector.broadcast %shift_left3A : i32 to vector<16xi32>
        %shift_left3A_126 = arith.shli %get3A_124, %shift_left3A_125 : vector<16xi32>
        %bitcast_convert_type3A = tpu.bitcast %shift_left3A_126 : vector<16xi32> -> vector<16xf32>
        %and3A = vector.broadcast %scan3A_26 : i32 to vector<16xi32>
        %and3A_127 = arith.andi %get3A_124, %and3A : vector<16xi32>
        %bitcast_convert_type3A_128 = tpu.bitcast %and3A_127 : vector<16xi32> -> vector<16xf32>
        %swap3A = arith.index_cast %scan3A_119 : i32 to index
        %swap3A_129 = arith.constant 0 : index
        %swap3A_130 = tpu.vector_load %arg10[%swap3A, %swap3A_129] {strides = array<i32>} : memref<128x128xf32, #tpu.memory_space<vmem>>, vector<1x16xf32>,
        %swap3A_131 = vector.shape_cast %swap3A_130 : vector<1x16xf32> to vector<16xf32>
        %swap3A_132 = vector.shape_cast %bitcast_convert_type3A : vector<16xf32> to vector<1x16xf32>
        tpu.vector_store %arg10[%swap3A, %swap3A_129], %swap3A_132 {strides = array<i32>} : memref<128x128xf32, #tpu.memory_space<vmem>>, vector<1x16xf32>,
        %swap3A_133 = arith.index_cast %scan3A_119 : i32 to index
        %swap3A_134 = arith.constant 16 : index
        %swap3A_135 = tpu.vector_load %arg10[%swap3A_133, %swap3A_134] {strides = array<i32>} : memref<128x128xf32, #tpu.memory_space<vmem>>, vector<1x16xf32>,
        %swap3A_136 = vector.shape_cast %swap3A_135 : vector<1x16xf32> to vector<16xf32>
        %swap3A_137 = vector.shape_cast %bitcast_convert_type3A_128 : vector<16xf32> to vector<1x16xf32>
        tpu.vector_store %arg10[%swap3A_133, %swap3A_134], %swap3A_137 {strides = array<i32>} : memref<128x128xf32, #tpu.memory_space<vmem>>, vector<1x16xf32>,
        %get3A_138 = arith.constant 0 : i32
        %get3A_139 = arith.index_cast %get3A_138 : i32 to index
        %get3A_140 = arith.index_cast %scan3A_119 : i32 to index
        %get3A_141 = arith.constant 16 : index
        %get3A_142 = tpu.vector_load %arg9[%get3A_139, %get3A_140, %get3A_141] {strides = array<i32>} : memref<2x128x64xi32, #tpu.memory_space<vmem>>, vector<1x1x16xi32>,
        %get3A_143 = vector.shape_cast %get3A_142 : vector<1x1x16xi32> to vector<16xi32>
        %shift_left3A_144 = arith.constant 16 : i32
        %shift_left3A_145 = vector.broadcast %shift_left3A_144 : i32 to vector<16xi32>
        %shift_left3A_146 = arith.shli %get3A_143, %shift_left3A_145 : vector<16xi32>
        %bitcast_convert_type3A_147 = tpu.bitcast %shift_left3A_146 : vector<16xi32> -> vector<16xf32>
        %and3A_148 = vector.broadcast %scan3A_26 : i32 to vector<16xi32>
        %and3A_149 = arith.andi %get3A_143, %and3A_148 : vector<16xi32>
        %bitcast_convert_type3A_150 = tpu.bitcast %and3A_149 : vector<16xi32> -> vector<16xf32>
        %swap3A_151 = arith.index_cast %scan3A_119 : i32 to index
        %swap3A_152 = arith.constant 32 : index
        %swap3A_153 = tpu.vector_load %arg10[%swap3A_151, %swap3A_152] {strides = array<i32>} : memref<128x128xf32, #tpu.memory_space<vmem>>, vector<1x16xf32>,
        %swap3A_154 = vector.shape_cast %swap3A_153 : vector<1x16xf32> to vector<16xf32>
        %swap3A_155 = vector.shape_cast %bitcast_convert_type3A_147 : vector<16xf32> to vector<1x16xf32>
        tpu.vector_store %arg10[%swap3A_151, %swap3A_152], %swap3A_155 {strides = array<i32>} : memref<128x128xf32, #tpu.memory_space<vmem>>, vector<1x16xf32>,
        %swap3A_156 = arith.index_cast %scan3A_119 : i32 to index
        %swap3A_157 = arith.constant 48 : index
        %swap3A_158 = tpu.vector_load %arg10[%swap3A_156, %swap3A_157] {strides = array<i32>} : memref<128x128xf32, #tpu.memory_space<vmem>>, vector<1x16xf32>,
        %swap3A_159 = vector.shape_cast %swap3A_158 : vector<1x16xf32> to vector<16xf32>
        %swap3A_160 = vector.shape_cast %bitcast_convert_type3A_150 : vector<16xf32> to vector<1x16xf32>
        tpu.vector_store %arg10[%swap3A_156, %swap3A_157], %swap3A_160 {strides = array<i32>} : memref<128x128xf32, #tpu.memory_space<vmem>>, vector<1x16xf32>,
        %get3A_161 = arith.constant 0 : i32
        %get3A_162 = arith.index_cast %get3A_161 : i32 to index
        %get3A_163 = arith.index_cast %scan3A_119 : i32 to index
        %get3A_164 = arith.constant 32 : index
        %get3A_165 = tpu.vector_load %arg9[%get3A_162, %get3A_163, %get3A_164] {strides = array<i32>} : memref<2x128x64xi32, #tpu.memory_space<vmem>>, vector<1x1x16xi32>,
        %get3A_166 = vector.shape_cast %get3A_165 : vector<1x1x16xi32> to vector<16xi32>
        %shift_left3A_167 = arith.constant 16 : i32
        %shift_left3A_168 = vector.broadcast %shift_left3A_167 : i32 to vector<16xi32>
        %shift_left3A_169 = arith.shli %get3A_166, %shift_left3A_168 : vector<16xi32>
        %bitcast_convert_type3A_170 = tpu.bitcast %shift_left3A_169 : vector<16xi32> -> vector<16xf32>
        %and3A_171 = vector.broadcast %scan3A_26 : i32 to vector<16xi32>
        %and3A_172 = arith.andi %get3A_166, %and3A_171 : vector<16xi32>
        %bitcast_convert_type3A_173 = tpu.bitcast %and3A_172 : vector<16xi32> -> vector<16xf32>
        %swap3A_174 = arith.index_cast %scan3A_119 : i32 to index
        %swap3A_175 = arith.constant 64 : index
        %swap3A_176 = tpu.vector_load %arg10[%swap3A_174, %swap3A_175] {strides = array<i32>} : memref<128x128xf32, #tpu.memory_space<vmem>>, vector<1x16xf32>,
        %swap3A_177 = vector.shape_cast %swap3A_176 : vector<1x16xf32> to vector<16xf32>
        %swap3A_178 = vector.shape_cast %bitcast_convert_type3A_170 : vector<16xf32> to vector<1x16xf32>
        tpu.vector_store %arg10[%swap3A_174, %swap3A_175], %swap3A_178 {strides = array<i32>} : memref<128x128xf32, #tpu.memory_space<vmem>>, vector<1x16xf32>,
        %swap3A_179 = arith.index_cast %scan3A_119 : i32 to index
        %swap3A_180 = arith.constant 80 : index
        %swap3A_181 = tpu.vector_load %arg10[%swap3A_179, %swap3A_180] {strides = array<i32>} : memref<128x128xf32, #tpu.memory_space<vmem>>, vector<1x16xf32>,
        %swap3A_182 = vector.shape_cast %swap3A_181 : vector<1x16xf32> to vector<16xf32>
        %swap3A_183 = vector.shape_cast %bitcast_convert_type3A_173 : vector<16xf32> to vector<1x16xf32>
        tpu.vector_store %arg10[%swap3A_179, %swap3A_180], %swap3A_183 {strides = array<i32>} : memref<128x128xf32, #tpu.memory_space<vmem>>, vector<1x16xf32>,
        %get3A_184 = arith.constant 0 : i32
        %get3A_185 = arith.index_cast %get3A_184 : i32 to index
        %get3A_186 = arith.index_cast %scan3A_119 : i32 to index
        %get3A_187 = arith.constant 48 : index
        %get3A_188 = tpu.vector_load %arg9[%get3A_185, %get3A_186, %get3A_187] {strides = array<i32>} : memref<2x128x64xi32, #tpu.memory_space<vmem>>, vector<1x1x16xi32>,
        %get3A_189 = vector.shape_cast %get3A_188 : vector<1x1x16xi32> to vector<16xi32>
        %shift_left3A_190 = arith.constant 16 : i32
        %shift_left3A_191 = vector.broadcast %shift_left3A_190 : i32 to vector<16xi32>
        %shift_left3A_192 = arith.shli %get3A_189, %shift_left3A_191 : vector<16xi32>
        %bitcast_convert_type3A_193 = tpu.bitcast %shift_left3A_192 : vector<16xi32> -> vector<16xf32>
        %and3A_194 = vector.broadcast %scan3A_26 : i32 to vector<16xi32>
        %and3A_195 = arith.andi %get3A_189, %and3A_194 : vector<16xi32>
        %bitcast_convert_type3A_196 = tpu.bitcast %and3A_195 : vector<16xi32> -> vector<16xf32>
        %swap3A_197 = arith.index_cast %scan3A_119 : i32 to index
        %swap3A_198 = arith.constant 96 : index
        %swap3A_199 = tpu.vector_load %arg10[%swap3A_197, %swap3A_198] {strides = array<i32>} : memref<128x128xf32, #tpu.memory_space<vmem>>, vector<1x16xf32>,
        %swap3A_200 = vector.shape_cast %swap3A_199 : vector<1x16xf32> to vector<16xf32>
        %swap3A_201 = vector.shape_cast %bitcast_convert_type3A_193 : vector<16xf32> to vector<1x16xf32>
        tpu.vector_store %arg10[%swap3A_197, %swap3A_198], %swap3A_201 {strides = array<i32>} : memref<128x128xf32, #tpu.memory_space<vmem>>, vector<1x16xf32>,
        %swap3A_202 = arith.index_cast %scan3A_119 : i32 to index
        %swap3A_203 = arith.constant 112 : index
        %swap3A_204 = tpu.vector_load %arg10[%swap3A_202, %swap3A_203] {strides = array<i32>} : memref<128x128xf32, #tpu.memory_space<vmem>>, vector<1x16xf32>,
        %swap3A_205 = vector.shape_cast %swap3A_204 : vector<1x16xf32> to vector<16xf32>
        %swap3A_206 = vector.shape_cast %bitcast_convert_type3A_196 : vector<16xf32> to vector<1x16xf32>
        tpu.vector_store %arg10[%swap3A_202, %swap3A_203], %swap3A_206 {strides = array<i32>} : memref<128x128xf32, #tpu.memory_space<vmem>>, vector<1x16xf32>,
      }
      %scan3A_85 = arith.constant 128 : i32
      "tpu.region"() ({
        %run_scoped3A = tpu.sem_alloc : memref<!tpu.dma_semaphore, #tpu.memory_space<semaphore_mem>>
        %dma_start3A_119 = arith.constant 0 : i32
        %dma_start3A_120 = tpu.memref_slice %arg8[%add3A_68, %dma_start3A_119] : memref<40x128xi32, #tpu.memory_space<vmem>> -> memref<1x128xi32, #tpu.memory_space<vmem>>
        %dma_start3A_121 = tpu.memref_squeeze %dma_start3A_120 : memref<1x128xi32, #tpu.memory_space<vmem>> -> memref<128xi32, #tpu.memory_space<vmem>>
        %dma_start3A_122 = arith.constant 0 : i32
        %dma_start3A_123 = arith.constant 0 : i32
        %dma_start3A_124 = tpu.memref_slice %arg11[%dma_start3A_122, %dma_start3A_123] : memref<10240x128xf32, #tpu.memory_space<vmem_shared>> -> memref<10240x128xf32, #tpu.memory_space<vmem_shared>>
        tpu.enqueue_indirect_dma source(%arg10 : memref<128x128xf32, #tpu.memory_space<vmem>>) target(%dma_start3A_124 : memref<10240x128xf32, #tpu.memory_space<vmem_shared>>) offsets(%dma_start3A_121 : memref<128xi32, #tpu.memory_space<vmem>>) semaphore(%run_scoped3A : memref<!tpu.dma_semaphore, #tpu.memory_space<semaphore_mem>>) {add = true}
        %dma_wait3A_125 = arith.constant 0 : i32
        %dma_wait3A_126 = tpu.memref_slice %arg8[%add3A_68, %dma_wait3A_125] : memref<40x128xi32, #tpu.memory_space<vmem>> -> memref<1x128xi32, #tpu.memory_space<vmem>>
        %dma_wait3A_127 = tpu.memref_squeeze %dma_wait3A_126 : memref<1x128xi32, #tpu.memory_space<vmem>> -> memref<128xi32, #tpu.memory_space<vmem>>
        %dma_wait3A_128 = arith.constant 0 : i32
        %dma_wait3A_129 = arith.constant 0 : i32
        %dma_wait3A_130 = tpu.memref_slice %arg11[%dma_wait3A_128, %dma_wait3A_129] : memref<10240x128xf32, #tpu.memory_space<vmem_shared>> -> memref<10240x128xf32, #tpu.memory_space<vmem_shared>>
        tpu.wait_indirect_dma semaphore(%run_scoped3A : memref<!tpu.dma_semaphore, #tpu.memory_space<semaphore_mem>>) src(%arg10 : memref<128x128xf32, #tpu.memory_space<vmem>>) dst(%dma_wait3A_130 : memref<10240x128xf32, #tpu.memory_space<vmem_shared>>)
        tpu.yield
      }) : () -> ()
      %add3A_86 = arith.constant 2 : i32
      %add3A_87 = arith.addi %add3A_68, %add3A_86 : i32
      %lt3A = arith.constant 40 : i32
      %lt3A_88 = arith.cmpi slt, %add3A_87, %lt3A : i32
      %convert_element_type3A = arith.extui %lt3A_88 : i1 to i32
      %cond3A = arith.constant 0 : i32
      %cond3A_89 = arith.cmpi ne, %convert_element_type3A, %cond3A : i32
      scf.if %cond3A_89 {
        %add3A_119 = arith.constant 2 : i32
        %add3A_120 = arith.addi %add3A_68, %add3A_119 : i32
        %dma_start3A_121 = arith.constant 0 : i32
        %dma_start3A_122 = arith.constant 0 : i32
        %dma_start3A_123 = arith.constant 0 : i32
        %dma_start3A_124 = tpu.memref_slice %arg9[%dma_start3A_121, %dma_start3A_122, %dma_start3A_123] : memref<2x128x64xi32, #tpu.memory_space<vmem>> -> memref<1x128x64xi32, #tpu.memory_space<vmem>>
        %dma_start3A_125 = tpu.memref_squeeze %dma_start3A_124 : memref<1x128x64xi32, #tpu.memory_space<vmem>> -> memref<128x64xi32, #tpu.memory_space<vmem>>
        %dma_start3A_126 = arith.constant 0 : i32
        %dma_start3A_127 = tpu.memref_slice %arg7[%add3A_120, %dma_start3A_126] : memref<40x128xi32, #tpu.memory_space<vmem>> -> memref<1x128xi32, #tpu.memory_space<vmem>>
        %dma_start3A_128 = tpu.memref_squeeze %dma_start3A_127 : memref<1x128xi32, #tpu.memory_space<vmem>> -> memref<128xi32, #tpu.memory_space<vmem>>
        %dma_start3A_129 = arith.constant 0 : i32
        %dma_start3A_130 = arith.constant 0 : i32
        %dma_start3A_131 = tpu.memref_slice %arg2[%dma_start3A_129, %dma_start3A_130] : memref<10000x64xi32, #tpu.memory_space<hbm>> -> memref<10000x64xi32, #tpu.memory_space<hbm>>
        tpu.enqueue_indirect_dma source(%dma_start3A_131 : memref<10000x64xi32, #tpu.memory_space<hbm>>) target(%dma_start3A_125 : memref<128x64xi32, #tpu.memory_space<vmem>>) offsets(%dma_start3A_128 : memref<128xi32, #tpu.memory_space<vmem>>) semaphore(%arg12 : memref<!tpu.dma_semaphore, #tpu.memory_space<semaphore_mem>>)
      } else {
      }
      %mul3A_90 = arith.constant 2 : i32
      %mul3A_91 = arith.muli %scan3A_64, %mul3A_90 : i32
      %add3A_92 = arith.constant 1 : i32
      %add3A_93 = arith.addi %mul3A_91, %add3A_92 : i32
      %dma_wait3A_94 = arith.constant 0 : i32
      %dma_wait3A_95 = arith.constant 1 : i32
      %dma_wait3A_96 = arith.constant 0 : i32
      %dma_wait3A_97 = arith.constant 0 : i32
      %dma_wait3A_98 = tpu.memref_slice %arg9[%dma_wait3A_95, %dma_wait3A_96, %dma_wait3A_97] : memref<2x128x64xi32, #tpu.memory_space<vmem>> -> memref<1x128x64xi32, #tpu.memory_space<vmem>>
      %dma_wait3A_99 = tpu.memref_squeeze %dma_wait3A_98 : memref<1x128x64xi32, #tpu.memory_space<vmem>> -> memref<128x64xi32, #tpu.memory_space<vmem>>
      %dma_wait3A_100 = arith.constant 0 : i32
      %dma_wait3A_101 = tpu.memref_slice %arg7[%dma_wait3A_94, %dma_wait3A_100] : memref<40x128xi32, #tpu.memory_space<vmem>> -> memref<1x128xi32, #tpu.memory_space<vmem>>
      %dma_wait3A_102 = tpu.memref_squeeze %dma_wait3A_101 : memref<1x128xi32, #tpu.memory_space<vmem>> -> memref<128xi32, #tpu.memory_space<vmem>>
      %dma_wait3A_103 = arith.constant 0 : i32
      %dma_wait3A_104 = arith.constant 0 : i32
      %dma_wait3A_105 = tpu.memref_slice %arg2[%dma_wait3A_103, %dma_wait3A_104] : memref<10000x64xi32, #tpu.memory_space<hbm>> -> memref<10000x64xi32, #tpu.memory_space<hbm>>
      tpu.wait_indirect_dma semaphore(%arg13 : memref<!tpu.dma_semaphore, #tpu.memory_space<semaphore_mem>>) src(%dma_wait3A_105 : memref<10000x64xi32, #tpu.memory_space<hbm>>) dst(%dma_wait3A_99 : memref<128x64xi32, #tpu.memory_space<vmem>>)
      %scan3A_106 = arith.constant 0 : i32
      %scan3A_107 = arith.constant 0 : i32
      %scan3A_108 = arith.constant 128 : i32
      %scan3A_109 = arith.addi %scan3A_107, %scan3A_108 : i32
      %scan3A_110 = arith.constant 1 : i32
      scf.for %scan3A_119 = %scan3A_107 to %scan3A_109 step %scan3A_110  : i32 {
        %get3A = arith.constant 1 : i32
        %get3A_120 = arith.index_cast %get3A : i32 to index
        %get3A_121 = arith.index_cast %scan3A_119 : i32 to index
        %get3A_122 = arith.constant 0 : index
        %get3A_123 = tpu.vector_load %arg9[%get3A_120, %get3A_121, %get3A_122] {strides = array<i32>} : memref<2x128x64xi32, #tpu.memory_space<vmem>>, vector<1x1x16xi32>,
        %get3A_124 = vector.shape_cast %get3A_123 : vector<1x1x16xi32> to vector<16xi32>
        %shift_left3A = arith.constant 16 : i32
        %shift_left3A_125 = vector.broadcast %shift_left3A : i32 to vector<16xi32>
        %shift_left3A_126 = arith.shli %get3A_124, %shift_left3A_125 : vector<16xi32>
        %bitcast_convert_type3A = tpu.bitcast %shift_left3A_126 : vector<16xi32> -> vector<16xf32>
        %and3A = vector.broadcast %scan3A_26 : i32 to vector<16xi32>
        %and3A_127 = arith.andi %get3A_124, %and3A : vector<16xi32>
        %bitcast_convert_type3A_128 = tpu.bitcast %and3A_127 : vector<16xi32> -> vector<16xf32>
        %swap3A = arith.index_cast %scan3A_119 : i32 to index
        %swap3A_129 = arith.constant 0 : index
        %swap3A_130 = tpu.vector_load %arg10[%swap3A, %swap3A_129] {strides = array<i32>} : memref<128x128xf32, #tpu.memory_space<vmem>>, vector<1x16xf32>,
        %swap3A_131 = vector.shape_cast %swap3A_130 : vector<1x16xf32> to vector<16xf32>
        %swap3A_132 = vector.shape_cast %bitcast_convert_type3A : vector<16xf32> to vector<1x16xf32>
        tpu.vector_store %arg10[%swap3A, %swap3A_129], %swap3A_132 {strides = array<i32>} : memref<128x128xf32, #tpu.memory_space<vmem>>, vector<1x16xf32>,
        %swap3A_133 = arith.index_cast %scan3A_119 : i32 to index
        %swap3A_134 = arith.constant 16 : index
        %swap3A_135 = tpu.vector_load %arg10[%swap3A_133, %swap3A_134] {strides = array<i32>} : memref<128x128xf32, #tpu.memory_space<vmem>>, vector<1x16xf32>,
        %swap3A_136 = vector.shape_cast %swap3A_135 : vector<1x16xf32> to vector<16xf32>
        %swap3A_137 = vector.shape_cast %bitcast_convert_type3A_128 : vector<16xf32> to vector<1x16xf32>
        tpu.vector_store %arg10[%swap3A_133, %swap3A_134], %swap3A_137 {strides = array<i32>} : memref<128x128xf32, #tpu.memory_space<vmem>>, vector<1x16xf32>,
        %get3A_138 = arith.constant 1 : i32
        %get3A_139 = arith.index_cast %get3A_138 : i32 to index
        %get3A_140 = arith.index_cast %scan3A_119 : i32 to index
        %get3A_141 = arith.constant 16 : index
        %get3A_142 = tpu.vector_load %arg9[%get3A_139, %get3A_140, %get3A_141] {strides = array<i32>} : memref<2x128x64xi32, #tpu.memory_space<vmem>>, vector<1x1x16xi32>,
        %get3A_143 = vector.shape_cast %get3A_142 : vector<1x1x16xi32> to vector<16xi32>
        %shift_left3A_144 = arith.constant 16 : i32
        %shift_left3A_145 = vector.broadcast %shift_left3A_144 : i32 to vector<16xi32>
        %shift_left3A_146 = arith.shli %get3A_143, %shift_left3A_145 : vector<16xi32>
        %bitcast_convert_type3A_147 = tpu.bitcast %shift_left3A_146 : vector<16xi32> -> vector<16xf32>
        %and3A_148 = vector.broadcast %scan3A_26 : i32 to vector<16xi32>
        %and3A_149 = arith.andi %get3A_143, %and3A_148 : vector<16xi32>
        %bitcast_convert_type3A_150 = tpu.bitcast %and3A_149 : vector<16xi32> -> vector<16xf32>
        %swap3A_151 = arith.index_cast %scan3A_119 : i32 to index
        %swap3A_152 = arith.constant 32 : index
        %swap3A_153 = tpu.vector_load %arg10[%swap3A_151, %swap3A_152] {strides = array<i32>} : memref<128x128xf32, #tpu.memory_space<vmem>>, vector<1x16xf32>,
        %swap3A_154 = vector.shape_cast %swap3A_153 : vector<1x16xf32> to vector<16xf32>
        %swap3A_155 = vector.shape_cast %bitcast_convert_type3A_147 : vector<16xf32> to vector<1x16xf32>
        tpu.vector_store %arg10[%swap3A_151, %swap3A_152], %swap3A_155 {strides = array<i32>} : memref<128x128xf32, #tpu.memory_space<vmem>>, vector<1x16xf32>,
        %swap3A_156 = arith.index_cast %scan3A_119 : i32 to index
        %swap3A_157 = arith.constant 48 : index
        %swap3A_158 = tpu.vector_load %arg10[%swap3A_156, %swap3A_157] {strides = array<i32>} : memref<128x128xf32, #tpu.memory_space<vmem>>, vector<1x16xf32>,
        %swap3A_159 = vector.shape_cast %swap3A_158 : vector<1x16xf32> to vector<16xf32>
        %swap3A_160 = vector.shape_cast %bitcast_convert_type3A_150 : vector<16xf32> to vector<1x16xf32>
        tpu.vector_store %arg10[%swap3A_156, %swap3A_157], %swap3A_160 {strides = array<i32>} : memref<128x128xf32, #tpu.memory_space<vmem>>, vector<1x16xf32>,
        %get3A_161 = arith.constant 1 : i32
        %get3A_162 = arith.index_cast %get3A_161 : i32 to index
        %get3A_163 = arith.index_cast %scan3A_119 : i32 to index
        %get3A_164 = arith.constant 32 : index
        %get3A_165 = tpu.vector_load %arg9[%get3A_162, %get3A_163, %get3A_164] {strides = array<i32>} : memref<2x128x64xi32, #tpu.memory_space<vmem>>, vector<1x1x16xi32>,
        %get3A_166 = vector.shape_cast %get3A_165 : vector<1x1x16xi32> to vector<16xi32>
        %shift_left3A_167 = arith.constant 16 : i32
        %shift_left3A_168 = vector.broadcast %shift_left3A_167 : i32 to vector<16xi32>
        %shift_left3A_169 = arith.shli %get3A_166, %shift_left3A_168 : vector<16xi32>
        %bitcast_convert_type3A_170 = tpu.bitcast %shift_left3A_169 : vector<16xi32> -> vector<16xf32>
        %and3A_171 = vector.broadcast %scan3A_26 : i32 to vector<16xi32>
        %and3A_172 = arith.andi %get3A_166, %and3A_171 : vector<16xi32>
        %bitcast_convert_type3A_173 = tpu.bitcast %and3A_172 : vector<16xi32> -> vector<16xf32>
        %swap3A_174 = arith.index_cast %scan3A_119 : i32 to index
        %swap3A_175 = arith.constant 64 : index
        %swap3A_176 = tpu.vector_load %arg10[%swap3A_174, %swap3A_175] {strides = array<i32>} : memref<128x128xf32, #tpu.memory_space<vmem>>, vector<1x16xf32>,
        %swap3A_177 = vector.shape_cast %swap3A_176 : vector<1x16xf32> to vector<16xf32>
        %swap3A_178 = vector.shape_cast %bitcast_convert_type3A_170 : vector<16xf32> to vector<1x16xf32>
        tpu.vector_store %arg10[%swap3A_174, %swap3A_175], %swap3A_178 {strides = array<i32>} : memref<128x128xf32, #tpu.memory_space<vmem>>, vector<1x16xf32>,
        %swap3A_179 = arith.index_cast %scan3A_119 : i32 to index
        %swap3A_180 = arith.constant 80 : index
        %swap3A_181 = tpu.vector_load %arg10[%swap3A_179, %swap3A_180] {strides = array<i32>} : memref<128x128xf32, #tpu.memory_space<vmem>>, vector<1x16xf32>,
        %swap3A_182 = vector.shape_cast %swap3A_181 : vector<1x16xf32> to vector<16xf32>
        %swap3A_183 = vector.shape_cast %bitcast_convert_type3A_173 : vector<16xf32> to vector<1x16xf32>
        tpu.vector_store %arg10[%swap3A_179, %swap3A_180], %swap3A_183 {strides = array<i32>} : memref<128x128xf32, #tpu.memory_space<vmem>>, vector<1x16xf32>,
        %get3A_184 = arith.constant 1 : i32
        %get3A_185 = arith.index_cast %get3A_184 : i32 to index
        %get3A_186 = arith.index_cast %scan3A_119 : i32 to index
        %get3A_187 = arith.constant 48 : index
        %get3A_188 = tpu.vector_load %arg9[%get3A_185, %get3A_186, %get3A_187] {strides = array<i32>} : memref<2x128x64xi32, #tpu.memory_space<vmem>>, vector<1x1x16xi32>,
        %get3A_189 = vector.shape_cast %get3A_188 : vector<1x1x16xi32> to vector<16xi32>
        %shift_left3A_190 = arith.constant 16 : i32
        %shift_left3A_191 = vector.broadcast %shift_left3A_190 : i32 to vector<16xi32>
        %shift_left3A_192 = arith.shli %get3A_189, %shift_left3A_191 : vector<16xi32>
        %bitcast_convert_type3A_193 = tpu.bitcast %shift_left3A_192 : vector<16xi32> -> vector<16xf32>
        %and3A_194 = vector.broadcast %scan3A_26 : i32 to vector<16xi32>
        %and3A_195 = arith.andi %get3A_189, %and3A_194 : vector<16xi32>
        %bitcast_convert_type3A_196 = tpu.bitcast %and3A_195 : vector<16xi32> -> vector<16xf32>
        %swap3A_197 = arith.index_cast %scan3A_119 : i32 to index
        %swap3A_198 = arith.constant 96 : index
        %swap3A_199 = tpu.vector_load %arg10[%swap3A_197, %swap3A_198] {strides = array<i32>} : memref<128x128xf32, #tpu.memory_space<vmem>>, vector<1x16xf32>,
        %swap3A_200 = vector.shape_cast %swap3A_199 : vector<1x16xf32> to vector<16xf32>
        %swap3A_201 = vector.shape_cast %bitcast_convert_type3A_193 : vector<16xf32> to vector<1x16xf32>
        tpu.vector_store %arg10[%swap3A_197, %swap3A_198], %swap3A_201 {strides = array<i32>} : memref<128x128xf32, #tpu.memory_space<vmem>>, vector<1x16xf32>,
        %swap3A_202 = arith.index_cast %scan3A_119 : i32 to index
        %swap3A_203 = arith.constant 112 : index
        %swap3A_204 = tpu.vector_load %arg10[%swap3A_202, %swap3A_203] {strides = array<i32>} : memref<128x128xf32, #tpu.memory_space<vmem>>, vector<1x16xf32>,
        %swap3A_205 = vector.shape_cast %swap3A_204 : vector<1x16xf32> to vector<16xf32>
        %swap3A_206 = vector.shape_cast %bitcast_convert_type3A_196 : vector<16xf32> to vector<1x16xf32>
        tpu.vector_store %arg10[%swap3A_202, %swap3A_203], %swap3A_206 {strides = array<i32>} : memref<128x128xf32, #tpu.memory_space<vmem>>, vector<1x16xf32>,
      }
      %scan3A_111 = arith.constant 128 : i32
      "tpu.region"() ({
        %run_scoped3A = tpu.sem_alloc : memref<!tpu.dma_semaphore, #tpu.memory_space<semaphore_mem>>
        %dma_start3A_119 = arith.constant 0 : i32
        %dma_start3A_120 = tpu.memref_slice %arg8[%add3A_93, %dma_start3A_119] : memref<40x128xi32, #tpu.memory_space<vmem>> -> memref<1x128xi32, #tpu.memory_space<vmem>>
        %dma_start3A_121 = tpu.memref_squeeze %dma_start3A_120 : memref<1x128xi32, #tpu.memory_space<vmem>> -> memref<128xi32, #tpu.memory_space<vmem>>
        %dma_start3A_122 = arith.constant 0 : i32
        %dma_start3A_123 = arith.constant 0 : i32
        %dma_start3A_124 = tpu.memref_slice %arg11[%dma_start3A_122, %dma_start3A_123] : memref<10240x128xf32, #tpu.memory_space<vmem_shared>> -> memref<10240x128xf32, #tpu.memory_space<vmem_shared>>
        tpu.enqueue_indirect_dma source(%arg10 : memref<128x128xf32, #tpu.memory_space<vmem>>) target(%dma_start3A_124 : memref<10240x128xf32, #tpu.memory_space<vmem_shared>>) offsets(%dma_start3A_121 : memref<128xi32, #tpu.memory_space<vmem>>) semaphore(%run_scoped3A : memref<!tpu.dma_semaphore, #tpu.memory_space<semaphore_mem>>) {add = true}
        %dma_wait3A_125 = arith.constant 0 : i32
        %dma_wait3A_126 = tpu.memref_slice %arg8[%add3A_93, %dma_wait3A_125] : memref<40x128xi32, #tpu.memory_space<vmem>> -> memref<1x128xi32, #tpu.memory_space<vmem>>
        %dma_wait3A_127 = tpu.memref_squeeze %dma_wait3A_126 : memref<1x128xi32, #tpu.memory_space<vmem>> -> memref<128xi32, #tpu.memory_space<vmem>>
        %dma_wait3A_128 = arith.constant 0 : i32
        %dma_wait3A_129 = arith.constant 0 : i32
        %dma_wait3A_130 = tpu.memref_slice %arg11[%dma_wait3A_128, %dma_wait3A_129] : memref<10240x128xf32, #tpu.memory_space<vmem_shared>> -> memref<10240x128xf32, #tpu.memory_space<vmem_shared>>
        tpu.wait_indirect_dma semaphore(%run_scoped3A : memref<!tpu.dma_semaphore, #tpu.memory_space<semaphore_mem>>) src(%arg10 : memref<128x128xf32, #tpu.memory_space<vmem>>) dst(%dma_wait3A_130 : memref<10240x128xf32, #tpu.memory_space<vmem_shared>>)
        tpu.yield
      }) : () -> ()
      %add3A_112 = arith.constant 2 : i32
      %add3A_113 = arith.addi %add3A_93, %add3A_112 : i32
      %lt3A_114 = arith.constant 40 : i32
      %lt3A_115 = arith.cmpi slt, %add3A_113, %lt3A_114 : i32
      %convert_element_type3A_116 = arith.extui %lt3A_115 : i1 to i32
      %cond3A_117 = arith.constant 0 : i32
      %cond3A_118 = arith.cmpi ne, %convert_element_type3A_116, %cond3A_117 : i32
      scf.if %cond3A_118 {
        %add3A_119 = arith.constant 2 : i32
        %add3A_120 = arith.addi %add3A_93, %add3A_119 : i32
        %dma_start3A_121 = arith.constant 1 : i32
        %dma_start3A_122 = arith.constant 0 : i32
        %dma_start3A_123 = arith.constant 0 : i32
        %dma_start3A_124 = tpu.memref_slice %arg9[%dma_start3A_121, %dma_start3A_122, %dma_start3A_123] : memref<2x128x64xi32, #tpu.memory_space<vmem>> -> memref<1x128x64xi32, #tpu.memory_space<vmem>>
        %dma_start3A_125 = tpu.memref_squeeze %dma_start3A_124 : memref<1x128x64xi32, #tpu.memory_space<vmem>> -> memref<128x64xi32, #tpu.memory_space<vmem>>
        %dma_start3A_126 = arith.constant 0 : i32
        %dma_start3A_127 = tpu.memref_slice %arg7[%add3A_120, %dma_start3A_126] : memref<40x128xi32, #tpu.memory_space<vmem>> -> memref<1x128xi32, #tpu.memory_space<vmem>>
        %dma_start3A_128 = tpu.memref_squeeze %dma_start3A_127 : memref<1x128xi32, #tpu.memory_space<vmem>> -> memref<128xi32, #tpu.memory_space<vmem>>
        %dma_start3A_129 = arith.constant 0 : i32
        %dma_start3A_130 = arith.constant 0 : i32
        %dma_start3A_131 = tpu.memref_slice %arg2[%dma_start3A_129, %dma_start3A_130] : memref<10000x64xi32, #tpu.memory_space<hbm>> -> memref<10000x64xi32, #tpu.memory_space<hbm>>
        tpu.enqueue_indirect_dma source(%dma_start3A_131 : memref<10000x64xi32, #tpu.memory_space<hbm>>) target(%dma_start3A_125 : memref<128x64xi32, #tpu.memory_space<vmem>>) offsets(%dma_start3A_128 : memref<128xi32, #tpu.memory_space<vmem>>) semaphore(%arg13 : memref<!tpu.dma_semaphore, #tpu.memory_space<semaphore_mem>>)
      } else {
      }
    }
    %scan3A_31 = arith.constant 20 : i32
    "tpu.region"() ({
      %run_scoped3A = tpu.sem_alloc : memref<!tpu.dma_semaphore, #tpu.memory_space<semaphore_mem>>
      %dma_start3A_64 = arith.constant 40 : i32
      %dma_start3A_65 = arith.constant 0 : i32
      %dma_start3A_66 = tpu.memref_slice %arg3[%add3A, %dma_start3A_64, %dma_start3A_65] : memref<32x80x128xi32, #tpu.memory_space<hbm>> -> memref<1x40x128xi32, #tpu.memory_space<hbm>>
      %dma_start3A_67 = tpu.memref_squeeze %dma_start3A_66 : memref<1x40x128xi32, #tpu.memory_space<hbm>> -> memref<40x128xi32, #tpu.memory_space<hbm>>
      %dma_start3A_68 = arith.constant 40 : i32
      %dma_start3A_69 = arith.constant 0 : i32
      %dma_start3A_70 = tpu.memref_slice %arg3[%add3A, %dma_start3A_68, %dma_start3A_69] : memref<32x80x128xi32, #tpu.memory_space<hbm>> -> memref<1x40x128xi32, #tpu.memory_space<hbm>>
      %dma_start3A_71 = tpu.memref_squeeze %dma_start3A_70 : memref<1x40x128xi32, #tpu.memory_space<hbm>> -> memref<40x128xi32, #tpu.memory_space<hbm>>
      tpu.enqueue_dma source(%dma_start3A_71 : memref<40x128xi32, #tpu.memory_space<hbm>>) target(%arg7 : memref<40x128xi32, #tpu.memory_space<vmem>>) target_semaphore(%run_scoped3A : memref<!tpu.dma_semaphore, #tpu.memory_space<semaphore_mem>>)
      %dma_wait3A = arith.constant 40 : i32
      %dma_wait3A_72 = arith.constant 0 : i32
      %dma_wait3A_73 = tpu.memref_slice %arg3[%add3A, %dma_wait3A, %dma_wait3A_72] : memref<32x80x128xi32, #tpu.memory_space<hbm>> -> memref<1x40x128xi32, #tpu.memory_space<hbm>>
      %dma_wait3A_74 = tpu.memref_squeeze %dma_wait3A_73 : memref<1x40x128xi32, #tpu.memory_space<hbm>> -> memref<40x128xi32, #tpu.memory_space<hbm>>
      %dma_wait3A_75 = arith.constant 40 : i32
      %dma_wait3A_76 = arith.constant 0 : i32
      %dma_wait3A_77 = tpu.memref_slice %arg3[%add3A, %dma_wait3A_75, %dma_wait3A_76] : memref<32x80x128xi32, #tpu.memory_space<hbm>> -> memref<1x40x128xi32, #tpu.memory_space<hbm>>
      %dma_wait3A_78 = tpu.memref_squeeze %dma_wait3A_77 : memref<1x40x128xi32, #tpu.memory_space<hbm>> -> memref<40x128xi32, #tpu.memory_space<hbm>>
      tpu.wait_dma2 semaphore(%run_scoped3A : memref<!tpu.dma_semaphore, #tpu.memory_space<semaphore_mem>>) src(%dma_wait3A_78 : memref<40x128xi32, #tpu.memory_space<hbm>>) dst(%arg7 : memref<40x128xi32, #tpu.memory_space<vmem>>)
      tpu.yield
    }) : () -> ()
    "tpu.region"() ({
      %run_scoped3A = tpu.sem_alloc : memref<!tpu.dma_semaphore, #tpu.memory_space<semaphore_mem>>
      %dma_start3A_64 = arith.constant 40 : i32
      %dma_start3A_65 = arith.constant 0 : i32
      %dma_start3A_66 = tpu.memref_slice %arg4[%add3A, %dma_start3A_64, %dma_start3A_65] : memref<32x80x128xi32, #tpu.memory_space<hbm>> -> memref<1x40x128xi32, #tpu.memory_space<hbm>>
      %dma_start3A_67 = tpu.memref_squeeze %dma_start3A_66 : memref<1x40x128xi32, #tpu.memory_space<hbm>> -> memref<40x128xi32, #tpu.memory_space<hbm>>
      %dma_start3A_68 = arith.constant 40 : i32
      %dma_start3A_69 = arith.constant 0 : i32
      %dma_start3A_70 = tpu.memref_slice %arg4[%add3A, %dma_start3A_68, %dma_start3A_69] : memref<32x80x128xi32, #tpu.memory_space<hbm>> -> memref<1x40x128xi32, #tpu.memory_space<hbm>>
      %dma_start3A_71 = tpu.memref_squeeze %dma_start3A_70 : memref<1x40x128xi32, #tpu.memory_space<hbm>> -> memref<40x128xi32, #tpu.memory_space<hbm>>
      tpu.enqueue_dma source(%dma_start3A_71 : memref<40x128xi32, #tpu.memory_space<hbm>>) target(%arg8 : memref<40x128xi32, #tpu.memory_space<vmem>>) target_semaphore(%run_scoped3A : memref<!tpu.dma_semaphore, #tpu.memory_space<semaphore_mem>>)
      %dma_wait3A = arith.constant 40 : i32
      %dma_wait3A_72 = arith.constant 0 : i32
      %dma_wait3A_73 = tpu.memref_slice %arg4[%add3A, %dma_wait3A, %dma_wait3A_72] : memref<32x80x128xi32, #tpu.memory_space<hbm>> -> memref<1x40x128xi32, #tpu.memory_space<hbm>>
      %dma_wait3A_74 = tpu.memref_squeeze %dma_wait3A_73 : memref<1x40x128xi32, #tpu.memory_space<hbm>> -> memref<40x128xi32, #tpu.memory_space<hbm>>
      %dma_wait3A_75 = arith.constant 40 : i32
      %dma_wait3A_76 = arith.constant 0 : i32
      %dma_wait3A_77 = tpu.memref_slice %arg4[%add3A, %dma_wait3A_75, %dma_wait3A_76] : memref<32x80x128xi32, #tpu.memory_space<hbm>> -> memref<1x40x128xi32, #tpu.memory_space<hbm>>
      %dma_wait3A_78 = tpu.memref_squeeze %dma_wait3A_77 : memref<1x40x128xi32, #tpu.memory_space<hbm>> -> memref<40x128xi32, #tpu.memory_space<hbm>>
      tpu.wait_dma2 semaphore(%run_scoped3A : memref<!tpu.dma_semaphore, #tpu.memory_space<semaphore_mem>>) src(%dma_wait3A_78 : memref<40x128xi32, #tpu.memory_space<hbm>>) dst(%arg8 : memref<40x128xi32, #tpu.memory_space<vmem>>)
      tpu.yield
    }) : () -> ()
    %dma_start3A_32 = arith.constant 0 : i32
    %dma_start3A_33 = arith.constant 0 : i32
    %dma_start3A_34 = arith.constant 0 : i32
    %dma_start3A_35 = arith.constant 0 : i32
    %dma_start3A_36 = tpu.memref_slice %arg9[%dma_start3A_33, %dma_start3A_34, %dma_start3A_35] : memref<2x128x64xi32, #tpu.memory_space<vmem>> -> memref<1x128x64xi32, #tpu.memory_space<vmem>>
    %dma_start3A_37 = tpu.memref_squeeze %dma_start3A_36 : memref<1x128x64xi32, #tpu.memory_space<vmem>> -> memref<128x64xi32, #tpu.memory_space<vmem>>
    %dma_start3A_38 = arith.constant 0 : i32
    %dma_start3A_39 = tpu.memref_slice %arg7[%dma_start3A_32, %dma_start3A_38] : memref<40x128xi32, #tpu.memory_space<vmem>> -> memref<1x128xi32, #tpu.memory_space<vmem>>
    %dma_start3A_40 = tpu.memref_squeeze %dma_start3A_39 : memref<1x128xi32, #tpu.memory_space<vmem>> -> memref<128xi32, #tpu.memory_space<vmem>>
    %dma_start3A_41 = arith.constant 0 : i32
    %dma_start3A_42 = arith.constant 0 : i32
    %dma_start3A_43 = tpu.memref_slice %arg2[%dma_start3A_41, %dma_start3A_42] : memref<10000x64xi32, #tpu.memory_space<hbm>> -> memref<10000x64xi32, #tpu.memory_space<hbm>>
    tpu.enqueue_indirect_dma source(%dma_start3A_43 : memref<10000x64xi32, #tpu.memory_space<hbm>>) target(%dma_start3A_37 : memref<128x64xi32, #tpu.memory_space<vmem>>) offsets(%dma_start3A_40 : memref<128xi32, #tpu.memory_space<vmem>>) semaphore(%arg12 : memref<!tpu.dma_semaphore, #tpu.memory_space<semaphore_mem>>)
    %dma_start3A_44 = arith.constant 1 : i32
    %dma_start3A_45 = arith.constant 1 : i32
    %dma_start3A_46 = arith.constant 0 : i32
    %dma_start3A_47 = arith.constant 0 : i32
    %dma_start3A_48 = tpu.memref_slice %arg9[%dma_start3A_45, %dma_start3A_46, %dma_start3A_47] : memref<2x128x64xi32, #tpu.memory_space<vmem>> -> memref<1x128x64xi32, #tpu.memory_space<vmem>>
    %dma_start3A_49 = tpu.memref_squeeze %dma_start3A_48 : memref<1x128x64xi32, #tpu.memory_space<vmem>> -> memref<128x64xi32, #tpu.memory_space<vmem>>
    %dma_start3A_50 = arith.constant 0 : i32
    %dma_start3A_51 = tpu.memref_slice %arg7[%dma_start3A_44, %dma_start3A_50] : memref<40x128xi32, #tpu.memory_space<vmem>> -> memref<1x128xi32, #tpu.memory_space<vmem>>
    %dma_start3A_52 = tpu.memref_squeeze %dma_start3A_51 : memref<1x128xi32, #tpu.memory_space<vmem>> -> memref<128xi32, #tpu.memory_space<vmem>>
    %dma_start3A_53 = arith.constant 0 : i32
    %dma_start3A_54 = arith.constant 0 : i32
    %dma_start3A_55 = tpu.memref_slice %arg2[%dma_start3A_53, %dma_start3A_54] : memref<10000x64xi32, #tpu.memory_space<hbm>> -> memref<10000x64xi32, #tpu.memory_space<hbm>>
    tpu.enqueue_indirect_dma source(%dma_start3A_55 : memref<10000x64xi32, #tpu.memory_space<hbm>>) target(%dma_start3A_49 : memref<128x64xi32, #tpu.memory_space<vmem>>) offsets(%dma_start3A_52 : memref<128xi32, #tpu.memory_space<vmem>>) semaphore(%arg13 : memref<!tpu.dma_semaphore, #tpu.memory_space<semaphore_mem>>)
    %scan3A_56 = arith.constant 0 : i32
    %scan3A_57 = arith.constant -65536 : i32
    %scan3A_58 = arith.constant 0 : i32
    %scan3A_59 = arith.constant 20 : i32
    %scan3A_60 = arith.addi %scan3A_58, %scan3A_59 : i32
    %scan3A_61 = arith.constant 1 : i32
    scf.for %scan3A_64 = %scan3A_58 to %scan3A_60 step %scan3A_61  : i32 {
      %mul3A_65 = arith.constant 2 : i32
      %mul3A_66 = arith.muli %scan3A_64, %mul3A_65 : i32
      %add3A_67 = arith.constant 0 : i32
      %add3A_68 = arith.addi %mul3A_66, %add3A_67 : i32
      %dma_wait3A = arith.constant 0 : i32
      %dma_wait3A_69 = arith.constant 0 : i32
      %dma_wait3A_70 = arith.constant 0 : i32
      %dma_wait3A_71 = arith.constant 0 : i32
      %dma_wait3A_72 = tpu.memref_slice %arg9[%dma_wait3A_69, %dma_wait3A_70, %dma_wait3A_71] : memref<2x128x64xi32, #tpu.memory_space<vmem>> -> memref<1x128x64xi32, #tpu.memory_space<vmem>>
      %dma_wait3A_73 = tpu.memref_squeeze %dma_wait3A_72 : memref<1x128x64xi32, #tpu.memory_space<vmem>> -> memref<128x64xi32, #tpu.memory_space<vmem>>
      %dma_wait3A_74 = arith.constant 0 : i32
      %dma_wait3A_75 = tpu.memref_slice %arg7[%dma_wait3A, %dma_wait3A_74] : memref<40x128xi32, #tpu.memory_space<vmem>> -> memref<1x128xi32, #tpu.memory_space<vmem>>
      %dma_wait3A_76 = tpu.memref_squeeze %dma_wait3A_75 : memref<1x128xi32, #tpu.memory_space<vmem>> -> memref<128xi32, #tpu.memory_space<vmem>>
      %dma_wait3A_77 = arith.constant 0 : i32
      %dma_wait3A_78 = arith.constant 0 : i32
      %dma_wait3A_79 = tpu.memref_slice %arg2[%dma_wait3A_77, %dma_wait3A_78] : memref<10000x64xi32, #tpu.memory_space<hbm>> -> memref<10000x64xi32, #tpu.memory_space<hbm>>
      tpu.wait_indirect_dma semaphore(%arg12 : memref<!tpu.dma_semaphore, #tpu.memory_space<semaphore_mem>>) src(%dma_wait3A_79 : memref<10000x64xi32, #tpu.memory_space<hbm>>) dst(%dma_wait3A_73 : memref<128x64xi32, #tpu.memory_space<vmem>>)
      %scan3A_80 = arith.constant 0 : i32
      %scan3A_81 = arith.constant 0 : i32
      %scan3A_82 = arith.constant 128 : i32
      %scan3A_83 = arith.addi %scan3A_81, %scan3A_82 : i32
      %scan3A_84 = arith.constant 1 : i32
      scf.for %scan3A_119 = %scan3A_81 to %scan3A_83 step %scan3A_84  : i32 {
        %get3A = arith.constant 0 : i32
        %get3A_120 = arith.index_cast %get3A : i32 to index
        %get3A_121 = arith.index_cast %scan3A_119 : i32 to index
        %get3A_122 = arith.constant 0 : index
        %get3A_123 = tpu.vector_load %arg9[%get3A_120, %get3A_121, %get3A_122] {strides = array<i32>} : memref<2x128x64xi32, #tpu.memory_space<vmem>>, vector<1x1x16xi32>,
        %get3A_124 = vector.shape_cast %get3A_123 : vector<1x1x16xi32> to vector<16xi32>
        %shift_left3A = arith.constant 16 : i32
        %shift_left3A_125 = vector.broadcast %shift_left3A : i32 to vector<16xi32>
        %shift_left3A_126 = arith.shli %get3A_124, %shift_left3A_125 : vector<16xi32>
        %bitcast_convert_type3A = tpu.bitcast %shift_left3A_126 : vector<16xi32> -> vector<16xf32>
        %and3A = vector.broadcast %scan3A_57 : i32 to vector<16xi32>
        %and3A_127 = arith.andi %get3A_124, %and3A : vector<16xi32>
        %bitcast_convert_type3A_128 = tpu.bitcast %and3A_127 : vector<16xi32> -> vector<16xf32>
        %swap3A = arith.index_cast %scan3A_119 : i32 to index
        %swap3A_129 = arith.constant 0 : index
        %swap3A_130 = tpu.vector_load %arg10[%swap3A, %swap3A_129] {strides = array<i32>} : memref<128x128xf32, #tpu.memory_space<vmem>>, vector<1x16xf32>,
        %swap3A_131 = vector.shape_cast %swap3A_130 : vector<1x16xf32> to vector<16xf32>
        %swap3A_132 = vector.shape_cast %bitcast_convert_type3A : vector<16xf32> to vector<1x16xf32>
        tpu.vector_store %arg10[%swap3A, %swap3A_129], %swap3A_132 {strides = array<i32>} : memref<128x128xf32, #tpu.memory_space<vmem>>, vector<1x16xf32>,
        %swap3A_133 = arith.index_cast %scan3A_119 : i32 to index
        %swap3A_134 = arith.constant 16 : index
        %swap3A_135 = tpu.vector_load %arg10[%swap3A_133, %swap3A_134] {strides = array<i32>} : memref<128x128xf32, #tpu.memory_space<vmem>>, vector<1x16xf32>,
        %swap3A_136 = vector.shape_cast %swap3A_135 : vector<1x16xf32> to vector<16xf32>
        %swap3A_137 = vector.shape_cast %bitcast_convert_type3A_128 : vector<16xf32> to vector<1x16xf32>
        tpu.vector_store %arg10[%swap3A_133, %swap3A_134], %swap3A_137 {strides = array<i32>} : memref<128x128xf32, #tpu.memory_space<vmem>>, vector<1x16xf32>,
        %get3A_138 = arith.constant 0 : i32
        %get3A_139 = arith.index_cast %get3A_138 : i32 to index
        %get3A_140 = arith.index_cast %scan3A_119 : i32 to index
        %get3A_141 = arith.constant 16 : index
        %get3A_142 = tpu.vector_load %arg9[%get3A_139, %get3A_140, %get3A_141] {strides = array<i32>} : memref<2x128x64xi32, #tpu.memory_space<vmem>>, vector<1x1x16xi32>,
        %get3A_143 = vector.shape_cast %get3A_142 : vector<1x1x16xi32> to vector<16xi32>
        %shift_left3A_144 = arith.constant 16 : i32
        %shift_left3A_145 = vector.broadcast %shift_left3A_144 : i32 to vector<16xi32>
        %shift_left3A_146 = arith.shli %get3A_143, %shift_left3A_145 : vector<16xi32>
        %bitcast_convert_type3A_147 = tpu.bitcast %shift_left3A_146 : vector<16xi32> -> vector<16xf32>
        %and3A_148 = vector.broadcast %scan3A_57 : i32 to vector<16xi32>
        %and3A_149 = arith.andi %get3A_143, %and3A_148 : vector<16xi32>
        %bitcast_convert_type3A_150 = tpu.bitcast %and3A_149 : vector<16xi32> -> vector<16xf32>
        %swap3A_151 = arith.index_cast %scan3A_119 : i32 to index
        %swap3A_152 = arith.constant 32 : index
        %swap3A_153 = tpu.vector_load %arg10[%swap3A_151, %swap3A_152] {strides = array<i32>} : memref<128x128xf32, #tpu.memory_space<vmem>>, vector<1x16xf32>,
        %swap3A_154 = vector.shape_cast %swap3A_153 : vector<1x16xf32> to vector<16xf32>
        %swap3A_155 = vector.shape_cast %bitcast_convert_type3A_147 : vector<16xf32> to vector<1x16xf32>
        tpu.vector_store %arg10[%swap3A_151, %swap3A_152], %swap3A_155 {strides = array<i32>} : memref<128x128xf32, #tpu.memory_space<vmem>>, vector<1x16xf32>,
        %swap3A_156 = arith.index_cast %scan3A_119 : i32 to index
        %swap3A_157 = arith.constant 48 : index
        %swap3A_158 = tpu.vector_load %arg10[%swap3A_156, %swap3A_157] {strides = array<i32>} : memref<128x128xf32, #tpu.memory_space<vmem>>, vector<1x16xf32>,
        %swap3A_159 = vector.shape_cast %swap3A_158 : vector<1x16xf32> to vector<16xf32>
        %swap3A_160 = vector.shape_cast %bitcast_convert_type3A_150 : vector<16xf32> to vector<1x16xf32>
        tpu.vector_store %arg10[%swap3A_156, %swap3A_157], %swap3A_160 {strides = array<i32>} : memref<128x128xf32, #tpu.memory_space<vmem>>, vector<1x16xf32>,
        %get3A_161 = arith.constant 0 : i32
        %get3A_162 = arith.index_cast %get3A_161 : i32 to index
        %get3A_163 = arith.index_cast %scan3A_119 : i32 to index
        %get3A_164 = arith.constant 32 : index
        %get3A_165 = tpu.vector_load %arg9[%get3A_162, %get3A_163, %get3A_164] {strides = array<i32>} : memref<2x128x64xi32, #tpu.memory_space<vmem>>, vector<1x1x16xi32>,
        %get3A_166 = vector.shape_cast %get3A_165 : vector<1x1x16xi32> to vector<16xi32>
        %shift_left3A_167 = arith.constant 16 : i32
        %shift_left3A_168 = vector.broadcast %shift_left3A_167 : i32 to vector<16xi32>
        %shift_left3A_169 = arith.shli %get3A_166, %shift_left3A_168 : vector<16xi32>
        %bitcast_convert_type3A_170 = tpu.bitcast %shift_left3A_169 : vector<16xi32> -> vector<16xf32>
        %and3A_171 = vector.broadcast %scan3A_57 : i32 to vector<16xi32>
        %and3A_172 = arith.andi %get3A_166, %and3A_171 : vector<16xi32>
        %bitcast_convert_type3A_173 = tpu.bitcast %and3A_172 : vector<16xi32> -> vector<16xf32>
        %swap3A_174 = arith.index_cast %scan3A_119 : i32 to index
        %swap3A_175 = arith.constant 64 : index
        %swap3A_176 = tpu.vector_load %arg10[%swap3A_174, %swap3A_175] {strides = array<i32>} : memref<128x128xf32, #tpu.memory_space<vmem>>, vector<1x16xf32>,
        %swap3A_177 = vector.shape_cast %swap3A_176 : vector<1x16xf32> to vector<16xf32>
        %swap3A_178 = vector.shape_cast %bitcast_convert_type3A_170 : vector<16xf32> to vector<1x16xf32>
        tpu.vector_store %arg10[%swap3A_174, %swap3A_175], %swap3A_178 {strides = array<i32>} : memref<128x128xf32, #tpu.memory_space<vmem>>, vector<1x16xf32>,
        %swap3A_179 = arith.index_cast %scan3A_119 : i32 to index
        %swap3A_180 = arith.constant 80 : index
        %swap3A_181 = tpu.vector_load %arg10[%swap3A_179, %swap3A_180] {strides = array<i32>} : memref<128x128xf32, #tpu.memory_space<vmem>>, vector<1x16xf32>,
        %swap3A_182 = vector.shape_cast %swap3A_181 : vector<1x16xf32> to vector<16xf32>
        %swap3A_183 = vector.shape_cast %bitcast_convert_type3A_173 : vector<16xf32> to vector<1x16xf32>
        tpu.vector_store %arg10[%swap3A_179, %swap3A_180], %swap3A_183 {strides = array<i32>} : memref<128x128xf32, #tpu.memory_space<vmem>>, vector<1x16xf32>,
        %get3A_184 = arith.constant 0 : i32
        %get3A_185 = arith.index_cast %get3A_184 : i32 to index
        %get3A_186 = arith.index_cast %scan3A_119 : i32 to index
        %get3A_187 = arith.constant 48 : index
        %get3A_188 = tpu.vector_load %arg9[%get3A_185, %get3A_186, %get3A_187] {strides = array<i32>} : memref<2x128x64xi32, #tpu.memory_space<vmem>>, vector<1x1x16xi32>,
        %get3A_189 = vector.shape_cast %get3A_188 : vector<1x1x16xi32> to vector<16xi32>
        %shift_left3A_190 = arith.constant 16 : i32
        %shift_left3A_191 = vector.broadcast %shift_left3A_190 : i32 to vector<16xi32>
        %shift_left3A_192 = arith.shli %get3A_189, %shift_left3A_191 : vector<16xi32>
        %bitcast_convert_type3A_193 = tpu.bitcast %shift_left3A_192 : vector<16xi32> -> vector<16xf32>
        %and3A_194 = vector.broadcast %scan3A_57 : i32 to vector<16xi32>
        %and3A_195 = arith.andi %get3A_189, %and3A_194 : vector<16xi32>
        %bitcast_convert_type3A_196 = tpu.bitcast %and3A_195 : vector<16xi32> -> vector<16xf32>
        %swap3A_197 = arith.index_cast %scan3A_119 : i32 to index
        %swap3A_198 = arith.constant 96 : index
        %swap3A_199 = tpu.vector_load %arg10[%swap3A_197, %swap3A_198] {strides = array<i32>} : memref<128x128xf32, #tpu.memory_space<vmem>>, vector<1x16xf32>,
        %swap3A_200 = vector.shape_cast %swap3A_199 : vector<1x16xf32> to vector<16xf32>
        %swap3A_201 = vector.shape_cast %bitcast_convert_type3A_193 : vector<16xf32> to vector<1x16xf32>
        tpu.vector_store %arg10[%swap3A_197, %swap3A_198], %swap3A_201 {strides = array<i32>} : memref<128x128xf32, #tpu.memory_space<vmem>>, vector<1x16xf32>,
        %swap3A_202 = arith.index_cast %scan3A_119 : i32 to index
        %swap3A_203 = arith.constant 112 : index
        %swap3A_204 = tpu.vector_load %arg10[%swap3A_202, %swap3A_203] {strides = array<i32>} : memref<128x128xf32, #tpu.memory_space<vmem>>, vector<1x16xf32>,
        %swap3A_205 = vector.shape_cast %swap3A_204 : vector<1x16xf32> to vector<16xf32>
        %swap3A_206 = vector.shape_cast %bitcast_convert_type3A_196 : vector<16xf32> to vector<1x16xf32>
        tpu.vector_store %arg10[%swap3A_202, %swap3A_203], %swap3A_206 {strides = array<i32>} : memref<128x128xf32, #tpu.memory_space<vmem>>, vector<1x16xf32>,
      }
      %scan3A_85 = arith.constant 128 : i32
      "tpu.region"() ({
        %run_scoped3A = tpu.sem_alloc : memref<!tpu.dma_semaphore, #tpu.memory_space<semaphore_mem>>
        %dma_start3A_119 = arith.constant 0 : i32
        %dma_start3A_120 = tpu.memref_slice %arg8[%add3A_68, %dma_start3A_119] : memref<40x128xi32, #tpu.memory_space<vmem>> -> memref<1x128xi32, #tpu.memory_space<vmem>>
        %dma_start3A_121 = tpu.memref_squeeze %dma_start3A_120 : memref<1x128xi32, #tpu.memory_space<vmem>> -> memref<128xi32, #tpu.memory_space<vmem>>
        %dma_start3A_122 = arith.constant 0 : i32
        %dma_start3A_123 = arith.constant 0 : i32
        %dma_start3A_124 = tpu.memref_slice %arg11[%dma_start3A_122, %dma_start3A_123] : memref<10240x128xf32, #tpu.memory_space<vmem_shared>> -> memref<10240x128xf32, #tpu.memory_space<vmem_shared>>
        tpu.enqueue_indirect_dma source(%arg10 : memref<128x128xf32, #tpu.memory_space<vmem>>) target(%dma_start3A_124 : memref<10240x128xf32, #tpu.memory_space<vmem_shared>>) offsets(%dma_start3A_121 : memref<128xi32, #tpu.memory_space<vmem>>) semaphore(%run_scoped3A : memref<!tpu.dma_semaphore, #tpu.memory_space<semaphore_mem>>) {add = true}
        %dma_wait3A_125 = arith.constant 0 : i32
        %dma_wait3A_126 = tpu.memref_slice %arg8[%add3A_68, %dma_wait3A_125] : memref<40x128xi32, #tpu.memory_space<vmem>> -> memref<1x128xi32, #tpu.memory_space<vmem>>
        %dma_wait3A_127 = tpu.memref_squeeze %dma_wait3A_126 : memref<1x128xi32, #tpu.memory_space<vmem>> -> memref<128xi32, #tpu.memory_space<vmem>>
        %dma_wait3A_128 = arith.constant 0 : i32
        %dma_wait3A_129 = arith.constant 0 : i32
        %dma_wait3A_130 = tpu.memref_slice %arg11[%dma_wait3A_128, %dma_wait3A_129] : memref<10240x128xf32, #tpu.memory_space<vmem_shared>> -> memref<10240x128xf32, #tpu.memory_space<vmem_shared>>
        tpu.wait_indirect_dma semaphore(%run_scoped3A : memref<!tpu.dma_semaphore, #tpu.memory_space<semaphore_mem>>) src(%arg10 : memref<128x128xf32, #tpu.memory_space<vmem>>) dst(%dma_wait3A_130 : memref<10240x128xf32, #tpu.memory_space<vmem_shared>>)
        tpu.yield
      }) : () -> ()
      %add3A_86 = arith.constant 2 : i32
      %add3A_87 = arith.addi %add3A_68, %add3A_86 : i32
      %lt3A = arith.constant 40 : i32
      %lt3A_88 = arith.cmpi slt, %add3A_87, %lt3A : i32
      %convert_element_type3A = arith.extui %lt3A_88 : i1 to i32
      %cond3A = arith.constant 0 : i32
      %cond3A_89 = arith.cmpi ne, %convert_element_type3A, %cond3A : i32
      scf.if %cond3A_89 {
        %add3A_119 = arith.constant 2 : i32
        %add3A_120 = arith.addi %add3A_68, %add3A_119 : i32
        %dma_start3A_121 = arith.constant 0 : i32
        %dma_start3A_122 = arith.constant 0 : i32
        %dma_start3A_123 = arith.constant 0 : i32
        %dma_start3A_124 = tpu.memref_slice %arg9[%dma_start3A_121, %dma_start3A_122, %dma_start3A_123] : memref<2x128x64xi32, #tpu.memory_space<vmem>> -> memref<1x128x64xi32, #tpu.memory_space<vmem>>
        %dma_start3A_125 = tpu.memref_squeeze %dma_start3A_124 : memref<1x128x64xi32, #tpu.memory_space<vmem>> -> memref<128x64xi32, #tpu.memory_space<vmem>>
        %dma_start3A_126 = arith.constant 0 : i32
        %dma_start3A_127 = tpu.memref_slice %arg7[%add3A_120, %dma_start3A_126] : memref<40x128xi32, #tpu.memory_space<vmem>> -> memref<1x128xi32, #tpu.memory_space<vmem>>
        %dma_start3A_128 = tpu.memref_squeeze %dma_start3A_127 : memref<1x128xi32, #tpu.memory_space<vmem>> -> memref<128xi32, #tpu.memory_space<vmem>>
        %dma_start3A_129 = arith.constant 0 : i32
        %dma_start3A_130 = arith.constant 0 : i32
        %dma_start3A_131 = tpu.memref_slice %arg2[%dma_start3A_129, %dma_start3A_130] : memref<10000x64xi32, #tpu.memory_space<hbm>> -> memref<10000x64xi32, #tpu.memory_space<hbm>>
        tpu.enqueue_indirect_dma source(%dma_start3A_131 : memref<10000x64xi32, #tpu.memory_space<hbm>>) target(%dma_start3A_125 : memref<128x64xi32, #tpu.memory_space<vmem>>) offsets(%dma_start3A_128 : memref<128xi32, #tpu.memory_space<vmem>>) semaphore(%arg12 : memref<!tpu.dma_semaphore, #tpu.memory_space<semaphore_mem>>)
      } else {
      }
      %mul3A_90 = arith.constant 2 : i32
      %mul3A_91 = arith.muli %scan3A_64, %mul3A_90 : i32
      %add3A_92 = arith.constant 1 : i32
      %add3A_93 = arith.addi %mul3A_91, %add3A_92 : i32
      %dma_wait3A_94 = arith.constant 0 : i32
      %dma_wait3A_95 = arith.constant 1 : i32
      %dma_wait3A_96 = arith.constant 0 : i32
      %dma_wait3A_97 = arith.constant 0 : i32
      %dma_wait3A_98 = tpu.memref_slice %arg9[%dma_wait3A_95, %dma_wait3A_96, %dma_wait3A_97] : memref<2x128x64xi32, #tpu.memory_space<vmem>> -> memref<1x128x64xi32, #tpu.memory_space<vmem>>
      %dma_wait3A_99 = tpu.memref_squeeze %dma_wait3A_98 : memref<1x128x64xi32, #tpu.memory_space<vmem>> -> memref<128x64xi32, #tpu.memory_space<vmem>>
      %dma_wait3A_100 = arith.constant 0 : i32
      %dma_wait3A_101 = tpu.memref_slice %arg7[%dma_wait3A_94, %dma_wait3A_100] : memref<40x128xi32, #tpu.memory_space<vmem>> -> memref<1x128xi32, #tpu.memory_space<vmem>>
      %dma_wait3A_102 = tpu.memref_squeeze %dma_wait3A_101 : memref<1x128xi32, #tpu.memory_space<vmem>> -> memref<128xi32, #tpu.memory_space<vmem>>
      %dma_wait3A_103 = arith.constant 0 : i32
      %dma_wait3A_104 = arith.constant 0 : i32
      %dma_wait3A_105 = tpu.memref_slice %arg2[%dma_wait3A_103, %dma_wait3A_104] : memref<10000x64xi32, #tpu.memory_space<hbm>> -> memref<10000x64xi32, #tpu.memory_space<hbm>>
      tpu.wait_indirect_dma semaphore(%arg13 : memref<!tpu.dma_semaphore, #tpu.memory_space<semaphore_mem>>) src(%dma_wait3A_105 : memref<10000x64xi32, #tpu.memory_space<hbm>>) dst(%dma_wait3A_99 : memref<128x64xi32, #tpu.memory_space<vmem>>)
      %scan3A_106 = arith.constant 0 : i32
      %scan3A_107 = arith.constant 0 : i32
      %scan3A_108 = arith.constant 128 : i32
      %scan3A_109 = arith.addi %scan3A_107, %scan3A_108 : i32
      %scan3A_110 = arith.constant 1 : i32
      scf.for %scan3A_119 = %scan3A_107 to %scan3A_109 step %scan3A_110  : i32 {
        %get3A = arith.constant 1 : i32
        %get3A_120 = arith.index_cast %get3A : i32 to index
        %get3A_121 = arith.index_cast %scan3A_119 : i32 to index
        %get3A_122 = arith.constant 0 : index
        %get3A_123 = tpu.vector_load %arg9[%get3A_120, %get3A_121, %get3A_122] {strides = array<i32>} : memref<2x128x64xi32, #tpu.memory_space<vmem>>, vector<1x1x16xi32>,
        %get3A_124 = vector.shape_cast %get3A_123 : vector<1x1x16xi32> to vector<16xi32>
        %shift_left3A = arith.constant 16 : i32
        %shift_left3A_125 = vector.broadcast %shift_left3A : i32 to vector<16xi32>
        %shift_left3A_126 = arith.shli %get3A_124, %shift_left3A_125 : vector<16xi32>
        %bitcast_convert_type3A = tpu.bitcast %shift_left3A_126 : vector<16xi32> -> vector<16xf32>
        %and3A = vector.broadcast %scan3A_57 : i32 to vector<16xi32>
        %and3A_127 = arith.andi %get3A_124, %and3A : vector<16xi32>
        %bitcast_convert_type3A_128 = tpu.bitcast %and3A_127 : vector<16xi32> -> vector<16xf32>
        %swap3A = arith.index_cast %scan3A_119 : i32 to index
        %swap3A_129 = arith.constant 0 : index
        %swap3A_130 = tpu.vector_load %arg10[%swap3A, %swap3A_129] {strides = array<i32>} : memref<128x128xf32, #tpu.memory_space<vmem>>, vector<1x16xf32>,
        %swap3A_131 = vector.shape_cast %swap3A_130 : vector<1x16xf32> to vector<16xf32>
        %swap3A_132 = vector.shape_cast %bitcast_convert_type3A : vector<16xf32> to vector<1x16xf32>
        tpu.vector_store %arg10[%swap3A, %swap3A_129], %swap3A_132 {strides = array<i32>} : memref<128x128xf32, #tpu.memory_space<vmem>>, vector<1x16xf32>,
        %swap3A_133 = arith.index_cast %scan3A_119 : i32 to index
        %swap3A_134 = arith.constant 16 : index
        %swap3A_135 = tpu.vector_load %arg10[%swap3A_133, %swap3A_134] {strides = array<i32>} : memref<128x128xf32, #tpu.memory_space<vmem>>, vector<1x16xf32>,
        %swap3A_136 = vector.shape_cast %swap3A_135 : vector<1x16xf32> to vector<16xf32>
        %swap3A_137 = vector.shape_cast %bitcast_convert_type3A_128 : vector<16xf32> to vector<1x16xf32>
        tpu.vector_store %arg10[%swap3A_133, %swap3A_134], %swap3A_137 {strides = array<i32>} : memref<128x128xf32, #tpu.memory_space<vmem>>, vector<1x16xf32>,
        %get3A_138 = arith.constant 1 : i32
        %get3A_139 = arith.index_cast %get3A_138 : i32 to index
        %get3A_140 = arith.index_cast %scan3A_119 : i32 to index
        %get3A_141 = arith.constant 16 : index
        %get3A_142 = tpu.vector_load %arg9[%get3A_139, %get3A_140, %get3A_141] {strides = array<i32>} : memref<2x128x64xi32, #tpu.memory_space<vmem>>, vector<1x1x16xi32>,
        %get3A_143 = vector.shape_cast %get3A_142 : vector<1x1x16xi32> to vector<16xi32>
        %shift_left3A_144 = arith.constant 16 : i32
        %shift_left3A_145 = vector.broadcast %shift_left3A_144 : i32 to vector<16xi32>
        %shift_left3A_146 = arith.shli %get3A_143, %shift_left3A_145 : vector<16xi32>
        %bitcast_convert_type3A_147 = tpu.bitcast %shift_left3A_146 : vector<16xi32> -> vector<16xf32>
        %and3A_148 = vector.broadcast %scan3A_57 : i32 to vector<16xi32>
        %and3A_149 = arith.andi %get3A_143, %and3A_148 : vector<16xi32>
        %bitcast_convert_type3A_150 = tpu.bitcast %and3A_149 : vector<16xi32> -> vector<16xf32>
        %swap3A_151 = arith.index_cast %scan3A_119 : i32 to index
        %swap3A_152 = arith.constant 32 : index
        %swap3A_153 = tpu.vector_load %arg10[%swap3A_151, %swap3A_152] {strides = array<i32>} : memref<128x128xf32, #tpu.memory_space<vmem>>, vector<1x16xf32>,
        %swap3A_154 = vector.shape_cast %swap3A_153 : vector<1x16xf32> to vector<16xf32>
        %swap3A_155 = vector.shape_cast %bitcast_convert_type3A_147 : vector<16xf32> to vector<1x16xf32>
        tpu.vector_store %arg10[%swap3A_151, %swap3A_152], %swap3A_155 {strides = array<i32>} : memref<128x128xf32, #tpu.memory_space<vmem>>, vector<1x16xf32>,
        %swap3A_156 = arith.index_cast %scan3A_119 : i32 to index
        %swap3A_157 = arith.constant 48 : index
        %swap3A_158 = tpu.vector_load %arg10[%swap3A_156, %swap3A_157] {strides = array<i32>} : memref<128x128xf32, #tpu.memory_space<vmem>>, vector<1x16xf32>,
        %swap3A_159 = vector.shape_cast %swap3A_158 : vector<1x16xf32> to vector<16xf32>
        %swap3A_160 = vector.shape_cast %bitcast_convert_type3A_150 : vector<16xf32> to vector<1x16xf32>
        tpu.vector_store %arg10[%swap3A_156, %swap3A_157], %swap3A_160 {strides = array<i32>} : memref<128x128xf32, #tpu.memory_space<vmem>>, vector<1x16xf32>,
        %get3A_161 = arith.constant 1 : i32
        %get3A_162 = arith.index_cast %get3A_161 : i32 to index
        %get3A_163 = arith.index_cast %scan3A_119 : i32 to index
        %get3A_164 = arith.constant 32 : index
        %get3A_165 = tpu.vector_load %arg9[%get3A_162, %get3A_163, %get3A_164] {strides = array<i32>} : memref<2x128x64xi32, #tpu.memory_space<vmem>>, vector<1x1x16xi32>,
        %get3A_166 = vector.shape_cast %get3A_165 : vector<1x1x16xi32> to vector<16xi32>
        %shift_left3A_167 = arith.constant 16 : i32
        %shift_left3A_168 = vector.broadcast %shift_left3A_167 : i32 to vector<16xi32>
        %shift_left3A_169 = arith.shli %get3A_166, %shift_left3A_168 : vector<16xi32>
        %bitcast_convert_type3A_170 = tpu.bitcast %shift_left3A_169 : vector<16xi32> -> vector<16xf32>
        %and3A_171 = vector.broadcast %scan3A_57 : i32 to vector<16xi32>
        %and3A_172 = arith.andi %get3A_166, %and3A_171 : vector<16xi32>
        %bitcast_convert_type3A_173 = tpu.bitcast %and3A_172 : vector<16xi32> -> vector<16xf32>
        %swap3A_174 = arith.index_cast %scan3A_119 : i32 to index
        %swap3A_175 = arith.constant 64 : index
        %swap3A_176 = tpu.vector_load %arg10[%swap3A_174, %swap3A_175] {strides = array<i32>} : memref<128x128xf32, #tpu.memory_space<vmem>>, vector<1x16xf32>,
        %swap3A_177 = vector.shape_cast %swap3A_176 : vector<1x16xf32> to vector<16xf32>
        %swap3A_178 = vector.shape_cast %bitcast_convert_type3A_170 : vector<16xf32> to vector<1x16xf32>
        tpu.vector_store %arg10[%swap3A_174, %swap3A_175], %swap3A_178 {strides = array<i32>} : memref<128x128xf32, #tpu.memory_space<vmem>>, vector<1x16xf32>,
        %swap3A_179 = arith.index_cast %scan3A_119 : i32 to index
        %swap3A_180 = arith.constant 80 : index
        %swap3A_181 = tpu.vector_load %arg10[%swap3A_179, %swap3A_180] {strides = array<i32>} : memref<128x128xf32, #tpu.memory_space<vmem>>, vector<1x16xf32>,
        %swap3A_182 = vector.shape_cast %swap3A_181 : vector<1x16xf32> to vector<16xf32>
        %swap3A_183 = vector.shape_cast %bitcast_convert_type3A_173 : vector<16xf32> to vector<1x16xf32>
        tpu.vector_store %arg10[%swap3A_179, %swap3A_180], %swap3A_183 {strides = array<i32>} : memref<128x128xf32, #tpu.memory_space<vmem>>, vector<1x16xf32>,
        %get3A_184 = arith.constant 1 : i32
        %get3A_185 = arith.index_cast %get3A_184 : i32 to index
        %get3A_186 = arith.index_cast %scan3A_119 : i32 to index
        %get3A_187 = arith.constant 48 : index
        %get3A_188 = tpu.vector_load %arg9[%get3A_185, %get3A_186, %get3A_187] {strides = array<i32>} : memref<2x128x64xi32, #tpu.memory_space<vmem>>, vector<1x1x16xi32>,
        %get3A_189 = vector.shape_cast %get3A_188 : vector<1x1x16xi32> to vector<16xi32>
        %shift_left3A_190 = arith.constant 16 : i32
        %shift_left3A_191 = vector.broadcast %shift_left3A_190 : i32 to vector<16xi32>
        %shift_left3A_192 = arith.shli %get3A_189, %shift_left3A_191 : vector<16xi32>
        %bitcast_convert_type3A_193 = tpu.bitcast %shift_left3A_192 : vector<16xi32> -> vector<16xf32>
        %and3A_194 = vector.broadcast %scan3A_57 : i32 to vector<16xi32>
        %and3A_195 = arith.andi %get3A_189, %and3A_194 : vector<16xi32>
        %bitcast_convert_type3A_196 = tpu.bitcast %and3A_195 : vector<16xi32> -> vector<16xf32>
        %swap3A_197 = arith.index_cast %scan3A_119 : i32 to index
        %swap3A_198 = arith.constant 96 : index
        %swap3A_199 = tpu.vector_load %arg10[%swap3A_197, %swap3A_198] {strides = array<i32>} : memref<128x128xf32, #tpu.memory_space<vmem>>, vector<1x16xf32>,
        %swap3A_200 = vector.shape_cast %swap3A_199 : vector<1x16xf32> to vector<16xf32>
        %swap3A_201 = vector.shape_cast %bitcast_convert_type3A_193 : vector<16xf32> to vector<1x16xf32>
        tpu.vector_store %arg10[%swap3A_197, %swap3A_198], %swap3A_201 {strides = array<i32>} : memref<128x128xf32, #tpu.memory_space<vmem>>, vector<1x16xf32>,
        %swap3A_202 = arith.index_cast %scan3A_119 : i32 to index
        %swap3A_203 = arith.constant 112 : index
        %swap3A_204 = tpu.vector_load %arg10[%swap3A_202, %swap3A_203] {strides = array<i32>} : memref<128x128xf32, #tpu.memory_space<vmem>>, vector<1x16xf32>,
        %swap3A_205 = vector.shape_cast %swap3A_204 : vector<1x16xf32> to vector<16xf32>
        %swap3A_206 = vector.shape_cast %bitcast_convert_type3A_196 : vector<16xf32> to vector<1x16xf32>
        tpu.vector_store %arg10[%swap3A_202, %swap3A_203], %swap3A_206 {strides = array<i32>} : memref<128x128xf32, #tpu.memory_space<vmem>>, vector<1x16xf32>,
      }
      %scan3A_111 = arith.constant 128 : i32
      "tpu.region"() ({
        %run_scoped3A = tpu.sem_alloc : memref<!tpu.dma_semaphore, #tpu.memory_space<semaphore_mem>>
        %dma_start3A_119 = arith.constant 0 : i32
        %dma_start3A_120 = tpu.memref_slice %arg8[%add3A_93, %dma_start3A_119] : memref<40x128xi32, #tpu.memory_space<vmem>> -> memref<1x128xi32, #tpu.memory_space<vmem>>
        %dma_start3A_121 = tpu.memref_squeeze %dma_start3A_120 : memref<1x128xi32, #tpu.memory_space<vmem>> -> memref<128xi32, #tpu.memory_space<vmem>>
        %dma_start3A_122 = arith.constant 0 : i32
        %dma_start3A_123 = arith.constant 0 : i32
        %dma_start3A_124 = tpu.memref_slice %arg11[%dma_start3A_122, %dma_start3A_123] : memref<10240x128xf32, #tpu.memory_space<vmem_shared>> -> memref<10240x128xf32, #tpu.memory_space<vmem_shared>>
        tpu.enqueue_indirect_dma source(%arg10 : memref<128x128xf32, #tpu.memory_space<vmem>>) target(%dma_start3A_124 : memref<10240x128xf32, #tpu.memory_space<vmem_shared>>) offsets(%dma_start3A_121 : memref<128xi32, #tpu.memory_space<vmem>>) semaphore(%run_scoped3A : memref<!tpu.dma_semaphore, #tpu.memory_space<semaphore_mem>>) {add = true}
        %dma_wait3A_125 = arith.constant 0 : i32
        %dma_wait3A_126 = tpu.memref_slice %arg8[%add3A_93, %dma_wait3A_125] : memref<40x128xi32, #tpu.memory_space<vmem>> -> memref<1x128xi32, #tpu.memory_space<vmem>>
        %dma_wait3A_127 = tpu.memref_squeeze %dma_wait3A_126 : memref<1x128xi32, #tpu.memory_space<vmem>> -> memref<128xi32, #tpu.memory_space<vmem>>
        %dma_wait3A_128 = arith.constant 0 : i32
        %dma_wait3A_129 = arith.constant 0 : i32
        %dma_wait3A_130 = tpu.memref_slice %arg11[%dma_wait3A_128, %dma_wait3A_129] : memref<10240x128xf32, #tpu.memory_space<vmem_shared>> -> memref<10240x128xf32, #tpu.memory_space<vmem_shared>>
        tpu.wait_indirect_dma semaphore(%run_scoped3A : memref<!tpu.dma_semaphore, #tpu.memory_space<semaphore_mem>>) src(%arg10 : memref<128x128xf32, #tpu.memory_space<vmem>>) dst(%dma_wait3A_130 : memref<10240x128xf32, #tpu.memory_space<vmem_shared>>)
        tpu.yield
      }) : () -> ()
      %add3A_112 = arith.constant 2 : i32
      %add3A_113 = arith.addi %add3A_93, %add3A_112 : i32
      %lt3A_114 = arith.constant 40 : i32
      %lt3A_115 = arith.cmpi slt, %add3A_113, %lt3A_114 : i32
      %convert_element_type3A_116 = arith.extui %lt3A_115 : i1 to i32
      %cond3A_117 = arith.constant 0 : i32
      %cond3A_118 = arith.cmpi ne, %convert_element_type3A_116, %cond3A_117 : i32
      scf.if %cond3A_118 {
        %add3A_119 = arith.constant 2 : i32
        %add3A_120 = arith.addi %add3A_93, %add3A_119 : i32
        %dma_start3A_121 = arith.constant 1 : i32
        %dma_start3A_122 = arith.constant 0 : i32
        %dma_start3A_123 = arith.constant 0 : i32
        %dma_start3A_124 = tpu.memref_slice %arg9[%dma_start3A_121, %dma_start3A_122, %dma_start3A_123] : memref<2x128x64xi32, #tpu.memory_space<vmem>> -> memref<1x128x64xi32, #tpu.memory_space<vmem>>
        %dma_start3A_125 = tpu.memref_squeeze %dma_start3A_124 : memref<1x128x64xi32, #tpu.memory_space<vmem>> -> memref<128x64xi32, #tpu.memory_space<vmem>>
        %dma_start3A_126 = arith.constant 0 : i32
        %dma_start3A_127 = tpu.memref_slice %arg7[%add3A_120, %dma_start3A_126] : memref<40x128xi32, #tpu.memory_space<vmem>> -> memref<1x128xi32, #tpu.memory_space<vmem>>
        %dma_start3A_128 = tpu.memref_squeeze %dma_start3A_127 : memref<1x128xi32, #tpu.memory_space<vmem>> -> memref<128xi32, #tpu.memory_space<vmem>>
        %dma_start3A_129 = arith.constant 0 : i32
        %dma_start3A_130 = arith.constant 0 : i32
        %dma_start3A_131 = tpu.memref_slice %arg2[%dma_start3A_129, %dma_start3A_130] : memref<10000x64xi32, #tpu.memory_space<hbm>> -> memref<10000x64xi32, #tpu.memory_space<hbm>>
        tpu.enqueue_indirect_dma source(%dma_start3A_131 : memref<10000x64xi32, #tpu.memory_space<hbm>>) target(%dma_start3A_125 : memref<128x64xi32, #tpu.memory_space<vmem>>) offsets(%dma_start3A_128 : memref<128xi32, #tpu.memory_space<vmem>>) semaphore(%arg13 : memref<!tpu.dma_semaphore, #tpu.memory_space<semaphore_mem>>)
      } else {
      }
    }
    %scan3A_62 = arith.constant 20 : i32
    %barrier3A_63 = arith.constant 0 : index
    tpu.barrier barrier_id(%barrier3A_63)
    "tpu.region"() ({
      %run_scoped3A = tpu.sem_alloc : memref<!tpu.dma_semaphore, #tpu.memory_space<semaphore_mem>>
      %dma_start3A_64 = arith.constant 0 : i32
      %dma_start3A_65 = tpu.memref_slice %arg6[%arg0, %mul3A_2, %dma_start3A_64] : memref<2x10240x128xf32, #tpu.memory_space<hbm>> -> memref<1x640x128xf32, #tpu.memory_space<hbm>>
      %dma_start3A_66 = tpu.memref_squeeze %dma_start3A_65 : memref<1x640x128xf32, #tpu.memory_space<hbm>> -> memref<640x128xf32, #tpu.memory_space<hbm>>
      %dma_start3A_67 = arith.constant 0 : i32
      %dma_start3A_68 = tpu.memref_slice %arg11[%mul3A_2, %dma_start3A_67] : memref<10240x128xf32, #tpu.memory_space<vmem_shared>> -> memref<640x128xf32, #tpu.memory_space<vmem_shared>>
      tpu.enqueue_dma source(%dma_start3A_68 : memref<640x128xf32, #tpu.memory_space<vmem_shared>>) target(%dma_start3A_66 : memref<640x128xf32, #tpu.memory_space<hbm>>) target_semaphore(%run_scoped3A : memref<!tpu.dma_semaphore, #tpu.memory_space<semaphore_mem>>)
      %dma_wait3A = arith.constant 0 : i32
      %dma_wait3A_69 = tpu.memref_slice %arg6[%arg0, %mul3A_2, %dma_wait3A] : memref<2x10240x128xf32, #tpu.memory_space<hbm>> -> memref<1x640x128xf32, #tpu.memory_space<hbm>>
      %dma_wait3A_70 = tpu.memref_squeeze %dma_wait3A_69 : memref<1x640x128xf32, #tpu.memory_space<hbm>> -> memref<640x128xf32, #tpu.memory_space<hbm>>
      %dma_wait3A_71 = arith.constant 0 : i32
      %dma_wait3A_72 = tpu.memref_slice %arg11[%mul3A_2, %dma_wait3A_71] : memref<10240x128xf32, #tpu.memory_space<vmem_shared>> -> memref<640x128xf32, #tpu.memory_space<vmem_shared>>
      tpu.wait_dma2 semaphore(%run_scoped3A : memref<!tpu.dma_semaphore, #tpu.memory_space<semaphore_mem>>) src(%dma_wait3A_72 : memref<640x128xf32, #tpu.memory_space<vmem_shared>>) dst(%dma_wait3A_70 : memref<640x128xf32, #tpu.memory_space<hbm>>)
      tpu.yield
    }) : () -> ()
    return
  }
}

#map = affine_map<(d0, d1) -> (0, 0, 0)>
#map1 = affine_map<(d0, d1) -> (0, 0)>
module attributes {stable_mosaic.version = 14 : i64} {
  func.func @body(%arg0: i32, %arg1: i32, %arg2: memref<32x80x128xi32, #tpu.memory_space<hbm>>, %arg3: memref<640x128xf32, #tpu.memory_space<hbm>>, %arg4: memref<128x128xf32, #tpu.memory_space<hbm>>, %arg5: memref<2x10240x128xf32, #tpu.memory_space<hbm>>, %arg6: memref<80x128xi32, #tpu.memory_space<vmem>>, %arg7: memref<128x128xf32, #tpu.memory_space<vmem>>, %arg8: memref<10240x128xf32, #tpu.memory_space<vmem_shared>>) attributes {dimension_semantics = [#tpu.dimension_semantics<core_parallel>, #tpu.dimension_semantics<subcore_parallel>], iteration_bounds = array<i64: 2, 16>, scalar_prefetch = 0 : i64, scratch_operands = 3 : i64, tpu.core_type = #tpu.core_type<sc_vector_subcore>, window_params = [{transform_indices = #map}, {transform_indices = #map1}, {transform_indices = #map1}, {transform_indices = #map}]} {
    %mul3A = arith.constant 16 : i32
    %mul3A_0 = arith.muli %arg0, %mul3A : i32
    %add3A = arith.addi %mul3A_0, %arg1 : i32
    %mul3A_1 = arith.constant 640 : i32
    %mul3A_2 = arith.muli %arg1, %mul3A_1 : i32
    "tpu.region"() ({
      %run_scoped3A = tpu.sem_alloc : memref<!tpu.dma_semaphore, #tpu.memory_space<semaphore_mem>>
      %dma_start3A = arith.constant 0 : i32
      %dma_start3A_9 = tpu.memref_slice %arg8[%mul3A_2, %dma_start3A] : memref<10240x128xf32, #tpu.memory_space<vmem_shared>> -> memref<640x128xf32, #tpu.memory_space<vmem_shared>>
      tpu.enqueue_dma source(%arg3 : memref<640x128xf32, #tpu.memory_space<hbm>>) target(%dma_start3A_9 : memref<640x128xf32, #tpu.memory_space<vmem_shared>>) target_semaphore(%run_scoped3A : memref<!tpu.dma_semaphore, #tpu.memory_space<semaphore_mem>>)
      %dma_wait3A = arith.constant 0 : i32
      %dma_wait3A_10 = tpu.memref_slice %arg8[%mul3A_2, %dma_wait3A] : memref<10240x128xf32, #tpu.memory_space<vmem_shared>> -> memref<640x128xf32, #tpu.memory_space<vmem_shared>>
      tpu.wait_dma2 semaphore(%run_scoped3A : memref<!tpu.dma_semaphore, #tpu.memory_space<semaphore_mem>>) src(%arg3 : memref<640x128xf32, #tpu.memory_space<hbm>>) dst(%dma_wait3A_10 : memref<640x128xf32, #tpu.memory_space<vmem_shared>>)
      tpu.yield
    }) : () -> ()
    "tpu.region"() ({
      %run_scoped3A = tpu.sem_alloc : memref<!tpu.dma_semaphore, #tpu.memory_space<semaphore_mem>>
      %dma_start3A = arith.constant 0 : i32
      %dma_start3A_9 = arith.constant 0 : i32
      %dma_start3A_10 = tpu.memref_slice %arg2[%add3A, %dma_start3A, %dma_start3A_9] : memref<32x80x128xi32, #tpu.memory_space<hbm>> -> memref<1x80x128xi32, #tpu.memory_space<hbm>>
      %dma_start3A_11 = tpu.memref_squeeze %dma_start3A_10 : memref<1x80x128xi32, #tpu.memory_space<hbm>> -> memref<80x128xi32, #tpu.memory_space<hbm>>
      %dma_start3A_12 = arith.constant 0 : i32
      %dma_start3A_13 = arith.constant 0 : i32
      %dma_start3A_14 = tpu.memref_slice %arg2[%add3A, %dma_start3A_12, %dma_start3A_13] : memref<32x80x128xi32, #tpu.memory_space<hbm>> -> memref<1x80x128xi32, #tpu.memory_space<hbm>>
      %dma_start3A_15 = tpu.memref_squeeze %dma_start3A_14 : memref<1x80x128xi32, #tpu.memory_space<hbm>> -> memref<80x128xi32, #tpu.memory_space<hbm>>
      tpu.enqueue_dma source(%dma_start3A_15 : memref<80x128xi32, #tpu.memory_space<hbm>>) target(%arg6 : memref<80x128xi32, #tpu.memory_space<vmem>>) target_semaphore(%run_scoped3A : memref<!tpu.dma_semaphore, #tpu.memory_space<semaphore_mem>>)
      %dma_wait3A = arith.constant 0 : i32
      %dma_wait3A_16 = arith.constant 0 : i32
      %dma_wait3A_17 = tpu.memref_slice %arg2[%add3A, %dma_wait3A, %dma_wait3A_16] : memref<32x80x128xi32, #tpu.memory_space<hbm>> -> memref<1x80x128xi32, #tpu.memory_space<hbm>>
      %dma_wait3A_18 = tpu.memref_squeeze %dma_wait3A_17 : memref<1x80x128xi32, #tpu.memory_space<hbm>> -> memref<80x128xi32, #tpu.memory_space<hbm>>
      %dma_wait3A_19 = arith.constant 0 : i32
      %dma_wait3A_20 = arith.constant 0 : i32
      %dma_wait3A_21 = tpu.memref_slice %arg2[%add3A, %dma_wait3A_19, %dma_wait3A_20] : memref<32x80x128xi32, #tpu.memory_space<hbm>> -> memref<1x80x128xi32, #tpu.memory_space<hbm>>
      %dma_wait3A_22 = tpu.memref_squeeze %dma_wait3A_21 : memref<1x80x128xi32, #tpu.memory_space<hbm>> -> memref<80x128xi32, #tpu.memory_space<hbm>>
      tpu.wait_dma2 semaphore(%run_scoped3A : memref<!tpu.dma_semaphore, #tpu.memory_space<semaphore_mem>>) src(%dma_wait3A_22 : memref<80x128xi32, #tpu.memory_space<hbm>>) dst(%arg6 : memref<80x128xi32, #tpu.memory_space<vmem>>)
      tpu.yield
    }) : () -> ()
    "tpu.region"() ({
      %run_scoped3A = tpu.sem_alloc : memref<!tpu.dma_semaphore, #tpu.memory_space<semaphore_mem>>
      tpu.enqueue_dma source(%arg4 : memref<128x128xf32, #tpu.memory_space<hbm>>) target(%arg7 : memref<128x128xf32, #tpu.memory_space<vmem>>) target_semaphore(%run_scoped3A : memref<!tpu.dma_semaphore, #tpu.memory_space<semaphore_mem>>)
      tpu.wait_dma2 semaphore(%run_scoped3A : memref<!tpu.dma_semaphore, #tpu.memory_space<semaphore_mem>>) src(%arg4 : memref<128x128xf32, #tpu.memory_space<hbm>>) dst(%arg7 : memref<128x128xf32, #tpu.memory_space<vmem>>)
      tpu.yield
    }) : () -> ()
    %barrier3A = arith.constant 0 : index
    tpu.barrier barrier_id(%barrier3A)
    %scan3A = arith.constant 0 : i32
    %scan3A_3 = arith.constant 0 : i32
    %scan3A_4 = arith.constant 80 : i32
    %scan3A_5 = arith.addi %scan3A_3, %scan3A_4 : i32
    %scan3A_6 = arith.constant 1 : i32
    scf.for %scan3A_9 = %scan3A_3 to %scan3A_5 step %scan3A_6  : i32 {
      "tpu.region"() ({
        %run_scoped3A = tpu.sem_alloc : memref<!tpu.dma_semaphore, #tpu.memory_space<semaphore_mem>>
        %dma_start3A = arith.constant 0 : i32
        %dma_start3A_10 = tpu.memref_slice %arg6[%scan3A_9, %dma_start3A] : memref<80x128xi32, #tpu.memory_space<vmem>> -> memref<1x128xi32, #tpu.memory_space<vmem>>
        %dma_start3A_11 = tpu.memref_squeeze %dma_start3A_10 : memref<1x128xi32, #tpu.memory_space<vmem>> -> memref<128xi32, #tpu.memory_space<vmem>>
        %dma_start3A_12 = arith.constant 0 : i32
        %dma_start3A_13 = arith.constant 0 : i32
        %dma_start3A_14 = tpu.memref_slice %arg8[%dma_start3A_12, %dma_start3A_13] : memref<10240x128xf32, #tpu.memory_space<vmem_shared>> -> memref<10240x128xf32, #tpu.memory_space<vmem_shared>>
        tpu.enqueue_indirect_dma source(%arg7 : memref<128x128xf32, #tpu.memory_space<vmem>>) target(%dma_start3A_14 : memref<10240x128xf32, #tpu.memory_space<vmem_shared>>) offsets(%dma_start3A_11 : memref<128xi32, #tpu.memory_space<vmem>>) semaphore(%run_scoped3A : memref<!tpu.dma_semaphore, #tpu.memory_space<semaphore_mem>>) {add = true}
        %dma_wait3A = arith.constant 0 : i32
        %dma_wait3A_15 = tpu.memref_slice %arg6[%scan3A_9, %dma_wait3A] : memref<80x128xi32, #tpu.memory_space<vmem>> -> memref<1x128xi32, #tpu.memory_space<vmem>>
        %dma_wait3A_16 = tpu.memref_squeeze %dma_wait3A_15 : memref<1x128xi32, #tpu.memory_space<vmem>> -> memref<128xi32, #tpu.memory_space<vmem>>
        %dma_wait3A_17 = arith.constant 0 : i32
        %dma_wait3A_18 = arith.constant 0 : i32
        %dma_wait3A_19 = tpu.memref_slice %arg8[%dma_wait3A_17, %dma_wait3A_18] : memref<10240x128xf32, #tpu.memory_space<vmem_shared>> -> memref<10240x128xf32, #tpu.memory_space<vmem_shared>>
        tpu.wait_indirect_dma semaphore(%run_scoped3A : memref<!tpu.dma_semaphore, #tpu.memory_space<semaphore_mem>>) src(%arg7 : memref<128x128xf32, #tpu.memory_space<vmem>>) dst(%dma_wait3A_19 : memref<10240x128xf32, #tpu.memory_space<vmem_shared>>)
        tpu.yield
      }) : () -> ()
    }
    %scan3A_7 = arith.constant 80 : i32
    %barrier3A_8 = arith.constant 0 : index
    tpu.barrier barrier_id(%barrier3A_8)
    "tpu.region"() ({
      %run_scoped3A = tpu.sem_alloc : memref<!tpu.dma_semaphore, #tpu.memory_space<semaphore_mem>>
      %dma_start3A = arith.constant 0 : i32
      %dma_start3A_9 = tpu.memref_slice %arg5[%arg0, %mul3A_2, %dma_start3A] : memref<2x10240x128xf32, #tpu.memory_space<hbm>> -> memref<1x640x128xf32, #tpu.memory_space<hbm>>
      %dma_start3A_10 = tpu.memref_squeeze %dma_start3A_9 : memref<1x640x128xf32, #tpu.memory_space<hbm>> -> memref<640x128xf32, #tpu.memory_space<hbm>>
      %dma_start3A_11 = arith.constant 0 : i32
      %dma_start3A_12 = tpu.memref_slice %arg8[%mul3A_2, %dma_start3A_11] : memref<10240x128xf32, #tpu.memory_space<vmem_shared>> -> memref<640x128xf32, #tpu.memory_space<vmem_shared>>
      tpu.enqueue_dma source(%dma_start3A_12 : memref<640x128xf32, #tpu.memory_space<vmem_shared>>) target(%dma_start3A_10 : memref<640x128xf32, #tpu.memory_space<hbm>>) target_semaphore(%run_scoped3A : memref<!tpu.dma_semaphore, #tpu.memory_space<semaphore_mem>>)
      %dma_wait3A = arith.constant 0 : i32
      %dma_wait3A_13 = tpu.memref_slice %arg5[%arg0, %mul3A_2, %dma_wait3A] : memref<2x10240x128xf32, #tpu.memory_space<hbm>> -> memref<1x640x128xf32, #tpu.memory_space<hbm>>
      %dma_wait3A_14 = tpu.memref_squeeze %dma_wait3A_13 : memref<1x640x128xf32, #tpu.memory_space<hbm>> -> memref<640x128xf32, #tpu.memory_space<hbm>>
      %dma_wait3A_15 = arith.constant 0 : i32
      %dma_wait3A_16 = tpu.memref_slice %arg8[%mul3A_2, %dma_wait3A_15] : memref<10240x128xf32, #tpu.memory_space<vmem_shared>> -> memref<640x128xf32, #tpu.memory_space<vmem_shared>>
      tpu.wait_dma2 semaphore(%run_scoped3A : memref<!tpu.dma_semaphore, #tpu.memory_space<semaphore_mem>>) src(%dma_wait3A_16 : memref<640x128xf32, #tpu.memory_space<vmem_shared>>) dst(%dma_wait3A_14 : memref<640x128xf32, #tpu.memory_space<hbm>>)
      tpu.yield
    }) : () -> ()
    return
  }
}

module attributes {stable_mosaic.version = 14 : i64} {
  func.func @_mm_body(%arg0: i32, %arg1: memref<1000x128xf32, #tpu.memory_space<vmem>>, %arg2: memref<128x128xf32, #tpu.memory_space<vmem>>, %arg3: memref<1000x128xf32, #tpu.memory_space<vmem>>) attributes {dimension_semantics = [#tpu.dimension_semantics<arbitrary>], iteration_bounds = array<i64: 10>, scalar_prefetch = 0 : i64, scratch_operands = 0 : i64, tpu.core_type = #tpu.core_type<tc>, window_params = [{transform_indices = @transform_0, window_bounds = array<i64: 1000, 128>}, {pipeline_mode = #tpu.pipeline_mode<synchronous>, transform_indices = @transform_1, window_bounds = array<i64: 128, 128>}, {transform_indices = @transform_2, window_bounds = array<i64: 1000, 128>}]} {
    %get3A = arith.constant 0 : index
    %get3A_0 = arith.constant 0 : index
    %get3A_1 = vector.load %arg1[%get3A, %get3A_0] : memref<1000x128xf32, #tpu.memory_space<vmem>>, vector<1000x128xf32>
    %get3A_2 = arith.constant 0 : index
    %get3A_3 = arith.constant 0 : index
    %get3A_4 = vector.load %arg2[%get3A_2, %get3A_3] : memref<128x128xf32, #tpu.memory_space<vmem>>, vector<128x128xf32>
    %dot_general3A = arith.constant dense<0.000000e+00> : vector<1000x128xf32>
    %dot_general3A_5 = tpu.matmul %get3A_1, %get3A_4, %dot_general3A {dimension_numbers = #tpu.dot_dimension_numbers<[1], [0], [0], [1], [0, 0, 1, 1], [], []>, transpose_lhs_hint = false} : vector<1000x128xf32>, vector<128x128xf32>, vector<1000x128xf32> -> vector<1000x128xf32>
    %swap3A = arith.constant 0 : index
    %swap3A_6 = arith.constant 0 : index
    %swap3A_7 = vector.load %arg3[%swap3A, %swap3A_6] : memref<1000x128xf32, #tpu.memory_space<vmem>>, vector<1000x128xf32>
    tpu.vector_store %arg3[%swap3A, %swap3A_6], %dot_general3A_5 {strides = array<i32>} : memref<1000x128xf32, #tpu.memory_space<vmem>>, vector<1000x128xf32>,
    return
  }
  func.func @transform_0(%arg0: i32) -> (i32, i32) {
    %c0_i32 = arith.constant 0 : i32
    %c0_i32_0 = arith.constant 0 : i32
    return %arg0, %c0_i32 : i32, i32
  }
  func.func @transform_1(%arg0: i32) -> (i32, i32) {
    %c0_i32 = arith.constant 0 : i32
    %c0_i32_0 = arith.constant 0 : i32
    %c0_i32_1 = arith.constant 0 : i32
    return %c0_i32, %c0_i32_0 : i32, i32
  }
  func.func @transform_2(%arg0: i32) -> (i32, i32) {
    %c0_i32 = arith.constant 0 : i32
    %c0_i32_0 = arith.constant 0 : i32
    return %arg0, %c0_i32 : i32, i32
  }
}

module attributes {stable_mosaic.version = 14 : i64} {
  func.func @body(%arg0: i32, %arg1: memref<1000x128xf32, #tpu.memory_space<vmem>>, %arg2: memref<2x1000x128xf32, #tpu.memory_space<vmem>>, %arg3: memref<2x1000x8xf32, #tpu.memory_space<vmem>>, %arg4: memref<1000x1xf32, #tpu.memory_space<vmem>>, %arg5: memref<1000x1xf32, #tpu.memory_space<vmem>>, %arg6: memref<1x16xf32, #tpu.memory_space<vmem>>, %arg7: memref<16x128xf32, #tpu.memory_space<vmem>>, %arg8: memref<16x128xf32, #tpu.memory_space<vmem>>, %arg9: memref<1x128xf32, #tpu.memory_space<vmem>>, %arg10: memref<16x128xf32, #tpu.memory_space<vmem>>, %arg11: memref<16x128xf32, #tpu.memory_space<vmem>>, %arg12: memref<1x128xf32, #tpu.memory_space<vmem>>, %arg13: memref<128x128xf32, #tpu.memory_space<vmem>>, %arg14: memref<1x128xf32, #tpu.memory_space<vmem>>, %arg15: memref<128x128xf32, #tpu.memory_space<vmem>>, %arg16: memref<1x128xf32, #tpu.memory_space<vmem>>, %arg17: memref<128x128xf32, #tpu.memory_space<vmem>>, %arg18: memref<1x128xf32, #tpu.memory_space<vmem>>, %arg19: memref<1000x128xf32, #tpu.memory_space<vmem>>, %arg20: memref<1x1xf32, #tpu.memory_space<smem>>, %arg21: memref<1x1xf32, #tpu.memory_space<smem>>) attributes {dimension_semantics = [#tpu.dimension_semantics<arbitrary>], iteration_bounds = array<i64: 10>, scalar_prefetch = 0 : i64, scratch_operands = 0 : i64, tpu.core_type = #tpu.core_type<tc>, window_params = [{transform_indices = @transform_0, window_bounds = array<i64: 1000, 128>}, {transform_indices = @transform_1, window_bounds = array<i64: 2, 1000, 128>}, {transform_indices = @transform_2, window_bounds = array<i64: 2, 1000, 8>}, {transform_indices = @transform_3, window_bounds = array<i64: 1000, 1>}, {transform_indices = @transform_4, window_bounds = array<i64: 1000, 1>}, {pipeline_mode = #tpu.pipeline_mode<synchronous>, transform_indices = @transform_5, window_bounds = array<i64: 1, 16>}, {pipeline_mode = #tpu.pipeline_mode<synchronous>, transform_indices = @transform_6, window_bounds = array<i64: 16, 128>}, {pipeline_mode = #tpu.pipeline_mode<synchronous>, transform_indices = @transform_7, window_bounds = array<i64: 16, 128>}, {pipeline_mode = #tpu.pipeline_mode<synchronous>, transform_indices = @transform_8, window_bounds = array<i64: 1, 128>}, {pipeline_mode = #tpu.pipeline_mode<synchronous>, transform_indices = @transform_9, window_bounds = array<i64: 16, 128>}, {pipeline_mode = #tpu.pipeline_mode<synchronous>, transform_indices = @transform_10, window_bounds = array<i64: 16, 128>}, {pipeline_mode = #tpu.pipeline_mode<synchronous>, transform_indices = @transform_11, window_bounds = array<i64: 1, 128>}, {pipeline_mode = #tpu.pipeline_mode<synchronous>, transform_indices = @transform_12, window_bounds = array<i64: 128, 128>}, {pipeline_mode = #tpu.pipeline_mode<synchronous>, transform_indices = @transform_13, window_bounds = array<i64: 1, 128>}, {pipeline_mode = #tpu.pipeline_mode<synchronous>, transform_indices = @transform_14, window_bounds = array<i64: 128, 128>}, {pipeline_mode = #tpu.pipeline_mode<synchronous>, transform_indices = @transform_15, window_bounds = array<i64: 1, 128>}, {pipeline_mode = #tpu.pipeline_mode<synchronous>, transform_indices = @transform_16, window_bounds = array<i64: 128, 128>}, {pipeline_mode = #tpu.pipeline_mode<synchronous>, transform_indices = @transform_17, window_bounds = array<i64: 1, 128>}, {transform_indices = @transform_18, window_bounds = array<i64: 1000, 128>}, {transform_indices = @transform_19, window_bounds = array<i64: 1, 1>}, {transform_indices = @transform_20, window_bounds = array<i64: 1, 1>}]} {
    %get3A = arith.constant 0 : index
    %get3A_0 = arith.constant 0 : index
    %get3A_1 = vector.load %arg1[%get3A, %get3A_0] : memref<1000x128xf32, #tpu.memory_space<vmem>>, vector<1000x128xf32>
    %get3A_2 = arith.constant 0 : index
    %get3A_3 = arith.constant 0 : index
    %get3A_4 = arith.constant 0 : index
    %get3A_5 = vector.load %arg3[%get3A_2, %get3A_3, %get3A_4] : memref<2x1000x8xf32, #tpu.memory_space<vmem>>, vector<1x1000x1xf32>
    %get3A_6 = vector.shape_cast %get3A_5 : vector<1x1000x1xf32> to vector<1000x1xf32>
    %get3A_7 = arith.constant 1 : index
    %get3A_8 = arith.constant 0 : index
    %get3A_9 = arith.constant 0 : index
    %get3A_10 = vector.load %arg3[%get3A_7, %get3A_8, %get3A_9] : memref<2x1000x8xf32, #tpu.memory_space<vmem>>, vector<1x1000x1xf32>
    %get3A_11 = vector.shape_cast %get3A_10 : vector<1x1000x1xf32> to vector<1000x1xf32>
    %add3A = arith.addf %get3A_6, %get3A_11 : vector<1000x1xf32>
    %add3A_12 = arith.constant 1.000000e+00 : f32
    %add3A_13 = vector.broadcast %add3A_12 : f32 to vector<1000x1xf32>
    %add3A_14 = arith.addf %add3A, %add3A_13 : vector<1000x1xf32>
    %get3A_15 = arith.constant 0 : index
    %get3A_16 = arith.constant 0 : index
    %get3A_17 = arith.constant 0 : index
    %get3A_18 = vector.load %arg2[%get3A_15, %get3A_16, %get3A_17] : memref<2x1000x128xf32, #tpu.memory_space<vmem>>, vector<1x1000x128xf32>
    %get3A_19 = vector.shape_cast %get3A_18 : vector<1x1000x128xf32> to vector<1000x128xf32>
    %get3A_20 = arith.constant 1 : index
    %get3A_21 = arith.constant 0 : index
    %get3A_22 = arith.constant 0 : index
    %get3A_23 = vector.load %arg2[%get3A_20, %get3A_21, %get3A_22] : memref<2x1000x128xf32, #tpu.memory_space<vmem>>, vector<1x1000x128xf32>
    %get3A_24 = vector.shape_cast %get3A_23 : vector<1x1000x128xf32> to vector<1000x128xf32>
    %add3A_25 = arith.addf %get3A_19, %get3A_24 : vector<1000x128xf32>
    %div3A = vector.broadcast %add3A_14 : vector<1000x1xf32> to vector<1000x128xf32>
    %div3A_26 = arith.divf %add3A_25, %div3A : vector<1000x128xf32>
    %get3A_27 = arith.constant 0 : index
    %get3A_28 = arith.constant 0 : index
    %get3A_29 = vector.load %arg4[%get3A_27, %get3A_28] : memref<1000x1xf32, #tpu.memory_space<vmem>>, vector<1000x1xf32>
    %jit3A = arith.constant 0.000000e+00 : f32
    %jit3A_30 = arith.constant 5.120000e+02 : f32
    %max3A = vector.broadcast %jit3A : f32 to vector<1000x1xf32>
    %max3A_31 = arith.maximumf %max3A, %get3A_29 : vector<1000x1xf32>
    %min3A = vector.broadcast %jit3A_30 : f32 to vector<1000x1xf32>
    %min3A_32 = arith.minimumf %min3A, %max3A_31 : vector<1000x1xf32>
    %get3A_33 = arith.constant 0 : index
    %get3A_34 = arith.constant 0 : index
    %get3A_35 = vector.load %arg6[%get3A_33, %get3A_34] : memref<1x16xf32, #tpu.memory_space<vmem>>, vector<1x16xf32>
    %mul3A = vector.broadcast %min3A_32 : vector<1000x1xf32> to vector<1000x16xf32>
    %mul3A_36 = vector.broadcast %get3A_35 : vector<1x16xf32> to vector<1000x16xf32>
    %mul3A_37 = arith.mulf %mul3A, %mul3A_36 : vector<1000x16xf32>
    %sin3A = math.sin %mul3A_37 : vector<1000x16xf32>
    %cos3A = math.cos %mul3A_37 : vector<1000x16xf32>
    %get3A_38 = arith.constant 0 : index
    %get3A_39 = arith.constant 0 : index
    %get3A_40 = vector.load %arg7[%get3A_38, %get3A_39] : memref<16x128xf32, #tpu.memory_space<vmem>>, vector<16x128xf32>
    %dot_general3A = arith.constant dense<0.000000e+00> : vector<1000x128xf32>
    %dot_general3A_41 = tpu.matmul %sin3A, %get3A_40, %dot_general3A {dimension_numbers = #tpu.dot_dimension_numbers<[1], [0], [0], [1], [0, 0, 1, 1], [], []>, transpose_lhs_hint = false} : vector<1000x16xf32>, vector<16x128xf32>, vector<1000x128xf32> -> vector<1000x128xf32>
    %get3A_42 = arith.constant 0 : index
    %get3A_43 = arith.constant 0 : index
    %get3A_44 = vector.load %arg8[%get3A_42, %get3A_43] : memref<16x128xf32, #tpu.memory_space<vmem>>, vector<16x128xf32>
    %dot_general3A_45 = arith.constant dense<0.000000e+00> : vector<1000x128xf32>
    %dot_general3A_46 = tpu.matmul %cos3A, %get3A_44, %dot_general3A_45 {dimension_numbers = #tpu.dot_dimension_numbers<[1], [0], [0], [1], [0, 0, 1, 1], [], []>, transpose_lhs_hint = false} : vector<1000x16xf32>, vector<16x128xf32>, vector<1000x128xf32> -> vector<1000x128xf32>
    %add3A_47 = arith.addf %dot_general3A_41, %dot_general3A_46 : vector<1000x128xf32>
    %get3A_48 = arith.constant 0 : index
    %get3A_49 = arith.constant 0 : index
    %get3A_50 = vector.load %arg9[%get3A_48, %get3A_49] : memref<1x128xf32, #tpu.memory_space<vmem>>, vector<1x128xf32>
    %add3A_51 = vector.broadcast %get3A_50 : vector<1x128xf32> to vector<1000x128xf32>
    %add3A_52 = arith.addf %add3A_47, %add3A_51 : vector<1000x128xf32>
    %ge3A = arith.constant 0.000000e+00 : f32
    %ge3A_53 = vector.broadcast %ge3A : f32 to vector<1000x128xf32>
    %ge3A_54 = arith.cmpf oge, %add3A_52, %ge3A_53 : vector<1000x128xf32>
    %mul3A_55 = arith.constant 0.00999999977 : f32
    %mul3A_56 = vector.broadcast %mul3A_55 : f32 to vector<1000x128xf32>
    %mul3A_57 = arith.mulf %mul3A_56, %add3A_52 : vector<1000x128xf32>
    %select_n3A = arith.select %ge3A_54, %add3A_52, %mul3A_57 : vector<1000x128xi1>, vector<1000x128xf32>
    %get3A_58 = arith.constant 0 : index
    %get3A_59 = arith.constant 0 : index
    %get3A_60 = vector.load %arg10[%get3A_58, %get3A_59] : memref<16x128xf32, #tpu.memory_space<vmem>>, vector<16x128xf32>
    %dot_general3A_61 = arith.constant dense<0.000000e+00> : vector<1000x128xf32>
    %dot_general3A_62 = tpu.matmul %sin3A, %get3A_60, %dot_general3A_61 {dimension_numbers = #tpu.dot_dimension_numbers<[1], [0], [0], [1], [0, 0, 1, 1], [], []>, transpose_lhs_hint = false} : vector<1000x16xf32>, vector<16x128xf32>, vector<1000x128xf32> -> vector<1000x128xf32>
    %get3A_63 = arith.constant 0 : index
    %get3A_64 = arith.constant 0 : index
    %get3A_65 = vector.load %arg11[%get3A_63, %get3A_64] : memref<16x128xf32, #tpu.memory_space<vmem>>, vector<16x128xf32>
    %dot_general3A_66 = arith.constant dense<0.000000e+00> : vector<1000x128xf32>
    %dot_general3A_67 = tpu.matmul %cos3A, %get3A_65, %dot_general3A_66 {dimension_numbers = #tpu.dot_dimension_numbers<[1], [0], [0], [1], [0, 0, 1, 1], [], []>, transpose_lhs_hint = false} : vector<1000x16xf32>, vector<16x128xf32>, vector<1000x128xf32> -> vector<1000x128xf32>
    %add3A_68 = arith.addf %dot_general3A_62, %dot_general3A_67 : vector<1000x128xf32>
    %get3A_69 = arith.constant 0 : index
    %get3A_70 = arith.constant 0 : index
    %get3A_71 = vector.load %arg12[%get3A_69, %get3A_70] : memref<1x128xf32, #tpu.memory_space<vmem>>, vector<1x128xf32>
    %add3A_72 = vector.broadcast %get3A_71 : vector<1x128xf32> to vector<1000x128xf32>
    %add3A_73 = arith.addf %add3A_68, %add3A_72 : vector<1000x128xf32>
    %ge3A_74 = arith.constant 0.000000e+00 : f32
    %ge3A_75 = vector.broadcast %ge3A_74 : f32 to vector<1000x128xf32>
    %ge3A_76 = arith.cmpf oge, %add3A_73, %ge3A_75 : vector<1000x128xf32>
    %mul3A_77 = arith.constant 0.00999999977 : f32
    %mul3A_78 = vector.broadcast %mul3A_77 : f32 to vector<1000x128xf32>
    %mul3A_79 = arith.mulf %mul3A_78, %add3A_73 : vector<1000x128xf32>
    %select_n3A_80 = arith.select %ge3A_76, %add3A_73, %mul3A_79 : vector<1000x128xi1>, vector<1000x128xf32>
    %get3A_81 = arith.constant 0 : index
    %get3A_82 = arith.constant 0 : index
    %get3A_83 = vector.load %arg13[%get3A_81, %get3A_82] : memref<128x128xf32, #tpu.memory_space<vmem>>, vector<128x128xf32>
    %dot_general3A_84 = arith.constant dense<0.000000e+00> : vector<1000x128xf32>
    %dot_general3A_85 = tpu.matmul %div3A_26, %get3A_83, %dot_general3A_84 {dimension_numbers = #tpu.dot_dimension_numbers<[1], [0], [0], [1], [0, 0, 1, 1], [], []>, transpose_lhs_hint = false} : vector<1000x128xf32>, vector<128x128xf32>, vector<1000x128xf32> -> vector<1000x128xf32>
    %get3A_86 = arith.constant 0 : index
    %get3A_87 = arith.constant 0 : index
    %get3A_88 = vector.load %arg14[%get3A_86, %get3A_87] : memref<1x128xf32, #tpu.memory_space<vmem>>, vector<1x128xf32>
    %add3A_89 = vector.broadcast %get3A_88 : vector<1x128xf32> to vector<1000x128xf32>
    %add3A_90 = arith.addf %dot_general3A_85, %add3A_89 : vector<1000x128xf32>
    %get3A_91 = arith.constant 0 : index
    %get3A_92 = arith.constant 0 : index
    %get3A_93 = vector.load %arg15[%get3A_91, %get3A_92] : memref<128x128xf32, #tpu.memory_space<vmem>>, vector<128x128xf32>
    %dot_general3A_94 = arith.constant dense<0.000000e+00> : vector<1000x128xf32>
    %dot_general3A_95 = tpu.matmul %div3A_26, %get3A_93, %dot_general3A_94 {dimension_numbers = #tpu.dot_dimension_numbers<[1], [0], [0], [1], [0, 0, 1, 1], [], []>, transpose_lhs_hint = false} : vector<1000x128xf32>, vector<128x128xf32>, vector<1000x128xf32> -> vector<1000x128xf32>
    %get3A_96 = arith.constant 0 : index
    %get3A_97 = arith.constant 0 : index
    %get3A_98 = vector.load %arg16[%get3A_96, %get3A_97] : memref<1x128xf32, #tpu.memory_space<vmem>>, vector<1x128xf32>
    %add3A_99 = vector.broadcast %get3A_98 : vector<1x128xf32> to vector<1000x128xf32>
    %add3A_100 = arith.addf %dot_general3A_95, %add3A_99 : vector<1000x128xf32>
    %mul3A_101 = arith.mulf %select_n3A, %add3A_90 : vector<1000x128xf32>
    %add3A_102 = arith.addf %mul3A_101, %select_n3A_80 : vector<1000x128xf32>
    %mul3A_103 = arith.mulf %select_n3A, %add3A_100 : vector<1000x128xf32>
    %add3A_104 = arith.addf %mul3A_103, %select_n3A_80 : vector<1000x128xf32>
    %get3A_105 = arith.constant 0 : index
    %get3A_106 = arith.constant 0 : index
    %get3A_107 = vector.load %arg5[%get3A_105, %get3A_106] : memref<1000x1xf32, #tpu.memory_space<vmem>>, vector<1000x1xf32>
    %add3A_108 = arith.addf %get3A_1, %div3A_26 : vector<1000x128xf32>
    %mul3A_109 = vector.broadcast %get3A_107 : vector<1000x1xf32> to vector<1000x128xf32>
    %mul3A_110 = arith.mulf %mul3A_109, %add3A_102 : vector<1000x128xf32>
    %sub3A = arith.constant 1.000000e+00 : f32
    %sub3A_111 = vector.broadcast %sub3A : f32 to vector<1000x1xf32>
    %sub3A_112 = arith.subf %sub3A_111, %get3A_107 : vector<1000x1xf32>
    %mul3A_113 = vector.broadcast %sub3A_112 : vector<1000x1xf32> to vector<1000x128xf32>
    %mul3A_114 = arith.mulf %mul3A_113, %add3A_104 : vector<1000x128xf32>
    %sub3A_115 = arith.subf %mul3A_110, %mul3A_114 : vector<1000x128xf32>
    %mul3A_116 = arith.constant 1.000000e-01 : f32
    %mul3A_117 = vector.broadcast %mul3A_116 : f32 to vector<1000x128xf32>
    %mul3A_118 = arith.mulf %mul3A_117, %sub3A_115 : vector<1000x128xf32>
    %add3A_119 = arith.addf %add3A_108, %mul3A_118 : vector<1000x128xf32>
    %ge3A_120 = arith.constant 0.000000e+00 : f32
    %ge3A_121 = vector.broadcast %ge3A_120 : f32 to vector<1000x128xf32>
    %ge3A_122 = arith.cmpf oge, %add3A_119, %ge3A_121 : vector<1000x128xf32>
    %mul3A_123 = arith.constant 0.00999999977 : f32
    %mul3A_124 = vector.broadcast %mul3A_123 : f32 to vector<1000x128xf32>
    %mul3A_125 = arith.mulf %mul3A_124, %add3A_119 : vector<1000x128xf32>
    %select_n3A_126 = arith.select %ge3A_122, %add3A_119, %mul3A_125 : vector<1000x128xi1>, vector<1000x128xf32>
    %get3A_127 = arith.constant 0 : index
    %get3A_128 = arith.constant 0 : index
    %get3A_129 = vector.load %arg17[%get3A_127, %get3A_128] : memref<128x128xf32, #tpu.memory_space<vmem>>, vector<128x128xf32>
    %dot_general3A_130 = arith.constant dense<0.000000e+00> : vector<1000x128xf32>
    %dot_general3A_131 = tpu.matmul %select_n3A_126, %get3A_129, %dot_general3A_130 {dimension_numbers = #tpu.dot_dimension_numbers<[1], [0], [0], [1], [0, 0, 1, 1], [], []>, transpose_lhs_hint = false} : vector<1000x128xf32>, vector<128x128xf32>, vector<1000x128xf32> -> vector<1000x128xf32>
    %get3A_132 = arith.constant 0 : index
    %get3A_133 = arith.constant 0 : index
    %get3A_134 = vector.load %arg18[%get3A_132, %get3A_133] : memref<1x128xf32, #tpu.memory_space<vmem>>, vector<1x128xf32>
    %add3A_135 = vector.broadcast %get3A_134 : vector<1x128xf32> to vector<1000x128xf32>
    %add3A_136 = arith.addf %dot_general3A_131, %add3A_135 : vector<1000x128xf32>
    %swap3A = arith.constant 0 : index
    %swap3A_137 = arith.constant 0 : index
    %swap3A_138 = vector.load %arg19[%swap3A, %swap3A_137] : memref<1000x128xf32, #tpu.memory_space<vmem>>, vector<1000x128xf32>
    tpu.vector_store %arg19[%swap3A, %swap3A_137], %add3A_136 {strides = array<i32>} : memref<1000x128xf32, #tpu.memory_space<vmem>>, vector<1000x128xf32>,
    %abs3A = math.absf %add3A_102 : vector<1000x128xf32>
    %reduce_sum3A = vector.shape_cast %abs3A : vector<1000x128xf32> to vector<1x1000x128xf32>
    %reduce_sum3A_139 = arith.constant dense<0.000000e+00> : vector<1xf32>
    %reduce_sum3A_140 = vector.multi_reduction <add>, %reduce_sum3A, %reduce_sum3A_139 [1, 2] : vector<1x1000x128xf32> to vector<1xf32>
    %reduce_sum3A_141 = vector.shape_cast %reduce_sum3A_140 : vector<1xf32> to vector<1x1x1xf32>
    %reduce_sum3A_142 = vector.extract %reduce_sum3A_141[0, 0, 0] : f32 from vector<1x1x1xf32>
    %abs3A_143 = math.absf %add3A_104 : vector<1000x128xf32>
    %reduce_sum3A_144 = vector.shape_cast %abs3A_143 : vector<1000x128xf32> to vector<1x1000x128xf32>
    %reduce_sum3A_145 = arith.constant dense<0.000000e+00> : vector<1xf32>
    %reduce_sum3A_146 = vector.multi_reduction <add>, %reduce_sum3A_144, %reduce_sum3A_145 [1, 2] : vector<1x1000x128xf32> to vector<1xf32>
    %reduce_sum3A_147 = vector.shape_cast %reduce_sum3A_146 : vector<1xf32> to vector<1x1x1xf32>
    %reduce_sum3A_148 = vector.extract %reduce_sum3A_147[0, 0, 0] : f32 from vector<1x1x1xf32>
    %add3A_149 = arith.addf %reduce_sum3A_142, %reduce_sum3A_148 : f32
    %mul3A_150 = arith.mulf %select_n3A, %select_n3A : vector<1000x128xf32>
    %reduce_sum3A_151 = vector.shape_cast %mul3A_150 : vector<1000x128xf32> to vector<1x1000x128xf32>
    %reduce_sum3A_152 = arith.constant dense<0.000000e+00> : vector<1xf32>
    %reduce_sum3A_153 = vector.multi_reduction <add>, %reduce_sum3A_151, %reduce_sum3A_152 [1, 2] : vector<1x1000x128xf32> to vector<1xf32>
    %reduce_sum3A_154 = vector.shape_cast %reduce_sum3A_153 : vector<1xf32> to vector<1x1x1xf32>
    %reduce_sum3A_155 = vector.extract %reduce_sum3A_154[0, 0, 0] : f32 from vector<1x1x1xf32>
    %mul3A_156 = arith.mulf %select_n3A_80, %select_n3A_80 : vector<1000x128xf32>
    %reduce_sum3A_157 = vector.shape_cast %mul3A_156 : vector<1000x128xf32> to vector<1x1000x128xf32>
    %reduce_sum3A_158 = arith.constant dense<0.000000e+00> : vector<1xf32>
    %reduce_sum3A_159 = vector.multi_reduction <add>, %reduce_sum3A_157, %reduce_sum3A_158 [1, 2] : vector<1x1000x128xf32> to vector<1xf32>
    %reduce_sum3A_160 = vector.shape_cast %reduce_sum3A_159 : vector<1xf32> to vector<1x1x1xf32>
    %reduce_sum3A_161 = vector.extract %reduce_sum3A_160[0, 0, 0] : f32 from vector<1x1x1xf32>
    %add3A_162 = arith.addf %reduce_sum3A_155, %reduce_sum3A_161 : f32
    %eq3A = arith.constant 0 : i32
    %eq3A_163 = arith.cmpi eq, %arg0, %eq3A : i32
    %convert_element_type3A = arith.extui %eq3A_163 : i1 to i32
    %cond3A = arith.constant 0 : i32
    %cond3A_164 = arith.cmpi ne, %convert_element_type3A, %cond3A : i32
    scf.if %cond3A_164 {
      %swap3A_179 = arith.constant 0.000000e+00 : f32
      %swap3A_180 = arith.constant 0 : index
      %swap3A_181 = arith.constant 0 : index
      %swap3A_182 = memref.load %arg20[%swap3A_180, %swap3A_181] : memref<1x1xf32, #tpu.memory_space<smem>>
      memref.store %swap3A_179, %arg20[%swap3A_180, %swap3A_181] : memref<1x1xf32, #tpu.memory_space<smem>>
      %swap3A_183 = arith.constant 0.000000e+00 : f32
      %swap3A_184 = arith.constant 0 : index
      %swap3A_185 = arith.constant 0 : index
      %swap3A_186 = memref.load %arg21[%swap3A_184, %swap3A_185] : memref<1x1xf32, #tpu.memory_space<smem>>
      memref.store %swap3A_183, %arg21[%swap3A_184, %swap3A_185] : memref<1x1xf32, #tpu.memory_space<smem>>
    } else {
    }
    %get3A_165 = arith.constant 0 : index
    %get3A_166 = arith.constant 0 : index
    %get3A_167 = memref.load %arg20[%get3A_165, %get3A_166] : memref<1x1xf32, #tpu.memory_space<smem>>
    %add3A_168 = arith.addf %get3A_167, %add3A_149 : f32
    %swap3A_169 = arith.constant 0 : index
    %swap3A_170 = arith.constant 0 : index
    %swap3A_171 = memref.load %arg20[%swap3A_169, %swap3A_170] : memref<1x1xf32, #tpu.memory_space<smem>>
    memref.store %add3A_168, %arg20[%swap3A_169, %swap3A_170] : memref<1x1xf32, #tpu.memory_space<smem>>
    %get3A_172 = arith.constant 0 : index
    %get3A_173 = arith.constant 0 : index
    %get3A_174 = memref.load %arg21[%get3A_172, %get3A_173] : memref<1x1xf32, #tpu.memory_space<smem>>
    %add3A_175 = arith.addf %get3A_174, %add3A_162 : f32
    %swap3A_176 = arith.constant 0 : index
    %swap3A_177 = arith.constant 0 : index
    %swap3A_178 = memref.load %arg21[%swap3A_176, %swap3A_177] : memref<1x1xf32, #tpu.memory_space<smem>>
    memref.store %add3A_175, %arg21[%swap3A_176, %swap3A_177] : memref<1x1xf32, #tpu.memory_space<smem>>
    return
  }
  func.func @transform_0(%arg0: i32) -> (i32, i32) {
    %c0_i32 = arith.constant 0 : i32
    %c0_i32_0 = arith.constant 0 : i32
    return %arg0, %c0_i32 : i32, i32
  }
  func.func @transform_1(%arg0: i32) -> (i32, i32, i32) {
    %c0_i32 = arith.constant 0 : i32
    %c0_i32_0 = arith.constant 0 : i32
    %c0_i32_1 = arith.constant 0 : i32
    return %c0_i32, %arg0, %c0_i32_0 : i32, i32, i32
  }
  func.func @transform_2(%arg0: i32) -> (i32, i32, i32) {
    %c0_i32 = arith.constant 0 : i32
    %c0_i32_0 = arith.constant 0 : i32
    %c0_i32_1 = arith.constant 0 : i32
    return %c0_i32, %arg0, %c0_i32_0 : i32, i32, i32
  }
  func.func @transform_3(%arg0: i32) -> (i32, i32) {
    %c0_i32 = arith.constant 0 : i32
    %c0_i32_0 = arith.constant 0 : i32
    return %arg0, %c0_i32 : i32, i32
  }
  func.func @transform_4(%arg0: i32) -> (i32, i32) {
    %c0_i32 = arith.constant 0 : i32
    %c0_i32_0 = arith.constant 0 : i32
    return %arg0, %c0_i32 : i32, i32
  }
  func.func @transform_5(%arg0: i32) -> (i32, i32) {
    %c0_i32 = arith.constant 0 : i32
    %c0_i32_0 = arith.constant 0 : i32
    %c0_i32_1 = arith.constant 0 : i32
    return %c0_i32, %c0_i32_0 : i32, i32
  }
  func.func @transform_6(%arg0: i32) -> (i32, i32) {
    %c0_i32 = arith.constant 0 : i32
    %c0_i32_0 = arith.constant 0 : i32
    %c0_i32_1 = arith.constant 0 : i32
    return %c0_i32, %c0_i32_0 : i32, i32
  }
  func.func @transform_7(%arg0: i32) -> (i32, i32) {
    %c0_i32 = arith.constant 0 : i32
    %c0_i32_0 = arith.constant 0 : i32
    %c0_i32_1 = arith.constant 0 : i32
    return %c0_i32, %c0_i32_0 : i32, i32
  }
  func.func @transform_8(%arg0: i32) -> (i32, i32) {
    %c0_i32 = arith.constant 0 : i32
    %c0_i32_0 = arith.constant 0 : i32
    %c0_i32_1 = arith.constant 0 : i32
    return %c0_i32, %c0_i32_0 : i32, i32
  }
  func.func @transform_9(%arg0: i32) -> (i32, i32) {
    %c0_i32 = arith.constant 0 : i32
    %c0_i32_0 = arith.constant 0 : i32
    %c0_i32_1 = arith.constant 0 : i32
    return %c0_i32, %c0_i32_0 : i32, i32
  }
  func.func @transform_10(%arg0: i32) -> (i32, i32) {
    %c0_i32 = arith.constant 0 : i32
    %c0_i32_0 = arith.constant 0 : i32
    %c0_i32_1 = arith.constant 0 : i32
    return %c0_i32, %c0_i32_0 : i32, i32
  }
  func.func @transform_11(%arg0: i32) -> (i32, i32) {
    %c0_i32 = arith.constant 0 : i32
    %c0_i32_0 = arith.constant 0 : i32
    %c0_i32_1 = arith.constant 0 : i32
    return %c0_i32, %c0_i32_0 : i32, i32
  }
  func.func @transform_12(%arg0: i32) -> (i32, i32) {
    %c0_i32 = arith.constant 0 : i32
    %c0_i32_0 = arith.constant 0 : i32
    %c0_i32_1 = arith.constant 0 : i32
    return %c0_i32, %c0_i32_0 : i32, i32
  }
  func.func @transform_13(%arg0: i32) -> (i32, i32) {
    %c0_i32 = arith.constant 0 : i32
    %c0_i32_0 = arith.constant 0 : i32
    %c0_i32_1 = arith.constant 0 : i32
    return %c0_i32, %c0_i32_0 : i32, i32
  }
  func.func @transform_14(%arg0: i32) -> (i32, i32) {
    %c0_i32 = arith.constant 0 : i32
    %c0_i32_0 = arith.constant 0 : i32
    %c0_i32_1 = arith.constant 0 : i32
    return %c0_i32, %c0_i32_0 : i32, i32
  }
  func.func @transform_15(%arg0: i32) -> (i32, i32) {
    %c0_i32 = arith.constant 0 : i32
    %c0_i32_0 = arith.constant 0 : i32
    %c0_i32_1 = arith.constant 0 : i32
    return %c0_i32, %c0_i32_0 : i32, i32
  }
  func.func @transform_16(%arg0: i32) -> (i32, i32) {
    %c0_i32 = arith.constant 0 : i32
    %c0_i32_0 = arith.constant 0 : i32
    %c0_i32_1 = arith.constant 0 : i32
    return %c0_i32, %c0_i32_0 : i32, i32
  }
  func.func @transform_17(%arg0: i32) -> (i32, i32) {
    %c0_i32 = arith.constant 0 : i32
    %c0_i32_0 = arith.constant 0 : i32
    %c0_i32_1 = arith.constant 0 : i32
    return %c0_i32, %c0_i32_0 : i32, i32
  }
  func.func @transform_18(%arg0: i32) -> (i32, i32) {
    %c0_i32 = arith.constant 0 : i32
    %c0_i32_0 = arith.constant 0 : i32
    return %arg0, %c0_i32 : i32, i32
  }
  func.func @transform_19(%arg0: i32) -> (i32, i32) {
    %c0_i32 = arith.constant 0 : i32
    %c0_i32_0 = arith.constant 0 : i32
    %c0_i32_1 = arith.constant 0 : i32
    return %c0_i32, %c0_i32_0 : i32, i32
  }
  func.func @transform_20(%arg0: i32) -> (i32, i32) {
    %c0_i32 = arith.constant 0 : i32
    %c0_i32_0 = arith.constant 0 : i32
    %c0_i32_1 = arith.constant 0 : i32
    return %c0_i32, %c0_i32_0 : i32, i32
  }
}

module attributes {stable_mosaic.version = 14 : i64} {
  func.func @body(%arg0: i32, %arg1: memref<1000x128xf32, #tpu.memory_space<vmem>>, %arg2: memref<2x1000x128xf32, #tpu.memory_space<vmem>>, %arg3: memref<2x1000x8xf32, #tpu.memory_space<vmem>>, %arg4: memref<1000x1xf32, #tpu.memory_space<vmem>>, %arg5: memref<1000x1xf32, #tpu.memory_space<vmem>>, %arg6: memref<1x16xf32, #tpu.memory_space<vmem>>, %arg7: memref<16x128xf32, #tpu.memory_space<vmem>>, %arg8: memref<16x128xf32, #tpu.memory_space<vmem>>, %arg9: memref<1x128xf32, #tpu.memory_space<vmem>>, %arg10: memref<16x128xf32, #tpu.memory_space<vmem>>, %arg11: memref<16x128xf32, #tpu.memory_space<vmem>>, %arg12: memref<1x128xf32, #tpu.memory_space<vmem>>, %arg13: memref<128x128xf32, #tpu.memory_space<vmem>>, %arg14: memref<1x128xf32, #tpu.memory_space<vmem>>, %arg15: memref<128x128xf32, #tpu.memory_space<vmem>>, %arg16: memref<1x128xf32, #tpu.memory_space<vmem>>, %arg17: memref<128x16xf32, #tpu.memory_space<vmem>>, %arg18: memref<1x16xf32, #tpu.memory_space<vmem>>, %arg19: memref<1000x16xf32, #tpu.memory_space<vmem>>, %arg20: memref<1x1xf32, #tpu.memory_space<smem>>, %arg21: memref<1x1xf32, #tpu.memory_space<smem>>) attributes {dimension_semantics = [#tpu.dimension_semantics<arbitrary>], iteration_bounds = array<i64: 10>, scalar_prefetch = 0 : i64, scratch_operands = 0 : i64, tpu.core_type = #tpu.core_type<tc>, window_params = [{transform_indices = @transform_0, window_bounds = array<i64: 1000, 128>}, {transform_indices = @transform_1, window_bounds = array<i64: 2, 1000, 128>}, {transform_indices = @transform_2, window_bounds = array<i64: 2, 1000, 8>}, {transform_indices = @transform_3, window_bounds = array<i64: 1000, 1>}, {transform_indices = @transform_4, window_bounds = array<i64: 1000, 1>}, {pipeline_mode = #tpu.pipeline_mode<synchronous>, transform_indices = @transform_5, window_bounds = array<i64: 1, 16>}, {pipeline_mode = #tpu.pipeline_mode<synchronous>, transform_indices = @transform_6, window_bounds = array<i64: 16, 128>}, {pipeline_mode = #tpu.pipeline_mode<synchronous>, transform_indices = @transform_7, window_bounds = array<i64: 16, 128>}, {pipeline_mode = #tpu.pipeline_mode<synchronous>, transform_indices = @transform_8, window_bounds = array<i64: 1, 128>}, {pipeline_mode = #tpu.pipeline_mode<synchronous>, transform_indices = @transform_9, window_bounds = array<i64: 16, 128>}, {pipeline_mode = #tpu.pipeline_mode<synchronous>, transform_indices = @transform_10, window_bounds = array<i64: 16, 128>}, {pipeline_mode = #tpu.pipeline_mode<synchronous>, transform_indices = @transform_11, window_bounds = array<i64: 1, 128>}, {pipeline_mode = #tpu.pipeline_mode<synchronous>, transform_indices = @transform_12, window_bounds = array<i64: 128, 128>}, {pipeline_mode = #tpu.pipeline_mode<synchronous>, transform_indices = @transform_13, window_bounds = array<i64: 1, 128>}, {pipeline_mode = #tpu.pipeline_mode<synchronous>, transform_indices = @transform_14, window_bounds = array<i64: 128, 128>}, {pipeline_mode = #tpu.pipeline_mode<synchronous>, transform_indices = @transform_15, window_bounds = array<i64: 1, 128>}, {pipeline_mode = #tpu.pipeline_mode<synchronous>, transform_indices = @transform_16, window_bounds = array<i64: 128, 16>}, {pipeline_mode = #tpu.pipeline_mode<synchronous>, transform_indices = @transform_17, window_bounds = array<i64: 1, 16>}, {transform_indices = @transform_18, window_bounds = array<i64: 1000, 16>}, {transform_indices = @transform_19, window_bounds = array<i64: 1, 1>}, {transform_indices = @transform_20, window_bounds = array<i64: 1, 1>}]} {
    %get3A = arith.constant 0 : index
    %get3A_0 = arith.constant 0 : index
    %get3A_1 = vector.load %arg1[%get3A, %get3A_0] : memref<1000x128xf32, #tpu.memory_space<vmem>>, vector<1000x128xf32>
    %get3A_2 = arith.constant 0 : index
    %get3A_3 = arith.constant 0 : index
    %get3A_4 = arith.constant 0 : index
    %get3A_5 = vector.load %arg3[%get3A_2, %get3A_3, %get3A_4] : memref<2x1000x8xf32, #tpu.memory_space<vmem>>, vector<1x1000x1xf32>
    %get3A_6 = vector.shape_cast %get3A_5 : vector<1x1000x1xf32> to vector<1000x1xf32>
    %get3A_7 = arith.constant 1 : index
    %get3A_8 = arith.constant 0 : index
    %get3A_9 = arith.constant 0 : index
    %get3A_10 = vector.load %arg3[%get3A_7, %get3A_8, %get3A_9] : memref<2x1000x8xf32, #tpu.memory_space<vmem>>, vector<1x1000x1xf32>
    %get3A_11 = vector.shape_cast %get3A_10 : vector<1x1000x1xf32> to vector<1000x1xf32>
    %add3A = arith.addf %get3A_6, %get3A_11 : vector<1000x1xf32>
    %add3A_12 = arith.constant 1.000000e+00 : f32
    %add3A_13 = vector.broadcast %add3A_12 : f32 to vector<1000x1xf32>
    %add3A_14 = arith.addf %add3A, %add3A_13 : vector<1000x1xf32>
    %get3A_15 = arith.constant 0 : index
    %get3A_16 = arith.constant 0 : index
    %get3A_17 = arith.constant 0 : index
    %get3A_18 = vector.load %arg2[%get3A_15, %get3A_16, %get3A_17] : memref<2x1000x128xf32, #tpu.memory_space<vmem>>, vector<1x1000x128xf32>
    %get3A_19 = vector.shape_cast %get3A_18 : vector<1x1000x128xf32> to vector<1000x128xf32>
    %get3A_20 = arith.constant 1 : index
    %get3A_21 = arith.constant 0 : index
    %get3A_22 = arith.constant 0 : index
    %get3A_23 = vector.load %arg2[%get3A_20, %get3A_21, %get3A_22] : memref<2x1000x128xf32, #tpu.memory_space<vmem>>, vector<1x1000x128xf32>
    %get3A_24 = vector.shape_cast %get3A_23 : vector<1x1000x128xf32> to vector<1000x128xf32>
    %add3A_25 = arith.addf %get3A_19, %get3A_24 : vector<1000x128xf32>
    %div3A = vector.broadcast %add3A_14 : vector<1000x1xf32> to vector<1000x128xf32>
    %div3A_26 = arith.divf %add3A_25, %div3A : vector<1000x128xf32>
    %get3A_27 = arith.constant 0 : index
    %get3A_28 = arith.constant 0 : index
    %get3A_29 = vector.load %arg4[%get3A_27, %get3A_28] : memref<1000x1xf32, #tpu.memory_space<vmem>>, vector<1000x1xf32>
    %jit3A = arith.constant 0.000000e+00 : f32
    %jit3A_30 = arith.constant 5.120000e+02 : f32
    %max3A = vector.broadcast %jit3A : f32 to vector<1000x1xf32>
    %max3A_31 = arith.maximumf %max3A, %get3A_29 : vector<1000x1xf32>
    %min3A = vector.broadcast %jit3A_30 : f32 to vector<1000x1xf32>
    %min3A_32 = arith.minimumf %min3A, %max3A_31 : vector<1000x1xf32>
    %get3A_33 = arith.constant 0 : index
    %get3A_34 = arith.constant 0 : index
    %get3A_35 = vector.load %arg6[%get3A_33, %get3A_34] : memref<1x16xf32, #tpu.memory_space<vmem>>, vector<1x16xf32>
    %mul3A = vector.broadcast %min3A_32 : vector<1000x1xf32> to vector<1000x16xf32>
    %mul3A_36 = vector.broadcast %get3A_35 : vector<1x16xf32> to vector<1000x16xf32>
    %mul3A_37 = arith.mulf %mul3A, %mul3A_36 : vector<1000x16xf32>
    %sin3A = math.sin %mul3A_37 : vector<1000x16xf32>
    %cos3A = math.cos %mul3A_37 : vector<1000x16xf32>
    %get3A_38 = arith.constant 0 : index
    %get3A_39 = arith.constant 0 : index
    %get3A_40 = vector.load %arg7[%get3A_38, %get3A_39] : memref<16x128xf32, #tpu.memory_space<vmem>>, vector<16x128xf32>
    %dot_general3A = arith.constant dense<0.000000e+00> : vector<1000x128xf32>
    %dot_general3A_41 = tpu.matmul %sin3A, %get3A_40, %dot_general3A {dimension_numbers = #tpu.dot_dimension_numbers<[1], [0], [0], [1], [0, 0, 1, 1], [], []>, transpose_lhs_hint = false} : vector<1000x16xf32>, vector<16x128xf32>, vector<1000x128xf32> -> vector<1000x128xf32>
    %get3A_42 = arith.constant 0 : index
    %get3A_43 = arith.constant 0 : index
    %get3A_44 = vector.load %arg8[%get3A_42, %get3A_43] : memref<16x128xf32, #tpu.memory_space<vmem>>, vector<16x128xf32>
    %dot_general3A_45 = arith.constant dense<0.000000e+00> : vector<1000x128xf32>
    %dot_general3A_46 = tpu.matmul %cos3A, %get3A_44, %dot_general3A_45 {dimension_numbers = #tpu.dot_dimension_numbers<[1], [0], [0], [1], [0, 0, 1, 1], [], []>, transpose_lhs_hint = false} : vector<1000x16xf32>, vector<16x128xf32>, vector<1000x128xf32> -> vector<1000x128xf32>
    %add3A_47 = arith.addf %dot_general3A_41, %dot_general3A_46 : vector<1000x128xf32>
    %get3A_48 = arith.constant 0 : index
    %get3A_49 = arith.constant 0 : index
    %get3A_50 = vector.load %arg9[%get3A_48, %get3A_49] : memref<1x128xf32, #tpu.memory_space<vmem>>, vector<1x128xf32>
    %add3A_51 = vector.broadcast %get3A_50 : vector<1x128xf32> to vector<1000x128xf32>
    %add3A_52 = arith.addf %add3A_47, %add3A_51 : vector<1000x128xf32>
    %ge3A = arith.constant 0.000000e+00 : f32
    %ge3A_53 = vector.broadcast %ge3A : f32 to vector<1000x128xf32>
    %ge3A_54 = arith.cmpf oge, %add3A_52, %ge3A_53 : vector<1000x128xf32>
    %mul3A_55 = arith.constant 0.00999999977 : f32
    %mul3A_56 = vector.broadcast %mul3A_55 : f32 to vector<1000x128xf32>
    %mul3A_57 = arith.mulf %mul3A_56, %add3A_52 : vector<1000x128xf32>
    %select_n3A = arith.select %ge3A_54, %add3A_52, %mul3A_57 : vector<1000x128xi1>, vector<1000x128xf32>
    %get3A_58 = arith.constant 0 : index
    %get3A_59 = arith.constant 0 : index
    %get3A_60 = vector.load %arg10[%get3A_58, %get3A_59] : memref<16x128xf32, #tpu.memory_space<vmem>>, vector<16x128xf32>
    %dot_general3A_61 = arith.constant dense<0.000000e+00> : vector<1000x128xf32>
    %dot_general3A_62 = tpu.matmul %sin3A, %get3A_60, %dot_general3A_61 {dimension_numbers = #tpu.dot_dimension_numbers<[1], [0], [0], [1], [0, 0, 1, 1], [], []>, transpose_lhs_hint = false} : vector<1000x16xf32>, vector<16x128xf32>, vector<1000x128xf32> -> vector<1000x128xf32>
    %get3A_63 = arith.constant 0 : index
    %get3A_64 = arith.constant 0 : index
    %get3A_65 = vector.load %arg11[%get3A_63, %get3A_64] : memref<16x128xf32, #tpu.memory_space<vmem>>, vector<16x128xf32>
    %dot_general3A_66 = arith.constant dense<0.000000e+00> : vector<1000x128xf32>
    %dot_general3A_67 = tpu.matmul %cos3A, %get3A_65, %dot_general3A_66 {dimension_numbers = #tpu.dot_dimension_numbers<[1], [0], [0], [1], [0, 0, 1, 1], [], []>, transpose_lhs_hint = false} : vector<1000x16xf32>, vector<16x128xf32>, vector<1000x128xf32> -> vector<1000x128xf32>
    %add3A_68 = arith.addf %dot_general3A_62, %dot_general3A_67 : vector<1000x128xf32>
    %get3A_69 = arith.constant 0 : index
    %get3A_70 = arith.constant 0 : index
    %get3A_71 = vector.load %arg12[%get3A_69, %get3A_70] : memref<1x128xf32, #tpu.memory_space<vmem>>, vector<1x128xf32>
    %add3A_72 = vector.broadcast %get3A_71 : vector<1x128xf32> to vector<1000x128xf32>
    %add3A_73 = arith.addf %add3A_68, %add3A_72 : vector<1000x128xf32>
    %ge3A_74 = arith.constant 0.000000e+00 : f32
    %ge3A_75 = vector.broadcast %ge3A_74 : f32 to vector<1000x128xf32>
    %ge3A_76 = arith.cmpf oge, %add3A_73, %ge3A_75 : vector<1000x128xf32>
    %mul3A_77 = arith.constant 0.00999999977 : f32
    %mul3A_78 = vector.broadcast %mul3A_77 : f32 to vector<1000x128xf32>
    %mul3A_79 = arith.mulf %mul3A_78, %add3A_73 : vector<1000x128xf32>
    %select_n3A_80 = arith.select %ge3A_76, %add3A_73, %mul3A_79 : vector<1000x128xi1>, vector<1000x128xf32>
    %get3A_81 = arith.constant 0 : index
    %get3A_82 = arith.constant 0 : index
    %get3A_83 = vector.load %arg13[%get3A_81, %get3A_82] : memref<128x128xf32, #tpu.memory_space<vmem>>, vector<128x128xf32>
    %dot_general3A_84 = arith.constant dense<0.000000e+00> : vector<1000x128xf32>
    %dot_general3A_85 = tpu.matmul %div3A_26, %get3A_83, %dot_general3A_84 {dimension_numbers = #tpu.dot_dimension_numbers<[1], [0], [0], [1], [0, 0, 1, 1], [], []>, transpose_lhs_hint = false} : vector<1000x128xf32>, vector<128x128xf32>, vector<1000x128xf32> -> vector<1000x128xf32>
    %get3A_86 = arith.constant 0 : index
    %get3A_87 = arith.constant 0 : index
    %get3A_88 = vector.load %arg14[%get3A_86, %get3A_87] : memref<1x128xf32, #tpu.memory_space<vmem>>, vector<1x128xf32>
    %add3A_89 = vector.broadcast %get3A_88 : vector<1x128xf32> to vector<1000x128xf32>
    %add3A_90 = arith.addf %dot_general3A_85, %add3A_89 : vector<1000x128xf32>
    %get3A_91 = arith.constant 0 : index
    %get3A_92 = arith.constant 0 : index
    %get3A_93 = vector.load %arg15[%get3A_91, %get3A_92] : memref<128x128xf32, #tpu.memory_space<vmem>>, vector<128x128xf32>
    %dot_general3A_94 = arith.constant dense<0.000000e+00> : vector<1000x128xf32>
    %dot_general3A_95 = tpu.matmul %div3A_26, %get3A_93, %dot_general3A_94 {dimension_numbers = #tpu.dot_dimension_numbers<[1], [0], [0], [1], [0, 0, 1, 1], [], []>, transpose_lhs_hint = false} : vector<1000x128xf32>, vector<128x128xf32>, vector<1000x128xf32> -> vector<1000x128xf32>
    %get3A_96 = arith.constant 0 : index
    %get3A_97 = arith.constant 0 : index
    %get3A_98 = vector.load %arg16[%get3A_96, %get3A_97] : memref<1x128xf32, #tpu.memory_space<vmem>>, vector<1x128xf32>
    %add3A_99 = vector.broadcast %get3A_98 : vector<1x128xf32> to vector<1000x128xf32>
    %add3A_100 = arith.addf %dot_general3A_95, %add3A_99 : vector<1000x128xf32>
    %mul3A_101 = arith.mulf %select_n3A, %add3A_90 : vector<1000x128xf32>
    %add3A_102 = arith.addf %mul3A_101, %select_n3A_80 : vector<1000x128xf32>
    %mul3A_103 = arith.mulf %select_n3A, %add3A_100 : vector<1000x128xf32>
    %add3A_104 = arith.addf %mul3A_103, %select_n3A_80 : vector<1000x128xf32>
    %get3A_105 = arith.constant 0 : index
    %get3A_106 = arith.constant 0 : index
    %get3A_107 = vector.load %arg5[%get3A_105, %get3A_106] : memref<1000x1xf32, #tpu.memory_space<vmem>>, vector<1000x1xf32>
    %add3A_108 = arith.addf %get3A_1, %div3A_26 : vector<1000x128xf32>
    %mul3A_109 = vector.broadcast %get3A_107 : vector<1000x1xf32> to vector<1000x128xf32>
    %mul3A_110 = arith.mulf %mul3A_109, %add3A_102 : vector<1000x128xf32>
    %sub3A = arith.constant 1.000000e+00 : f32
    %sub3A_111 = vector.broadcast %sub3A : f32 to vector<1000x1xf32>
    %sub3A_112 = arith.subf %sub3A_111, %get3A_107 : vector<1000x1xf32>
    %mul3A_113 = vector.broadcast %sub3A_112 : vector<1000x1xf32> to vector<1000x128xf32>
    %mul3A_114 = arith.mulf %mul3A_113, %add3A_104 : vector<1000x128xf32>
    %sub3A_115 = arith.subf %mul3A_110, %mul3A_114 : vector<1000x128xf32>
    %mul3A_116 = arith.constant 1.000000e-01 : f32
    %mul3A_117 = vector.broadcast %mul3A_116 : f32 to vector<1000x128xf32>
    %mul3A_118 = arith.mulf %mul3A_117, %sub3A_115 : vector<1000x128xf32>
    %add3A_119 = arith.addf %add3A_108, %mul3A_118 : vector<1000x128xf32>
    %ge3A_120 = arith.constant 0.000000e+00 : f32
    %ge3A_121 = vector.broadcast %ge3A_120 : f32 to vector<1000x128xf32>
    %ge3A_122 = arith.cmpf oge, %add3A_119, %ge3A_121 : vector<1000x128xf32>
    %mul3A_123 = arith.constant 0.00999999977 : f32
    %mul3A_124 = vector.broadcast %mul3A_123 : f32 to vector<1000x128xf32>
    %mul3A_125 = arith.mulf %mul3A_124, %add3A_119 : vector<1000x128xf32>
    %select_n3A_126 = arith.select %ge3A_122, %add3A_119, %mul3A_125 : vector<1000x128xi1>, vector<1000x128xf32>
    %get3A_127 = arith.constant 0 : index
    %get3A_128 = arith.constant 0 : index
    %get3A_129 = vector.load %arg17[%get3A_127, %get3A_128] : memref<128x16xf32, #tpu.memory_space<vmem>>, vector<128x16xf32>
    %dot_general3A_130 = arith.constant dense<0.000000e+00> : vector<1000x16xf32>
    %dot_general3A_131 = tpu.matmul %select_n3A_126, %get3A_129, %dot_general3A_130 {dimension_numbers = #tpu.dot_dimension_numbers<[1], [0], [0], [1], [0, 0, 1, 1], [], []>, transpose_lhs_hint = false} : vector<1000x128xf32>, vector<128x16xf32>, vector<1000x16xf32> -> vector<1000x16xf32>
    %get3A_132 = arith.constant 0 : index
    %get3A_133 = arith.constant 0 : index
    %get3A_134 = vector.load %arg18[%get3A_132, %get3A_133] : memref<1x16xf32, #tpu.memory_space<vmem>>, vector<1x16xf32>
    %add3A_135 = vector.broadcast %get3A_134 : vector<1x16xf32> to vector<1000x16xf32>
    %add3A_136 = arith.addf %dot_general3A_131, %add3A_135 : vector<1000x16xf32>
    %swap3A = arith.constant 0 : index
    %swap3A_137 = arith.constant 0 : index
    %swap3A_138 = vector.load %arg19[%swap3A, %swap3A_137] : memref<1000x16xf32, #tpu.memory_space<vmem>>, vector<1000x16xf32>
    tpu.vector_store %arg19[%swap3A, %swap3A_137], %add3A_136 {strides = array<i32>} : memref<1000x16xf32, #tpu.memory_space<vmem>>, vector<1000x16xf32>,
    %abs3A = math.absf %add3A_102 : vector<1000x128xf32>
    %reduce_sum3A = vector.shape_cast %abs3A : vector<1000x128xf32> to vector<1x1000x128xf32>
    %reduce_sum3A_139 = arith.constant dense<0.000000e+00> : vector<1xf32>
    %reduce_sum3A_140 = vector.multi_reduction <add>, %reduce_sum3A, %reduce_sum3A_139 [1, 2] : vector<1x1000x128xf32> to vector<1xf32>
    %reduce_sum3A_141 = vector.shape_cast %reduce_sum3A_140 : vector<1xf32> to vector<1x1x1xf32>
    %reduce_sum3A_142 = vector.extract %reduce_sum3A_141[0, 0, 0] : f32 from vector<1x1x1xf32>
    %abs3A_143 = math.absf %add3A_104 : vector<1000x128xf32>
    %reduce_sum3A_144 = vector.shape_cast %abs3A_143 : vector<1000x128xf32> to vector<1x1000x128xf32>
    %reduce_sum3A_145 = arith.constant dense<0.000000e+00> : vector<1xf32>
    %reduce_sum3A_146 = vector.multi_reduction <add>, %reduce_sum3A_144, %reduce_sum3A_145 [1, 2] : vector<1x1000x128xf32> to vector<1xf32>
    %reduce_sum3A_147 = vector.shape_cast %reduce_sum3A_146 : vector<1xf32> to vector<1x1x1xf32>
    %reduce_sum3A_148 = vector.extract %reduce_sum3A_147[0, 0, 0] : f32 from vector<1x1x1xf32>
    %add3A_149 = arith.addf %reduce_sum3A_142, %reduce_sum3A_148 : f32
    %mul3A_150 = arith.mulf %select_n3A, %select_n3A : vector<1000x128xf32>
    %reduce_sum3A_151 = vector.shape_cast %mul3A_150 : vector<1000x128xf32> to vector<1x1000x128xf32>
    %reduce_sum3A_152 = arith.constant dense<0.000000e+00> : vector<1xf32>
    %reduce_sum3A_153 = vector.multi_reduction <add>, %reduce_sum3A_151, %reduce_sum3A_152 [1, 2] : vector<1x1000x128xf32> to vector<1xf32>
    %reduce_sum3A_154 = vector.shape_cast %reduce_sum3A_153 : vector<1xf32> to vector<1x1x1xf32>
    %reduce_sum3A_155 = vector.extract %reduce_sum3A_154[0, 0, 0] : f32 from vector<1x1x1xf32>
    %mul3A_156 = arith.mulf %select_n3A_80, %select_n3A_80 : vector<1000x128xf32>
    %reduce_sum3A_157 = vector.shape_cast %mul3A_156 : vector<1000x128xf32> to vector<1x1000x128xf32>
    %reduce_sum3A_158 = arith.constant dense<0.000000e+00> : vector<1xf32>
    %reduce_sum3A_159 = vector.multi_reduction <add>, %reduce_sum3A_157, %reduce_sum3A_158 [1, 2] : vector<1x1000x128xf32> to vector<1xf32>
    %reduce_sum3A_160 = vector.shape_cast %reduce_sum3A_159 : vector<1xf32> to vector<1x1x1xf32>
    %reduce_sum3A_161 = vector.extract %reduce_sum3A_160[0, 0, 0] : f32 from vector<1x1x1xf32>
    %add3A_162 = arith.addf %reduce_sum3A_155, %reduce_sum3A_161 : f32
    %eq3A = arith.constant 0 : i32
    %eq3A_163 = arith.cmpi eq, %arg0, %eq3A : i32
    %convert_element_type3A = arith.extui %eq3A_163 : i1 to i32
    %cond3A = arith.constant 0 : i32
    %cond3A_164 = arith.cmpi ne, %convert_element_type3A, %cond3A : i32
    scf.if %cond3A_164 {
      %swap3A_179 = arith.constant 0.000000e+00 : f32
      %swap3A_180 = arith.constant 0 : index
      %swap3A_181 = arith.constant 0 : index
      %swap3A_182 = memref.load %arg20[%swap3A_180, %swap3A_181] : memref<1x1xf32, #tpu.memory_space<smem>>
      memref.store %swap3A_179, %arg20[%swap3A_180, %swap3A_181] : memref<1x1xf32, #tpu.memory_space<smem>>
      %swap3A_183 = arith.constant 0.000000e+00 : f32
      %swap3A_184 = arith.constant 0 : index
      %swap3A_185 = arith.constant 0 : index
      %swap3A_186 = memref.load %arg21[%swap3A_184, %swap3A_185] : memref<1x1xf32, #tpu.memory_space<smem>>
      memref.store %swap3A_183, %arg21[%swap3A_184, %swap3A_185] : memref<1x1xf32, #tpu.memory_space<smem>>
    } else {
    }
    %get3A_165 = arith.constant 0 : index
    %get3A_166 = arith.constant 0 : index
    %get3A_167 = memref.load %arg20[%get3A_165, %get3A_166] : memref<1x1xf32, #tpu.memory_space<smem>>
    %add3A_168 = arith.addf %get3A_167, %add3A_149 : f32
    %swap3A_169 = arith.constant 0 : index
    %swap3A_170 = arith.constant 0 : index
    %swap3A_171 = memref.load %arg20[%swap3A_169, %swap3A_170] : memref<1x1xf32, #tpu.memory_space<smem>>
    memref.store %add3A_168, %arg20[%swap3A_169, %swap3A_170] : memref<1x1xf32, #tpu.memory_space<smem>>
    %get3A_172 = arith.constant 0 : index
    %get3A_173 = arith.constant 0 : index
    %get3A_174 = memref.load %arg21[%get3A_172, %get3A_173] : memref<1x1xf32, #tpu.memory_space<smem>>
    %add3A_175 = arith.addf %get3A_174, %add3A_162 : f32
    %swap3A_176 = arith.constant 0 : index
    %swap3A_177 = arith.constant 0 : index
    %swap3A_178 = memref.load %arg21[%swap3A_176, %swap3A_177] : memref<1x1xf32, #tpu.memory_space<smem>>
    memref.store %add3A_175, %arg21[%swap3A_176, %swap3A_177] : memref<1x1xf32, #tpu.memory_space<smem>>
    return
  }
  func.func @transform_0(%arg0: i32) -> (i32, i32) {
    %c0_i32 = arith.constant 0 : i32
    %c0_i32_0 = arith.constant 0 : i32
    return %arg0, %c0_i32 : i32, i32
  }
  func.func @transform_1(%arg0: i32) -> (i32, i32, i32) {
    %c0_i32 = arith.constant 0 : i32
    %c0_i32_0 = arith.constant 0 : i32
    %c0_i32_1 = arith.constant 0 : i32
    return %c0_i32, %arg0, %c0_i32_0 : i32, i32, i32
  }
  func.func @transform_2(%arg0: i32) -> (i32, i32, i32) {
    %c0_i32 = arith.constant 0 : i32
    %c0_i32_0 = arith.constant 0 : i32
    %c0_i32_1 = arith.constant 0 : i32
    return %c0_i32, %arg0, %c0_i32_0 : i32, i32, i32
  }
  func.func @transform_3(%arg0: i32) -> (i32, i32) {
    %c0_i32 = arith.constant 0 : i32
    %c0_i32_0 = arith.constant 0 : i32
    return %arg0, %c0_i32 : i32, i32
  }
  func.func @transform_4(%arg0: i32) -> (i32, i32) {
    %c0_i32 = arith.constant 0 : i32
    %c0_i32_0 = arith.constant 0 : i32
    return %arg0, %c0_i32 : i32, i32
  }
  func.func @transform_5(%arg0: i32) -> (i32, i32) {
    %c0_i32 = arith.constant 0 : i32
    %c0_i32_0 = arith.constant 0 : i32
    %c0_i32_1 = arith.constant 0 : i32
    return %c0_i32, %c0_i32_0 : i32, i32
  }
  func.func @transform_6(%arg0: i32) -> (i32, i32) {
    %c0_i32 = arith.constant 0 : i32
    %c0_i32_0 = arith.constant 0 : i32
    %c0_i32_1 = arith.constant 0 : i32
    return %c0_i32, %c0_i32_0 : i32, i32
  }
  func.func @transform_7(%arg0: i32) -> (i32, i32) {
    %c0_i32 = arith.constant 0 : i32
    %c0_i32_0 = arith.constant 0 : i32
    %c0_i32_1 = arith.constant 0 : i32
    return %c0_i32, %c0_i32_0 : i32, i32
  }
  func.func @transform_8(%arg0: i32) -> (i32, i32) {
    %c0_i32 = arith.constant 0 : i32
    %c0_i32_0 = arith.constant 0 : i32
    %c0_i32_1 = arith.constant 0 : i32
    return %c0_i32, %c0_i32_0 : i32, i32
  }
  func.func @transform_9(%arg0: i32) -> (i32, i32) {
    %c0_i32 = arith.constant 0 : i32
    %c0_i32_0 = arith.constant 0 : i32
    %c0_i32_1 = arith.constant 0 : i32
    return %c0_i32, %c0_i32_0 : i32, i32
  }
  func.func @transform_10(%arg0: i32) -> (i32, i32) {
    %c0_i32 = arith.constant 0 : i32
    %c0_i32_0 = arith.constant 0 : i32
    %c0_i32_1 = arith.constant 0 : i32
    return %c0_i32, %c0_i32_0 : i32, i32
  }
  func.func @transform_11(%arg0: i32) -> (i32, i32) {
    %c0_i32 = arith.constant 0 : i32
    %c0_i32_0 = arith.constant 0 : i32
    %c0_i32_1 = arith.constant 0 : i32
    return %c0_i32, %c0_i32_0 : i32, i32
  }
  func.func @transform_12(%arg0: i32) -> (i32, i32) {
    %c0_i32 = arith.constant 0 : i32
    %c0_i32_0 = arith.constant 0 : i32
    %c0_i32_1 = arith.constant 0 : i32
    return %c0_i32, %c0_i32_0 : i32, i32
  }
  func.func @transform_13(%arg0: i32) -> (i32, i32) {
    %c0_i32 = arith.constant 0 : i32
    %c0_i32_0 = arith.constant 0 : i32
    %c0_i32_1 = arith.constant 0 : i32
    return %c0_i32, %c0_i32_0 : i32, i32
  }
  func.func @transform_14(%arg0: i32) -> (i32, i32) {
    %c0_i32 = arith.constant 0 : i32
    %c0_i32_0 = arith.constant 0 : i32
    %c0_i32_1 = arith.constant 0 : i32
    return %c0_i32, %c0_i32_0 : i32, i32
  }
  func.func @transform_15(%arg0: i32) -> (i32, i32) {
    %c0_i32 = arith.constant 0 : i32
    %c0_i32_0 = arith.constant 0 : i32
    %c0_i32_1 = arith.constant 0 : i32
    return %c0_i32, %c0_i32_0 : i32, i32
  }
  func.func @transform_16(%arg0: i32) -> (i32, i32) {
    %c0_i32 = arith.constant 0 : i32
    %c0_i32_0 = arith.constant 0 : i32
    %c0_i32_1 = arith.constant 0 : i32
    return %c0_i32, %c0_i32_0 : i32, i32
  }
  func.func @transform_17(%arg0: i32) -> (i32, i32) {
    %c0_i32 = arith.constant 0 : i32
    %c0_i32_0 = arith.constant 0 : i32
    %c0_i32_1 = arith.constant 0 : i32
    return %c0_i32, %c0_i32_0 : i32, i32
  }
  func.func @transform_18(%arg0: i32) -> (i32, i32) {
    %c0_i32 = arith.constant 0 : i32
    %c0_i32_0 = arith.constant 0 : i32
    return %arg0, %c0_i32 : i32, i32
  }
  func.func @transform_19(%arg0: i32) -> (i32, i32) {
    %c0_i32 = arith.constant 0 : i32
    %c0_i32_0 = arith.constant 0 : i32
    %c0_i32_1 = arith.constant 0 : i32
    return %c0_i32, %c0_i32_0 : i32, i32
  }
  func.func @transform_20(%arg0: i32) -> (i32, i32) {
    %c0_i32 = arith.constant 0 : i32
    %c0_i32_0 = arith.constant 0 : i32
    %c0_i32_1 = arith.constant 0 : i32
    return %c0_i32, %c0_i32_0 : i32, i32
  }
}

</mosaic_0001>

<sc_bundles>
// kernel: kernel.11.cloned.1.call-start
scs
__scs_entry_jumppad:
0x0: {  	(pc) =	sbr.rel $0x88, $3  }
0x1: {  	(tag) =	ssettag $0x0;
	lr =	simm.s32 $0x1  }
0x2: {  	[smem:$0x3F89] =	sst lr;
	_ =	strace $0xD0000000  }
0x3: {  	_ = 	snop  }
0x4: {  	_ = 	snop  }
0x5: {  	_ = 	snop  }
0x6: {  	_ = 	snop  }
0x7: {  	_ = 	snop  }
__scs_overlays_trampoline_lowered:
0x8: {  	[smem:$0x3F98] =	sst s0  }
0x9: {  	[smem:$0x3F99] =	sst s1  }
0xa: {  	[smem:$0x3F9A] =	sst s2  }
0xb: {  	[smem:$0x3F9B] =	sst s3  }
0xc: {  	[smem:$0x3F9C] =	sst s4  }
0xd: {  	[smem:$0x3F9D] =	sst s5  }
0xe: {  	[smem:$0x3F9E] =	sst s6  }
0xf: {  	[smem:$0x3F9F] =	sst s7  }
0x10: {  	[smem:$0x3FA0] =	sst s8  }
0x11: {  	[smem:$0x3FA1] =	sst s9;
	s0 =	simm.s32 @!p0 $0x0  }
0x12: {  	s1 =	sld [smem:$0x3F87];
	s0 =	simm.s32 @p0 $0x1  }
0x13: {  	[smem:$0x3FA2] =	sst s0;
	s0 =	simm.s32 @!p1 $0x0  }
0x14: {  	s2 =	sld [smem:$0x3F86];
	s0 =	simm.s32 @p1 $0x1  }
0x15: {  	[smem:$0x3FA3] =	sst s0;
	s0 =	simm.s32 @!p2 $0x0  }
0x16: {  	s3 =	sld [smem:$0x3FDB];
	s0 =	simm.s32 @p2 $0x1  }
0x17: {  	s4 =	simm.s32 $0x1BF5;
	[smem:$0x3FA5] =	sst s0  }
0x18: {  	s0 =	sld [smem:$0x3F88];
	_ =	swait.ge [sflag:s4], $0x0  }
0x19: {  	s7 =	sld [smem:$0x3F89]  }
0x1a: {  	s8 =	sadd.s32 $0xFFFFE003, lr  }
0x1b: {  	s9 =	sadd.s32 $0xFFFFFEF7, lr;
	s5 =	simm.s32 $0xFFFFFFFF;
	p2 =	slt.u32 s8, $0xFFFFF086  }
0x1c: {  	p1 =	slt.u32 s9, $0xF7A;
	s5 =	simm.s32 @!p2 $0x0  }
0x1d: {  	s5 =	simm.s32 @p1 $0x1;
	p0 =	seq.s32 s7, s2  }
0x1e: {  	s7 =	smul.u32 @!p0 $0xF7A, s2;
	p2 =	seq.s32 @!p0 s5, $0x0  }
0x1f: {  	s9 =	smul.u32 $0xF7A, s1;
	s8 =	simm.s32 @!p0 $0x1BF5;
	p2 =	por !p2, p0  }
0x20: {  	[sflag:s8] =	ssyncset.s32 @!p0 $0xFFFFF086;
	s6 =	sadd.s32 @!p0 s3, s7;
	s7 =	simm.s32 @!p0 $0x108  }
0x21: {  	s3 =	sadd.s32 s3, s9;
	s6 =	sadd.s32 @!p0 $0x88, s6;
	s7 =	simm.s32 @p2 $0x1082  }
0x22: {  	[simem:s7], [sflag:s8] =	dma.local @!p0 [hbm:s6], $0xF7A  }
0x23: {  	s9 =	sor.u32 $0xD0000000, s2;
	s6 =	simm.s32 $0x108;
	_ =	swait.ge @!p0 [sflag:s8], $0x0  }
0x24: {  	s3 =	sadd.s32 $0x88, s3;
	s6 =	simm.s32 @!p1 $0x1082;
	[sflag:s4] =	ssyncset.s32 $0xFFFFF086  }
0x25: {  	[simem:s6], [sflag:s4] =	dma.local [hbm:s3], $0xF7A  }
0x26: {  	[smem:$0x3F89] =	sst s1;
	(tag) =	ssettag s2;
	_ =	strace s9  }
0x27: {  	s1 =	sld [smem:$0x3F99]  }
0x28: {  	s2 =	sld [smem:$0x3F9A]  }
0x29: {  	s4 =	sld [smem:$0x3F9C]  }
0x2a: {  	p0 =	seq.s32 s5, $0x0;
	s5 =	sld [smem:$0x3F9D]  }
0x2b: {  	s6 =	sld [smem:$0x3F9E]  }
0x2c: {  	s7 =	sld [smem:$0x3F9F]  }
0x2d: {  	s3 =	simm.s32 $0x108;
	s8 =	sld [smem:$0x3FA0]  }
0x2e: {  	s3 =	simm.s32 @!p0 $0x1082;
	s9 =	sld [smem:$0x3FA1]  }
0x2f: {  	lr =	sadd.s32 s0, s3;
	s0 =	sld [smem:$0x3F98]  }
0x30: {  	s3 =	sld [smem:$0x3F9B]  }
0x31: {  	[smem:$0x3FA4] =	sst s10  }
0x32: {  	s10 =	sld [smem:$0x3FA2];
	_ =	sdelay $0x3  }
0x33: {  	p0 =	seq.s32 s10, $0x1;
	s10 =	sld [smem:$0x3FA4];
	_ =	sdelay $0x3  }
0x34: {  	[smem:$0x3FA4] =	sst s10  }
0x35: {  	s10 =	sld [smem:$0x3FA3];
	_ =	sdelay $0x3  }
0x36: {  	p1 =	seq.s32 s10, $0x1;
	s10 =	sld [smem:$0x3FA4];
	_ =	sdelay $0x3  }
0x37: {  	[smem:$0x3FA4] =	sst s10  }
0x38: {  	s10 =	sld [smem:$0x3FA5]  }
0x39: {  	_ = 	snop;
	(pc) =	sbr.ind lr, $3  }
0x3a: {  	_ = 	snop  }
0x3b: {  	_ = 	snop  }
0x3c: {  	p2 =	seq.s32 s10, $0x1;
	s10 =	sld [smem:$0x3FA4]  }
0x3d: {  	_ =	shalt  }
0x3e: {  	_ =	shalt  }
0x3f: {  	_ =	shalt  }
0x40: {  	_ =	shalt  }
0x41: {  	_ =	shalt  }
0x42: {  	_ =	shalt  }
0x43: {  	_ =	shalt  }
0x44: {  	_ =	shalt  }
0x45: {  	_ =	shalt  }
0x46: {  	_ =	shalt  }
0x47: {  	_ =	shalt  }
0x48: {  	_ =	shalt  }
0x49: {  	_ =	shalt  }
0x4a: {  	_ =	shalt  }
0x4b: {  	_ =	shalt  }
0x4c: {  	_ =	shalt  }
0x4d: {  	_ =	shalt  }
0x4e: {  	_ =	shalt  }
0x4f: {  	_ =	shalt  }
0x50: {  	_ =	shalt  }
0x51: {  	_ =	shalt  }
0x52: {  	_ =	shalt  }
0x53: {  	_ =	shalt  }
0x54: {  	_ =	shalt  }
0x55: {  	_ =	shalt  }
0x56: {  	_ =	shalt  }
0x57: {  	_ =	shalt  }
0x58: {  	_ =	shalt  }
0x59: {  	_ =	shalt  }
0x5a: {  	_ =	shalt  }
0x5b: {  	_ =	shalt  }
0x5c: {  	_ =	shalt  }
0x5d: {  	_ =	shalt  }
0x5e: {  	_ =	shalt  }
0x5f: {  	_ =	shalt  }
0x60: {  	_ =	shalt  }
0x61: {  	_ =	shalt  }
0x62: {  	_ =	shalt  }
0x63: {  	_ =	shalt  }
0x64: {  	_ =	shalt  }
0x65: {  	_ =	shalt  }
0x66: {  	_ =	shalt  }
0x67: {  	_ =	shalt  }
0x68: {  	_ =	shalt  }
0x69: {  	_ =	shalt  }
0x6a: {  	_ =	shalt  }
0x6b: {  	_ =	shalt  }
0x6c: {  	_ =	shalt  }
0x6d: {  	_ =	shalt  }
0x6e: {  	_ =	shalt  }
0x6f: {  	_ =	shalt  }
0x70: {  	_ =	shalt  }
0x71: {  	_ =	shalt  }
0x72: {  	_ =	shalt  }
0x73: {  	_ =	shalt  }
0x74: {  	_ =	shalt  }
0x75: {  	_ =	shalt  }
0x76: {  	_ =	shalt  }
0x77: {  	_ =	shalt  }
0x78: {  	_ =	shalt  }
0x79: {  	_ =	shalt  }
0x7a: {  	_ =	shalt  }
0x7b: {  	_ =	shalt  }
0x7c: {  	_ =	shalt  }
0x7d: {  	_ =	shalt  }
0x7e: {  	_ =	shalt  }
0x7f: {  	_ =	shalt  }
0x80: {  	_ =	shalt  }
0x81: {  	_ =	shalt  }
0x82: {  	_ =	shalt  }
0x83: {  	_ =	shalt  }
0x84: {  	_ =	shalt  }
0x85: {  	_ =	shalt  }
0x86: {  	_ =	shalt  }
0x87: {  	_ =	shalt  }
.Lfunc_end0:
.L_simem_size_0:
called_computation.1_lowered:
.L_overlay_start_0:
0x88: {  	s2 =	sld [smem:$0x3FD9]  }
0x89: {  	s3 =	sld [smem:$0x3FFE];
	_ =	sdelay $0x1  }
0x8a: {  	s1 =	srdreg.scid  }
0x8b: {  	s0 =	sand.u32 $0x1, s1  }
0x8c: {  	s14 =	sshll.u32 s0, $0xA;
	s2 =	sadd.s32 s3, s2  }
0x8d: {  	s2 =	sadd.s32 s2, s14  }
0x8e: {  	[smem:$0x3FB0] =	sst s2  }
0x8f: {  	_ = 	snop  }
0x90: {  	s2 =	sld [smem:$0x3FD0];
	_ =	sdelay $0x2  }
0x91: {  	s15 =	simm.s32 $0xB;
	s4 =	simm.s32 $0x10  }
0x92: {  	[smem:s4], [sflag:s15] =	dma.local [hbm:s2], $0x1  }
0x93: {  	_ =	swait.eq [sflag:s15], $0x1  }
0x94: {  	[sflag:s15] =	ssyncset.done $0x0  }
0x95: {  	[sflag:s15] =	ssyncadd.s32 $0xFFFFFFFF  }
0x96: {  	s16 =	sld [smem:$0x10];
	(tm) =	ssettm $0x1  }
0x97: {  	s17 =	sld [smem:$0x3FFB];
	_ =	sdelay $0x3  }
0x98: {  	_ =	strace s17  }
0x99: {  	s3 =	sld [smem:$0x3FFC];
	_ =	sdelay $0x3  }
0x9a: {  	_ =	strace s3  }
0x9b: {  	s3 =	sld [smem:$0x3FFD];
	_ =	sdelay $0x3  }
0x9c: {  	_ =	strace s3  }
0x9d: {  	_ =	strace $0x8FFFFFFF  }
0x9e: {  	s18 =	sld [smem:$0x3FDB];
	_ =	sdelay $0x1  }
0x9f: {  	s19 =	simm.s32 $_scs_section_size  }
0xa0: {  	s5 =	simm.s32 $_size__tile_overlayer_lowered;
	s6 =	simm.s32 $_tile_overlayer_lowered  }
0xa1: {  	s22 =	simm.s32 $0x1BFF;
	s21 =	sshll.u32 s6, $0x1;
	s3 =	sadd.s32 s19, s18  }
0xa2: {  	s7 =	simm.s32 $0x0;
	s20 =	sshll.u32 s5, $0x1;
	s5 =	sadd.s32 s21, s3  }
0xa3: {  	[timem:s7], [sflag:s22] =	dma.local [hbm:s5], s20  }
0xa4: {  	_ =	swait.ge [sflag:s22], s20  }
0xa5: {  	s4 =	ssub.s32 $0x0, s20;
	[sflag:s22] =	ssyncset.done $0x0  }
0xa6: {  	[sflag:s22] =	ssyncadd.s32 s4;
	_ =	sdelay $0x1  }
0xa7: {  	s23 =	simm.s32 $0x1B8B  }
0xa8: {  	_ =	swait.ge [sflag:s23], $0x1  }
0xa9: {  	[sflag:s23] =	ssyncset.done $0x0  }
0xaa: {  	s25 =	simm.s32 $0x1B8E;
	s24 =	sld [smem:$0x3FFE];
	[sflag:s23] =	ssyncadd.s32 $0xFFFFFFFF  }
0xab: {  	s26 =	simm.s32 $execute0_lowered;
	[smem:$0x3FD2] =	sst s25  }
0xac: {  	s5 =	sshll.u32 s26, $0x1;
	_ =	strace $0x80000046;
	[dreg:$0x1] =	wrdreg $0xFFFFFFFF  }
0xad: {  	s28 =	simm.s32 $_size_execute0_lowered;
	s3 =	sadd.s32 s3, s5;
	[dreg:$0x0] =	wrdreg $0x0  }
0xae: {  	s5 =	sshll.u32 s28, $0x1;
	[dreg:$0x2] =	wrdreg s3  }
0xaf: {  	[dreg:$0x3] =	wrdreg s5  }
0xb0: {  	[dreg:$0x4] =	wrdreg $0xC0  }
0xb1: {  	_ =	task [dreg:s7], $0x5FFFF  }
0xb2: {  	[dreg:$0x1] =	wrdreg $0xFFFFFFFF  }
0xb3: {  	[dreg:$0x0] =	wrdreg $0x60  }
0xb4: {  	[dreg:$0x2] =	wrdreg s24  }
0xb5: {  	[dreg:$0x3] =	wrdreg s16  }
0xb6: {  	[dreg:$0x4] =	wrdreg $0xA8000  }
0xb7: {  	[dreg:$0x5] =	wrdreg $0xA  }
0xb8: {  	_ =	task.clear_ibuf [dreg:s7], $0x6FFFF;
	_ =	strace $0x90000046  }
0xb9: {  	s29 =	simm.s32 $0xA;
	_ =	strace $0x80000048  }
0xba: {  	_ =	swait.ge [sflag:s29], $0x1  }
0xbb: {  	[sflag:s29] =	ssyncadd.s32 $0xFFFFFFFF  }
0xbc: {  	_ =	strace $0x90000048  }
0xbd: {  	_ =	sfence  }
0xbe: {  	s30 =	sld [smem:$0x0];
	_ =	sdelay $0x2  }
0xbf: {  	s31 =	sshll.u32 s1, $0xD;
	s1 =	sshrl.u32 s1, $0x2  }
0xc0: {  	s3 =	sand.u32 $0x4000, s31;
	s1 =	sadd.s32 s1, s30  }
0xc1: {  	s0 =	sor.u32 s3, s0;
	s1 =	sshll.u32 s1, $0x11  }
0xc2: {  	s0 =	sor.u32 s1, s0  }
0xc3: {  	s0 =	sadd.s32 $0x8F2B, s0  }
0xc4: {  	[sflag:s0] =	ssyncadd.remote.s32 $0x1  }
0xc5: {  	_ =	sfence.sel $0xFFFF  }
0xc6: {  	[dreg:$0x0] =	wrdreg $0xFFFFFFFF;
	(pc) =	sbr.abs _section_cstart, $3  }
0xc7: {  	[dreg:$0x1] =	wrdreg $0xFFFFFFFF  }
0xc8: {  	_ =	task.clear_ibuf [dreg:s7], $0x2FFFF;
	_ =	strace $0x9FFFFFFF  }
0xc9: {  	(tm) =	ssettm $0x7FFFFFFF  }
tec
execute0_lowered:
.L_overlay_start_1:
0x0: {  	(tag) =	ssettag $0x1  }
0x1: {  	s6 =	rddreg [dreg:$0x0]  }
0x2: {  	s1 =	rddreg [dreg:$0x1]  }
0x3: {  	s3 =	rddreg [dreg:$0x2]  }
0x4: {  	s0 =	rddreg [dreg:$0x3]  }
0x5: {  	s4 =	simm.s32 $0x0;
	s5 =	srdreg.scid;
	s2 =	stileid.u32  }
0x6: {  	s16 =	simm.s32 $0x80;
	s17 =	simm.s32 $0x2800;
	s18 =	simm.s32 $0x4800  }
0x7: {  	s19 =	simm.s32 $0x1;
	s20 =	simm.s32 $0x6800;
	s21 =	simm.s32 $0x2  }
0x8: {  	s22 =	simm.s32 $0x0;
	[smem:$0x7FF] =	sst s4;
	s7 =	sand.u32 $0x1, s5  }
0x9: {  	s8 =	smul.u32 $0x14000, s2;
	s5 =	sadd.s32 $0x2E00, s6;
	s10 =	sadd.s32 $0x20800, s6  }
0xa: {  	s13 =	sadd.s32 $0x16800, s6;
	s30 =	sshll.u32 s2, $0x6;
	_ =	strace $0x80000047  }
0xb: {  	s9 =	smul.u32 $0x140000, s7;
	s11 =	sshll.u32 s7, $0x4;
	s7 =	ssub.s32 $0x2, s7  }
0xc: {  	s11 =	sor.u32 s2, s11;
	s12 =	sshrl.u32 s7, $0x1;
	s15 =	sadd.s32 s8, s3  }
0xd: {  	s9 =	sadd.s32 s8, s9;
	s11 =	smul.u32 $0x2800, s11;
	s12 =	ssub.s32 s7, s12  }
.Ltmp0:
0xe: {  	s9 =	sshrl.u32 s9, $0x3;
	s12 =	smax.u32 s12, $0x1;
	(pc) =	sbr.rel .LBB2_1-.Ltmp0, $4  }
0xf: {  	s14 =	sadd.s32 s9, s6;
	s31 =	sshrl.u32 s11, $0x3;
	s6 =	sor.u32 $0x1C03, s30  }
0x10: {  	s7 =	sadd.s32 s10, s31;
	s11 =	sadd.s32 $0x280, s31;
	s8 =	sadd.s32 s13, s31  }
0x11: {  	s9 =	sadd.s32 s10, s11;
	s10 =	sadd.s32 s13, s11;
	s11 =	sadd.s32 $0x2A800, s14  }
0x12: {  	s13 =	sshrl.u32 s15, $0x3;
	s14 =	simm.s32 $0x3;
	s15 =	simm.s32 $0x1400  }
.LBB2_15:
0x13: {  	s22 =	sadd.s32 $0x1, s22  }
0x14: {  	p0 =	sne.s32 s22, s12  }
.Ltmp1:
0x15: {  	[bflag:$0x0] =	sbarrier.arrive $0xFFFF;
	(pc) =	sbr.rel @!p0 .LBB2_16-.Ltmp1, $4  }
0x16: {  	[hbm:s11], [sflag:s6] =	dma.local [spmem:s13], $0x2800  }
0x17: {  	_ =	swait.ge [sflag:s14], $0x2800  }
0x18: {  	[sflag:s14] =	ssyncset.done $0x0  }
0x19: {  	[sflag:s14] =	ssyncadd.s32 $0xFFFFD800  }
.LBB2_1:
0x1a: {  	[spmem:s13], [sflag:s6] =	dma.local [hbm:s1], $0x2800  }
0x1b: {  	_ =	swait.ge [sflag:s14], $0x2800  }
0x1c: {  	[sflag:s14] =	ssyncset.done $0x0  }
0x1d: {  	[sflag:s14] =	ssyncadd.s32 $0xFFFFD800  }
0x1e: {  	[bflag:$0x0] =	sbarrier.arrive $0xFFFF  }
0x1f: {  	[tilespmem:s4], [sflag:$0x3] =	stream.linear.gather [hbm4b:s7+s4], $0x1400, $0x38;
	[tilespmem:$0x1E800] =	vst v63  }
0x20: {  	_ =	swait.ge [sflag:s14], $0x1400  }
0x21: {  	[sflag:s14] =	ssyncset.done $0x0  }
0x22: {  	[sflag:s14] =	ssyncadd.s32 $0xFFFFEC00  }
0x23: {  	[tilespmem:s15], [sflag:$0x3] =	stream.linear.gather [hbm4b:s8+s4], $0x1400, $0x38;
	[tilespmem:$0x1E800] =	vst v63  }
0x24: {  	_ =	swait.ge [sflag:s14], $0x1400  }
0x25: {  	[sflag:s14] =	ssyncset.done $0x0  }
0x26: {  	[sflag:s14] =	ssyncadd.s32 $0xFFFFEC00  }
0x27: {  	[tilespmem:s17], [sflag:$0x1] =	stream.indirect.gather [hbm4b:s5+s16], $0x40, s4, s16, $0xb8;
	[tilespmem:$0x1E800] =	vst v63  }
0x28: {  	s23 =	simm.s32 $0x0  }
0x29: {  	[tilespmem:s18], [sflag:$0x2] =	stream.indirect.gather [hbm4b:s5+s16], $0x40, s16, s16, $0xb8;
	[tilespmem:$0x1E800] =	vst v63  }
.LBB2_2:
0x2a: {  	_ =	swait.ge [sflag:s19], $0x2000  }
0x2b: {  	[sflag:s19] =	ssyncset.done $0x0  }
0x2c: {  	s25 =	simm.s32 $0x0;
	[sflag:s19] =	ssyncadd.s32 $0xFFFFE000  }
0x2d: {  	v0 =	vld [tilespmem:s25+$0x2800];
	_ =	sdelay $0x4  }
0x2e: {  	s24 =	simm.s32 $0x6840;
	v1 =	vshll.u32 v0, $0x10  }
0x2f: {  	v0 =	vand.u32 $0xFFFF0000, v0;
	[tilespmem:s24+$0xFFFFFFC0] =	vst v1  }
0x30: {  	[tilespmem:s24+$0xFFFFFFD0] =	vst v0  }
0x31: {  	v0 =	vld [tilespmem:s25+$0x2810];
	_ =	sdelay $0x4  }
0x32: {  	v1 =	vshll.u32 v0, $0x10  }
0x33: {  	v0 =	vand.u32 $0xFFFF0000, v0;
	[tilespmem:s24+$0xFFFFFFE0] =	vst v1  }
0x34: {  	[tilespmem:s24+$0xFFFFFFF0] =	vst v0  }
0x35: {  	v0 =	vld [tilespmem:s25+$0x2820];
	_ =	sdelay $0x4  }
0x36: {  	v1 =	vand.u32 $0xFFFF0000, v0  }
0x37: {  	v0 =	vshll.u32 v0, $0x10;
	[tilespmem:s24+$0x10] =	vst v1  }
0x38: {  	[tilespmem:s24+$0x0] =	vst v0  }
0x39: {  	v0 =	vld [tilespmem:s25+$0x2830];
	_ =	sdelay $0x4  }
0x3a: {  	v1 =	vshll.u32 v0, $0x10  }
0x3b: {  	v0 =	vand.u32 $0xFFFF0000, v0;
	[tilespmem:s24+$0x20] =	vst v1  }
0x3c: {  	s25 =	simm.s32 $0x40;
	[tilespmem:s24+$0x30] =	vst v0  }
0x3d: {  	v0 =	vld [tilespmem:s25+$0x2800]  }
0x3e: {  	s26 =	simm.s32 $0x200  }
.LBB2_3:
0x3f: {  	p0 =	sne.s32 s26, $0x7F00;
	_ =	sdelay $0x2  }
0x40: {  	s24 =	sadd.s32 $0x80, s24;
	v1 =	vshll.u32 v0, $0x10  }
0x41: {  	v0 =	vand.u32 $0xFFFF0000, v0;
	[tilespmem:s24+$0xFFFFFFC0] =	vst v1  }
0x42: {  	[tilespmem:s24+$0xFFFFFFD0] =	vst v0  }
0x43: {  	v0 =	vld [tilespmem:s25+$0x2810];
	_ =	sdelay $0x4  }
0x44: {  	v1 =	vshll.u32 v0, $0x10  }
0x45: {  	v0 =	vand.u32 $0xFFFF0000, v0;
	[tilespmem:s24+$0xFFFFFFE0] =	vst v1  }
0x46: {  	[tilespmem:s24+$0xFFFFFFF0] =	vst v0  }
0x47: {  	v0 =	vld [tilespmem:s25+$0x2820];
	_ =	sdelay $0x4  }
0x48: {  	v1 =	vshll.u32 v0, $0x10;
	v0 =	vand.u32 $0xFFFF0000, v0  }
0x49: {  	[tilespmem:s24+$0x10] =	vst v0  }
0x4a: {  	[tilespmem:s24+$0x0] =	vst v1  }
0x4b: {  	v0 =	vld [tilespmem:s25+$0x2830];
	_ =	sdelay $0x4  }
.Ltmp2:
0x4c: {  	v1 =	vshll.u32 v0, $0x10;
	v0 =	vand.u32 $0xFFFF0000, v0;
	(pc) =	sbr.rel @p0 .LBB2_3-.Ltmp2, $4  }
0x4d: {  	[tilespmem:s24+$0x20] =	vst v1  }
0x4e: {  	s25 =	sshra.s32 s26, $0x2;
	[tilespmem:s24+$0x30] =	vst v0  }
0x4f: {  	v0 =	vld [tilespmem:s25+$0x2800]  }
0x50: {  	s26 =	sadd.s32 $0x100, s26  }
0x51: {  	_ =	sdelay $0x2  }
0x52: {  	s26 =	sadd.s32 $0x80, s24;
	v1 =	vshll.u32 v0, $0x10  }
0x53: {  	v0 =	vand.u32 $0xFFFF0000, v0;
	[tilespmem:s26+$0xFFFFFFC0] =	vst v1  }
0x54: {  	[tilespmem:s26+$0xFFFFFFD0] =	vst v0  }
0x55: {  	v0 =	vld [tilespmem:s25+$0x2810];
	_ =	sdelay $0x4  }
0x56: {  	v1 =	vshll.u32 v0, $0x10  }
0x57: {  	v0 =	vand.u32 $0xFFFF0000, v0;
	[tilespmem:s26+$0xFFFFFFE0] =	vst v1  }
0x58: {  	[tilespmem:s26+$0xFFFFFFF0] =	vst v0  }
0x59: {  	v0 =	vld [tilespmem:s25+$0x2820];
	_ =	sdelay $0x4  }
0x5a: {  	v1 =	vand.u32 $0xFFFF0000, v0  }
0x5b: {  	v0 =	vshll.u32 v0, $0x10;
	[tilespmem:s26+$0x10] =	vst v1  }
0x5c: {  	[tilespmem:s26+$0x0] =	vst v0  }
0x5d: {  	v0 =	vld [tilespmem:s25+$0x2830];
	_ =	sdelay $0x4  }
0x5e: {  	s25 =	sshll.u32 s23, $0xA;
	v1 =	vshll.u32 v0, $0x10  }
0x5f: {  	s24 =	sshrl.u32 s25, $0x2;
	v0 =	vand.u32 $0xFFFF0000, v0;
	[tilespmem:s26+$0x20] =	vst v1  }
0x60: {  	s30 =	sadd.s32 $0x1400, s24;
	[tilespmem:s26+$0x30] =	vst v0  }
0x61: {  	[spmem:s3] =	stream.indirect.scatter.add.f32 [tilespmem:s20], [sflag:$0x3], $0x80, s30, s16, $0xb8;
	[tilespmem:$0x1E800] =	vst v63  }
0x62: {  	p0 =	seq.s32 s23, $0x13;
	_ =	swait.ge [sflag:s14], $0x4000  }
0x63: {  	s28 =	simm.s32 @!p0 $0x2800;
	s25 =	sshrl.u32 @!p0 s25, $0x2;
	[sflag:s14] =	ssyncset.done $0x0  }
0x64: {  	s25 =	sadd.s32 @!p0 $0x100, s25;
	s26 =	simm.s32 @!p0 $0x80;
	[sflag:s14] =	ssyncadd.s32 $0xFFFFC000  }
0x65: {  	[tilespmem:s28], [sflag:$0x1] =	stream.indirect.gather @!p0 [hbm4b:s5+s26], $0x40, s25, s26, $0xb8;
	[tilespmem:$0x1E800] =	vst v63  }
0x66: {  	_ =	swait.ge [sflag:s21], $0x2000  }
0x67: {  	[sflag:s21] =	ssyncset.done $0x0  }
0x68: {  	s31 =	simm.s32 $0x0;
	[sflag:s21] =	ssyncadd.s32 $0xFFFFE000  }
0x69: {  	v0 =	vld [tilespmem:s31+$0x4800];
	_ =	sdelay $0x4  }
0x6a: {  	s25 =	simm.s32 $0x6840;
	v1 =	vshll.u32 v0, $0x10  }
0x6b: {  	v0 =	vand.u32 $0xFFFF0000, v0;
	[tilespmem:s25+$0xFFFFFFC0] =	vst v1  }
0x6c: {  	[tilespmem:s25+$0xFFFFFFD0] =	vst v0  }
0x6d: {  	v0 =	vld [tilespmem:s31+$0x4810];
	_ =	sdelay $0x4  }
0x6e: {  	v1 =	vshll.u32 v0, $0x10  }
0x6f: {  	v0 =	vand.u32 $0xFFFF0000, v0;
	[tilespmem:s25+$0xFFFFFFE0] =	vst v1  }
0x70: {  	[tilespmem:s25+$0xFFFFFFF0] =	vst v0  }
0x71: {  	v0 =	vld [tilespmem:s31+$0x4820];
	_ =	sdelay $0x4  }
0x72: {  	v1 =	vand.u32 $0xFFFF0000, v0  }
0x73: {  	v0 =	vshll.u32 v0, $0x10;
	[tilespmem:s25+$0x10] =	vst v1  }
0x74: {  	[tilespmem:s25+$0x0] =	vst v0  }
0x75: {  	v0 =	vld [tilespmem:s31+$0x4830];
	_ =	sdelay $0x4  }
0x76: {  	v1 =	vshll.u32 v0, $0x10  }
0x77: {  	v0 =	vand.u32 $0xFFFF0000, v0;
	[tilespmem:s25+$0x20] =	vst v1  }
0x78: {  	s26 =	simm.s32 $0x40;
	[tilespmem:s25+$0x30] =	vst v0  }
0x79: {  	v0 =	vld [tilespmem:s26+$0x4800]  }
0x7a: {  	s28 =	simm.s32 $0x200  }
.LBB2_5:
0x7b: {  	p1 =	sne.s32 s28, $0x7F00;
	_ =	sdelay $0x2  }
0x7c: {  	s25 =	sadd.s32 $0x80, s25;
	v1 =	vshll.u32 v0, $0x10  }
0x7d: {  	v0 =	vand.u32 $0xFFFF0000, v0;
	[tilespmem:s25+$0xFFFFFFC0] =	vst v1  }
0x7e: {  	[tilespmem:s25+$0xFFFFFFD0] =	vst v0  }
0x7f: {  	v0 =	vld [tilespmem:s26+$0x4810];
	_ =	sdelay $0x4  }
0x80: {  	v1 =	vshll.u32 v0, $0x10  }
0x81: {  	v0 =	vand.u32 $0xFFFF0000, v0;
	[tilespmem:s25+$0xFFFFFFE0] =	vst v1  }
0x82: {  	[tilespmem:s25+$0xFFFFFFF0] =	vst v0  }
0x83: {  	v0 =	vld [tilespmem:s26+$0x4820];
	_ =	sdelay $0x4  }
0x84: {  	v1 =	vshll.u32 v0, $0x10;
	v0 =	vand.u32 $0xFFFF0000, v0  }
0x85: {  	[tilespmem:s25+$0x10] =	vst v0  }
0x86: {  	[tilespmem:s25+$0x0] =	vst v1  }
0x87: {  	v0 =	vld [tilespmem:s26+$0x4830];
	_ =	sdelay $0x4  }
.Ltmp3:
0x88: {  	v1 =	vshll.u32 v0, $0x10;
	v0 =	vand.u32 $0xFFFF0000, v0;
	(pc) =	sbr.rel @p1 .LBB2_5-.Ltmp3, $4  }
0x89: {  	[tilespmem:s25+$0x20] =	vst v1  }
0x8a: {  	s26 =	sshra.s32 s28, $0x2;
	[tilespmem:s25+$0x30] =	vst v0  }
0x8b: {  	v0 =	vld [tilespmem:s26+$0x4800]  }
0x8c: {  	s28 =	sadd.s32 $0x100, s28  }
0x8d: {  	_ =	sdelay $0x2  }
0x8e: {  	s25 =	sadd.s32 $0x80, s25;
	v1 =	vshll.u32 v0, $0x10  }
0x8f: {  	v60 =	vand.u32 $0xFFFF0000, v0;
	[tilespmem:s25+$0xFFFFFFC0] =	vst v1  }
0x90: {  	[tilespmem:s25+$0xFFFFFFD0] =	vst v60  }
0x91: {  	v0 =	vld [tilespmem:s26+$0x4810];
	_ =	sdelay $0x4  }
0x92: {  	v61 =	vshll.u32 v0, $0x10  }
0x93: {  	v0 =	vand.u32 $0xFFFF0000, v0;
	[tilespmem:s25+$0xFFFFFFE0] =	vst v61  }
0x94: {  	[tilespmem:s25+$0xFFFFFFF0] =	vst v0  }
0x95: {  	v0 =	vld [tilespmem:s26+$0x4820];
	_ =	sdelay $0x4  }
0x96: {  	v62 =	vand.u32 $0xFFFF0000, v0  }
0x97: {  	v0 =	vshll.u32 v0, $0x10;
	[tilespmem:s25+$0x10] =	vst v62  }
0x98: {  	[tilespmem:s25+$0x0] =	vst v0  }
0x99: {  	v0 =	vld [tilespmem:s26+$0x4830];
	_ =	sdelay $0x4  }
0x9a: {  	v63 =	vshll.u32 v0, $0x10  }
0x9b: {  	v0 =	vand.u32 $0xFFFF0000, v0;
	[tilespmem:s25+$0x20] =	vst v63  }
.Ltmp4:
0x9c: {  	s31 =	sadd.s32 $0x1480, s24;
	[tilespmem:s25+$0x30] =	vst v0;
	(pc) =	sbr.rel @p0 .LBB2_8-.Ltmp4, $4  }
0x9d: {  	[spmem:s3] =	stream.indirect.scatter.add.f32 [tilespmem:s20], [sflag:$0x3], $0x80, s31, s16, $0xb8;
	[tilespmem:$0x1E800] =	vst v63  }
0x9e: {  	_ =	swait.ge [sflag:s14], $0x4000  }
0x9f: {  	[sflag:s14] =	ssyncset.done $0x0  }
0xa0: {  	[sflag:s14] =	ssyncadd.s32 $0xFFFFC000  }
.Ltmp5:
0xa1: {  	(pc) =	sbr.rel .LBB2_2-.Ltmp5, $3  }
0xa2: {  	_ =	sdelay $0x1  }
0xa3: {  	s24 =	sadd.s32 $0x180, s24;
	s23 =	sadd.s32 $0x1, s23  }
0xa4: {  	[tilespmem:s18], [sflag:$0x2] =	stream.indirect.gather [hbm4b:s5+s16], $0x40, s24, s16, $0xb8;
	[tilespmem:$0x1E800] =	vst v63  }
.LBB2_8:
0xa5: {  	s23 =	simm.s32 $0x0  }
0xa6: {  	[tilespmem:s23], [sflag:$0x3] =	stream.linear.gather [hbm4b:s9+s23], $0x1400, $0x38;
	[tilespmem:$0x1E800] =	vst v63  }
0xa7: {  	_ =	swait.ge [sflag:s14], $0x1400  }
0xa8: {  	[sflag:s14] =	ssyncset.done $0x0  }
0xa9: {  	[sflag:s14] =	ssyncadd.s32 $0xFFFFEC00  }
0xaa: {  	[tilespmem:s15], [sflag:$0x3] =	stream.linear.gather [hbm4b:s10+s23], $0x1400, $0x38;
	[tilespmem:$0x1E800] =	vst v63  }
0xab: {  	_ =	swait.ge [sflag:s14], $0x1400  }
0xac: {  	[sflag:s14] =	ssyncset.done $0x0  }
0xad: {  	[sflag:s14] =	ssyncadd.s32 $0xFFFFEC00  }
0xae: {  	[tilespmem:s17], [sflag:$0x1] =	stream.indirect.gather [hbm4b:s5+s16], $0x40, s23, s16, $0xb8;
	[tilespmem:$0x1E800] =	vst v63  }
0xaf: {  	_ = 	snop  }
0xb0: {  	[tilespmem:s18], [sflag:$0x2] =	stream.indirect.gather [hbm4b:s5+s16], $0x40, s16, s16, $0xb8;
	[tilespmem:$0x1E800] =	vst v63  }
.LBB2_9:
0xb1: {  	_ =	swait.ge [sflag:s19], $0x2000  }
0xb2: {  	[sflag:s19] =	ssyncset.done $0x0  }
0xb3: {  	s25 =	simm.s32 $0x0;
	[sflag:s19] =	ssyncadd.s32 $0xFFFFE000  }
0xb4: {  	v0 =	vld [tilespmem:s25+$0x2800];
	_ =	sdelay $0x4  }
0xb5: {  	s24 =	simm.s32 $0x6840;
	v1 =	vshll.u32 v0, $0x10  }
0xb6: {  	v0 =	vand.u32 $0xFFFF0000, v0;
	[tilespmem:s24+$0xFFFFFFC0] =	vst v1  }
0xb7: {  	[tilespmem:s24+$0xFFFFFFD0] =	vst v0  }
0xb8: {  	v0 =	vld [tilespmem:s25+$0x2810];
	_ =	sdelay $0x4  }
0xb9: {  	v1 =	vshll.u32 v0, $0x10  }
0xba: {  	v0 =	vand.u32 $0xFFFF0000, v0;
	[tilespmem:s24+$0xFFFFFFE0] =	vst v1  }
0xbb: {  	[tilespmem:s24+$0xFFFFFFF0] =	vst v0  }
0xbc: {  	v0 =	vld [tilespmem:s25+$0x2820];
	_ =	sdelay $0x4  }
0xbd: {  	v1 =	vand.u32 $0xFFFF0000, v0  }
0xbe: {  	v0 =	vshll.u32 v0, $0x10;
	[tilespmem:s24+$0x10] =	vst v1  }
0xbf: {  	[tilespmem:s24+$0x0] =	vst v0  }
0xc0: {  	v0 =	vld [tilespmem:s25+$0x2830];
	_ =	sdelay $0x4  }
0xc1: {  	v1 =	vshll.u32 v0, $0x10  }
0xc2: {  	v0 =	vand.u32 $0xFFFF0000, v0;
	[tilespmem:s24+$0x20] =	vst v1  }
0xc3: {  	s25 =	simm.s32 $0x40;
	[tilespmem:s24+$0x30] =	vst v0  }
0xc4: {  	v0 =	vld [tilespmem:s25+$0x2800]  }
0xc5: {  	s26 =	simm.s32 $0x200  }
.LBB2_10:
0xc6: {  	p0 =	sne.s32 s26, $0x7F00;
	_ =	sdelay $0x2  }
0xc7: {  	s24 =	sadd.s32 $0x80, s24;
	v1 =	vshll.u32 v0, $0x10  }
0xc8: {  	v0 =	vand.u32 $0xFFFF0000, v0;
	[tilespmem:s24+$0xFFFFFFC0] =	vst v1  }
0xc9: {  	[tilespmem:s24+$0xFFFFFFD0] =	vst v0  }
0xca: {  	v0 =	vld [tilespmem:s25+$0x2810];
	_ =	sdelay $0x4  }
0xcb: {  	v1 =	vshll.u32 v0, $0x10  }
0xcc: {  	v0 =	vand.u32 $0xFFFF0000, v0;
	[tilespmem:s24+$0xFFFFFFE0] =	vst v1  }
0xcd: {  	[tilespmem:s24+$0xFFFFFFF0] =	vst v0  }
0xce: {  	v0 =	vld [tilespmem:s25+$0x2820];
	_ =	sdelay $0x4  }
0xcf: {  	v1 =	vshll.u32 v0, $0x10;
	v0 =	vand.u32 $0xFFFF0000, v0  }
0xd0: {  	[tilespmem:s24+$0x10] =	vst v0  }
0xd1: {  	[tilespmem:s24+$0x0] =	vst v1  }
0xd2: {  	v0 =	vld [tilespmem:s25+$0x2830];
	_ =	sdelay $0x4  }
.Ltmp6:
0xd3: {  	v1 =	vshll.u32 v0, $0x10;
	v0 =	vand.u32 $0xFFFF0000, v0;
	(pc) =	sbr.rel @p0 .LBB2_10-.Ltmp6, $4  }
0xd4: {  	[tilespmem:s24+$0x20] =	vst v1  }
0xd5: {  	s25 =	sshra.s32 s26, $0x2;
	[tilespmem:s24+$0x30] =	vst v0  }
0xd6: {  	v0 =	vld [tilespmem:s25+$0x2800]  }
0xd7: {  	s26 =	sadd.s32 $0x100, s26  }
0xd8: {  	_ =	sdelay $0x2  }
0xd9: {  	s26 =	sadd.s32 $0x80, s24;
	v1 =	vshll.u32 v0, $0x10  }
0xda: {  	v0 =	vand.u32 $0xFFFF0000, v0;
	[tilespmem:s26+$0xFFFFFFC0] =	vst v1  }
0xdb: {  	[tilespmem:s26+$0xFFFFFFD0] =	vst v0  }
0xdc: {  	v0 =	vld [tilespmem:s25+$0x2810];
	_ =	sdelay $0x4  }
0xdd: {  	v1 =	vshll.u32 v0, $0x10  }
0xde: {  	v0 =	vand.u32 $0xFFFF0000, v0;
	[tilespmem:s26+$0xFFFFFFE0] =	vst v1  }
0xdf: {  	[tilespmem:s26+$0xFFFFFFF0] =	vst v0  }
0xe0: {  	v0 =	vld [tilespmem:s25+$0x2820];
	_ =	sdelay $0x4  }
0xe1: {  	v1 =	vand.u32 $0xFFFF0000, v0  }
0xe2: {  	v0 =	vshll.u32 v0, $0x10;
	[tilespmem:s26+$0x10] =	vst v1  }
0xe3: {  	[tilespmem:s26+$0x0] =	vst v0  }
0xe4: {  	v0 =	vld [tilespmem:s25+$0x2830];
	_ =	sdelay $0x4  }
0xe5: {  	s25 =	sshll.u32 s23, $0xA;
	v1 =	vshll.u32 v0, $0x10  }
0xe6: {  	s24 =	sshrl.u32 s25, $0x2;
	v0 =	vand.u32 $0xFFFF0000, v0;
	[tilespmem:s26+$0x20] =	vst v1  }
0xe7: {  	s30 =	sadd.s32 $0x1400, s24;
	[tilespmem:s26+$0x30] =	vst v0  }
0xe8: {  	[spmem:s3] =	stream.indirect.scatter.add.f32 [tilespmem:s20], [sflag:$0x3], $0x80, s30, s16, $0xb8;
	[tilespmem:$0x1E800] =	vst v63  }
0xe9: {  	p0 =	seq.s32 s23, $0x13;
	_ =	swait.ge [sflag:s14], $0x4000  }
0xea: {  	s28 =	simm.s32 @!p0 $0x2800;
	s25 =	sshrl.u32 @!p0 s25, $0x2;
	[sflag:s14] =	ssyncset.done $0x0  }
0xeb: {  	s25 =	sadd.s32 @!p0 $0x100, s25;
	s26 =	simm.s32 @!p0 $0x80;
	[sflag:s14] =	ssyncadd.s32 $0xFFFFC000  }
0xec: {  	[tilespmem:s28], [sflag:$0x1] =	stream.indirect.gather @!p0 [hbm4b:s5+s26], $0x40, s25, s26, $0xb8;
	[tilespmem:$0x1E800] =	vst v63  }
0xed: {  	_ =	swait.ge [sflag:s21], $0x2000  }
0xee: {  	[sflag:s21] =	ssyncset.done $0x0  }
0xef: {  	s31 =	simm.s32 $0x0;
	[sflag:s21] =	ssyncadd.s32 $0xFFFFE000  }
0xf0: {  	v0 =	vld [tilespmem:s31+$0x4800];
	_ =	sdelay $0x4  }
0xf1: {  	s25 =	simm.s32 $0x6840;
	v1 =	vshll.u32 v0, $0x10  }
0xf2: {  	v0 =	vand.u32 $0xFFFF0000, v0;
	[tilespmem:s25+$0xFFFFFFC0] =	vst v1  }
0xf3: {  	[tilespmem:s25+$0xFFFFFFD0] =	vst v0  }
0xf4: {  	v0 =	vld [tilespmem:s31+$0x4810];
	_ =	sdelay $0x4  }
0xf5: {  	v1 =	vshll.u32 v0, $0x10  }
0xf6: {  	v0 =	vand.u32 $0xFFFF0000, v0;
	[tilespmem:s25+$0xFFFFFFE0] =	vst v1  }
0xf7: {  	[tilespmem:s25+$0xFFFFFFF0] =	vst v0  }
0xf8: {  	v0 =	vld [tilespmem:s31+$0x4820];
	_ =	sdelay $0x4  }
0xf9: {  	v1 =	vand.u32 $0xFFFF0000, v0  }
0xfa: {  	v0 =	vshll.u32 v0, $0x10;
	[tilespmem:s25+$0x10] =	vst v1  }
0xfb: {  	[tilespmem:s25+$0x0] =	vst v0  }
0xfc: {  	v0 =	vld [tilespmem:s31+$0x4830];
	_ =	sdelay $0x4  }
0xfd: {  	v1 =	vshll.u32 v0, $0x10  }
0xfe: {  	v0 =	vand.u32 $0xFFFF0000, v0;
	[tilespmem:s25+$0x20] =	vst v1  }
0xff: {  	s26 =	simm.s32 $0x40;
	[tilespmem:s25+$0x30] =	vst v0  }
0x100: {  	v0 =	vld [tilespmem:s26+$0x4800]  }
0x101: {  	s28 =	simm.s32 $0x200  }
.LBB2_12:
0x102: {  	p1 =	sne.s32 s28, $0x7F00;
	_ =	sdelay $0x2  }
0x103: {  	s25 =	sadd.s32 $0x80, s25;
	v1 =	vshll.u32 v0, $0x10  }
0x104: {  	v0 =	vand.u32 $0xFFFF0000, v0;
	[tilespmem:s25+$0xFFFFFFC0] =	vst v1  }
0x105: {  	[tilespmem:s25+$0xFFFFFFD0] =	vst v0  }
0x106: {  	v0 =	vld [tilespmem:s26+$0x4810];
	_ =	sdelay $0x4  }
0x107: {  	v1 =	vshll.u32 v0, $0x10  }
0x108: {  	v0 =	vand.u32 $0xFFFF0000, v0;
	[tilespmem:s25+$0xFFFFFFE0] =	vst v1  }
0x109: {  	[tilespmem:s25+$0xFFFFFFF0] =	vst v0  }
0x10a: {  	v0 =	vld [tilespmem:s26+$0x4820];
	_ =	sdelay $0x4  }
0x10b: {  	v1 =	vshll.u32 v0, $0x10;
	v0 =	vand.u32 $0xFFFF0000, v0  }
0x10c: {  	[tilespmem:s25+$0x10] =	vst v0  }
0x10d: {  	[tilespmem:s25+$0x0] =	vst v1  }
0x10e: {  	v0 =	vld [tilespmem:s26+$0x4830];
	_ =	sdelay $0x4  }
.Ltmp7:
0x10f: {  	v1 =	vshll.u32 v0, $0x10;
	v0 =	vand.u32 $0xFFFF0000, v0;
	(pc) =	sbr.rel @p1 .LBB2_12-.Ltmp7, $4  }
0x110: {  	[tilespmem:s25+$0x20] =	vst v1  }
0x111: {  	s26 =	sshra.s32 s28, $0x2;
	[tilespmem:s25+$0x30] =	vst v0  }
0x112: {  	v0 =	vld [tilespmem:s26+$0x4800]  }
0x113: {  	s28 =	sadd.s32 $0x100, s28  }
0x114: {  	_ =	sdelay $0x2  }
0x115: {  	s25 =	sadd.s32 $0x80, s25;
	v1 =	vshll.u32 v0, $0x10  }
0x116: {  	v60 =	vand.u32 $0xFFFF0000, v0;
	[tilespmem:s25+$0xFFFFFFC0] =	vst v1  }
0x117: {  	[tilespmem:s25+$0xFFFFFFD0] =	vst v60  }
0x118: {  	v0 =	vld [tilespmem:s26+$0x4810];
	_ =	sdelay $0x4  }
0x119: {  	v61 =	vshll.u32 v0, $0x10  }
0x11a: {  	v0 =	vand.u32 $0xFFFF0000, v0;
	[tilespmem:s25+$0xFFFFFFE0] =	vst v61  }
0x11b: {  	[tilespmem:s25+$0xFFFFFFF0] =	vst v0  }
0x11c: {  	v0 =	vld [tilespmem:s26+$0x4820];
	_ =	sdelay $0x4  }
0x11d: {  	v62 =	vand.u32 $0xFFFF0000, v0  }
0x11e: {  	v0 =	vshll.u32 v0, $0x10;
	[tilespmem:s25+$0x10] =	vst v62  }
0x11f: {  	[tilespmem:s25+$0x0] =	vst v0  }
0x120: {  	v0 =	vld [tilespmem:s26+$0x4830];
	_ =	sdelay $0x4  }
0x121: {  	v63 =	vshll.u32 v0, $0x10  }
0x122: {  	v0 =	vand.u32 $0xFFFF0000, v0;
	[tilespmem:s25+$0x20] =	vst v63  }
.Ltmp8:
0x123: {  	s31 =	sadd.s32 $0x1480, s24;
	[tilespmem:s25+$0x30] =	vst v0;
	(pc) =	sbr.rel @p0 .LBB2_15-.Ltmp8, $4  }
0x124: {  	[spmem:s3] =	stream.indirect.scatter.add.f32 [tilespmem:s20], [sflag:$0x3], $0x80, s31, s16, $0xb8;
	[tilespmem:$0x1E800] =	vst v63  }
0x125: {  	_ =	swait.ge [sflag:s14], $0x4000  }
0x126: {  	[sflag:s14] =	ssyncset.done $0x0  }
0x127: {  	[sflag:s14] =	ssyncadd.s32 $0xFFFFC000  }
.Ltmp9:
0x128: {  	(pc) =	sbr.rel .LBB2_9-.Ltmp9, $3  }
0x129: {  	_ =	sdelay $0x1  }
0x12a: {  	s24 =	sadd.s32 $0x180, s24;
	s23 =	sadd.s32 $0x1, s23  }
0x12b: {  	[tilespmem:s18], [sflag:$0x2] =	stream.indirect.gather [hbm4b:s5+s16], $0x40, s24, s16, $0xb8;
	[tilespmem:$0x1E800] =	vst v63  }
.LBB2_16:
0x12c: {  	_ =	sfence.sel $0x180000  }
0x12d: {  	[bflag:$0x0] =	sbarrier.arrive $0xFFFF  }
0x12e: {  	p0 =	sne.s32 s2, $0x0;
	_ =	strace $0x90000047  }
0x12f: {  	s0 =	sadd.s32 @!p0 $0x100000, s0;
	[bflag:$0x2] =	sbarrier.arrive $0xFFFF  }
0x130: {  	[sflag:s0] =	ssyncadd.tile.s32 @!p0 $0x1;
	_ =	shalt  }
.Lfunc_end2:
_tile_overlayer_lowered:
.L_overlay_start_2:
0x131: {  	(tag) =	ssettag $0x2  }
0x132: {  	s0 =	rddreg [dreg:$0x0];
	s2 =	stileid.u32  }
0x133: {  	s1 =	rddreg [dreg:$0x1];
	p0 =	sne.s32 s2, $0x0  }
0x134: {  	s3 =	rddreg [dreg:$0x2];
	[bflag:$0x3] =	sbarrier.arrive $0xFFFF;
	s2 =	simm.s32 @!p0 $0x1C03  }
0x135: {  	[timem:s3], [sflag:s2] =	dma.local @!p0 [hbm:s0], s1  }
0x136: {  	s0 =	simm.s32 @!p0 $0x3  }
0x137: {  	_ =	swait.ge @!p0 [sflag:s0], s1  }
0x138: {  	s1 =	ssub.s32 @!p0 $0x0, s1;
	[sflag:s0] =	ssyncset.done @!p0 $0x0  }
0x139: {  	[sflag:s0] =	ssyncadd.s32 @!p0 s1  }
0x13a: {  	[bflag:$0x3] =	sbarrier.arrive $0xFFFF  }
0x13b: {  	_ =	shalt  }

// kernel: kernel.14.cloned.1.call-start
scs
__scs_entry_jumppad:
0x0: {  	(pc) =	sbr.rel $0x88, $3  }
0x1: {  	(tag) =	ssettag $0x0;
	lr =	simm.s32 $0x1  }
0x2: {  	[smem:$0x3F89] =	sst lr;
	_ =	strace $0xD0000000  }
0x3: {  	_ = 	snop  }
0x4: {  	_ = 	snop  }
0x5: {  	_ = 	snop  }
0x6: {  	_ = 	snop  }
0x7: {  	_ = 	snop  }
__scs_overlays_trampoline_lowered:
0x8: {  	[smem:$0x3F98] =	sst s0  }
0x9: {  	[smem:$0x3F99] =	sst s1  }
0xa: {  	[smem:$0x3F9A] =	sst s2  }
0xb: {  	[smem:$0x3F9B] =	sst s3  }
0xc: {  	[smem:$0x3F9C] =	sst s4  }
0xd: {  	[smem:$0x3F9D] =	sst s5  }
0xe: {  	[smem:$0x3F9E] =	sst s6  }
0xf: {  	[smem:$0x3F9F] =	sst s7  }
0x10: {  	[smem:$0x3FA0] =	sst s8  }
0x11: {  	[smem:$0x3FA1] =	sst s9;
	s0 =	simm.s32 @!p0 $0x0  }
0x12: {  	s1 =	sld [smem:$0x3F87];
	s0 =	simm.s32 @p0 $0x1  }
0x13: {  	[smem:$0x3FA2] =	sst s0;
	s0 =	simm.s32 @!p1 $0x0  }
0x14: {  	s2 =	sld [smem:$0x3F86];
	s0 =	simm.s32 @p1 $0x1  }
0x15: {  	[smem:$0x3FA3] =	sst s0;
	s0 =	simm.s32 @!p2 $0x0  }
0x16: {  	s3 =	sld [smem:$0x3FDB];
	s0 =	simm.s32 @p2 $0x1  }
0x17: {  	s4 =	simm.s32 $0x1BF5;
	[smem:$0x3FA5] =	sst s0  }
0x18: {  	s0 =	sld [smem:$0x3F88];
	_ =	swait.ge [sflag:s4], $0x0  }
0x19: {  	s7 =	sld [smem:$0x3F89]  }
0x1a: {  	s8 =	sadd.s32 $0xFFFFE003, lr  }
0x1b: {  	s9 =	sadd.s32 $0xFFFFFEF7, lr;
	s5 =	simm.s32 $0xFFFFFFFF;
	p2 =	slt.u32 s8, $0xFFFFF086  }
0x1c: {  	p1 =	slt.u32 s9, $0xF7A;
	s5 =	simm.s32 @!p2 $0x0  }
0x1d: {  	s5 =	simm.s32 @p1 $0x1;
	p0 =	seq.s32 s7, s2  }
0x1e: {  	s7 =	smul.u32 @!p0 $0xF7A, s2;
	p2 =	seq.s32 @!p0 s5, $0x0  }
0x1f: {  	s9 =	smul.u32 $0xF7A, s1;
	s8 =	simm.s32 @!p0 $0x1BF5;
	p2 =	por !p2, p0  }
0x20: {  	[sflag:s8] =	ssyncset.s32 @!p0 $0xFFFFF086;
	s6 =	sadd.s32 @!p0 s3, s7;
	s7 =	simm.s32 @!p0 $0x108  }
0x21: {  	s3 =	sadd.s32 s3, s9;
	s6 =	sadd.s32 @!p0 $0x88, s6;
	s7 =	simm.s32 @p2 $0x1082  }
0x22: {  	[simem:s7], [sflag:s8] =	dma.local @!p0 [hbm:s6], $0xF7A  }
0x23: {  	s9 =	sor.u32 $0xD0000000, s2;
	s6 =	simm.s32 $0x108;
	_ =	swait.ge @!p0 [sflag:s8], $0x0  }
0x24: {  	s3 =	sadd.s32 $0x88, s3;
	s6 =	simm.s32 @!p1 $0x1082;
	[sflag:s4] =	ssyncset.s32 $0xFFFFF086  }
0x25: {  	[simem:s6], [sflag:s4] =	dma.local [hbm:s3], $0xF7A  }
0x26: {  	[smem:$0x3F89] =	sst s1;
	(tag) =	ssettag s2;
	_ =	strace s9  }
0x27: {  	s1 =	sld [smem:$0x3F99]  }
0x28: {  	s2 =	sld [smem:$0x3F9A]  }
0x29: {  	s4 =	sld [smem:$0x3F9C]  }
0x2a: {  	p0 =	seq.s32 s5, $0x0;
	s5 =	sld [smem:$0x3F9D]  }
0x2b: {  	s6 =	sld [smem:$0x3F9E]  }
0x2c: {  	s7 =	sld [smem:$0x3F9F]  }
0x2d: {  	s3 =	simm.s32 $0x108;
	s8 =	sld [smem:$0x3FA0]  }
0x2e: {  	s3 =	simm.s32 @!p0 $0x1082;
	s9 =	sld [smem:$0x3FA1]  }
0x2f: {  	lr =	sadd.s32 s0, s3;
	s0 =	sld [smem:$0x3F98]  }
0x30: {  	s3 =	sld [smem:$0x3F9B]  }
0x31: {  	[smem:$0x3FA4] =	sst s10  }
0x32: {  	s10 =	sld [smem:$0x3FA2];
	_ =	sdelay $0x3  }
0x33: {  	p0 =	seq.s32 s10, $0x1;
	s10 =	sld [smem:$0x3FA4];
	_ =	sdelay $0x3  }
0x34: {  	[smem:$0x3FA4] =	sst s10  }
0x35: {  	s10 =	sld [smem:$0x3FA3];
	_ =	sdelay $0x3  }
0x36: {  	p1 =	seq.s32 s10, $0x1;
	s10 =	sld [smem:$0x3FA4];
	_ =	sdelay $0x3  }
0x37: {  	[smem:$0x3FA4] =	sst s10  }
0x38: {  	s10 =	sld [smem:$0x3FA5]  }
0x39: {  	_ = 	snop;
	(pc) =	sbr.ind lr, $3  }
0x3a: {  	_ = 	snop  }
0x3b: {  	_ = 	snop  }
0x3c: {  	p2 =	seq.s32 s10, $0x1;
	s10 =	sld [smem:$0x3FA4]  }
0x3d: {  	_ =	shalt  }
0x3e: {  	_ =	shalt  }
0x3f: {  	_ =	shalt  }
0x40: {  	_ =	shalt  }
0x41: {  	_ =	shalt  }
0x42: {  	_ =	shalt  }
0x43: {  	_ =	shalt  }
0x44: {  	_ =	shalt  }
0x45: {  	_ =	shalt  }
0x46: {  	_ =	shalt  }
0x47: {  	_ =	shalt  }
0x48: {  	_ =	shalt  }
0x49: {  	_ =	shalt  }
0x4a: {  	_ =	shalt  }
0x4b: {  	_ =	shalt  }
0x4c: {  	_ =	shalt  }
0x4d: {  	_ =	shalt  }
0x4e: {  	_ =	shalt  }
0x4f: {  	_ =	shalt  }
0x50: {  	_ =	shalt  }
0x51: {  	_ =	shalt  }
0x52: {  	_ =	shalt  }
0x53: {  	_ =	shalt  }
0x54: {  	_ =	shalt  }
0x55: {  	_ =	shalt  }
0x56: {  	_ =	shalt  }
0x57: {  	_ =	shalt  }
0x58: {  	_ =	shalt  }
0x59: {  	_ =	shalt  }
0x5a: {  	_ =	shalt  }
0x5b: {  	_ =	shalt  }
0x5c: {  	_ =	shalt  }
0x5d: {  	_ =	shalt  }
0x5e: {  	_ =	shalt  }
0x5f: {  	_ =	shalt  }
0x60: {  	_ =	shalt  }
0x61: {  	_ =	shalt  }
0x62: {  	_ =	shalt  }
0x63: {  	_ =	shalt  }
0x64: {  	_ =	shalt  }
0x65: {  	_ =	shalt  }
0x66: {  	_ =	shalt  }
0x67: {  	_ =	shalt  }
0x68: {  	_ =	shalt  }
0x69: {  	_ =	shalt  }
0x6a: {  	_ =	shalt  }
0x6b: {  	_ =	shalt  }
0x6c: {  	_ =	shalt  }
0x6d: {  	_ =	shalt  }
0x6e: {  	_ =	shalt  }
0x6f: {  	_ =	shalt  }
0x70: {  	_ =	shalt  }
0x71: {  	_ =	shalt  }
0x72: {  	_ =	shalt  }
0x73: {  	_ =	shalt  }
0x74: {  	_ =	shalt  }
0x75: {  	_ =	shalt  }
0x76: {  	_ =	shalt  }
0x77: {  	_ =	shalt  }
0x78: {  	_ =	shalt  }
0x79: {  	_ =	shalt  }
0x7a: {  	_ =	shalt  }
0x7b: {  	_ =	shalt  }
0x7c: {  	_ =	shalt  }
0x7d: {  	_ =	shalt  }
0x7e: {  	_ =	shalt  }
0x7f: {  	_ =	shalt  }
0x80: {  	_ =	shalt  }
0x81: {  	_ =	shalt  }
0x82: {  	_ =	shalt  }
0x83: {  	_ =	shalt  }
0x84: {  	_ =	shalt  }
0x85: {  	_ =	shalt  }
0x86: {  	_ =	shalt  }
0x87: {  	_ =	shalt  }
.Lfunc_end0:
.L_simem_size_0:
called_computation.2_lowered:
.L_overlay_start_0:
0x88: {  	s2 =	sld [smem:$0x3FD9]  }
0x89: {  	s3 =	sld [smem:$0x3FFE];
	_ =	sdelay $0x1  }
0x8a: {  	s1 =	srdreg.scid  }
0x8b: {  	s0 =	sand.u32 $0x1, s1  }
0x8c: {  	s14 =	sshll.u32 s0, $0xA;
	s2 =	sadd.s32 s3, s2  }
0x8d: {  	s2 =	sadd.s32 s2, s14  }
0x8e: {  	[smem:$0x3FB0] =	sst s2  }
0x8f: {  	_ = 	snop  }
0x90: {  	s2 =	sld [smem:$0x3FD0];
	_ =	sdelay $0x2  }
0x91: {  	s15 =	simm.s32 $0xB;
	s4 =	simm.s32 $0x10  }
0x92: {  	[smem:s4], [sflag:s15] =	dma.local [hbm:s2], $0x1  }
0x93: {  	_ =	swait.eq [sflag:s15], $0x1  }
0x94: {  	[sflag:s15] =	ssyncset.done $0x0  }
0x95: {  	[sflag:s15] =	ssyncadd.s32 $0xFFFFFFFF  }
0x96: {  	s16 =	sld [smem:$0x10];
	(tm) =	ssettm $0x1  }
0x97: {  	s17 =	sld [smem:$0x3FFB];
	_ =	sdelay $0x3  }
0x98: {  	_ =	strace s17  }
0x99: {  	s3 =	sld [smem:$0x3FFC];
	_ =	sdelay $0x3  }
0x9a: {  	_ =	strace s3  }
0x9b: {  	s3 =	sld [smem:$0x3FFD];
	_ =	sdelay $0x3  }
0x9c: {  	_ =	strace s3  }
0x9d: {  	_ =	strace $0x8FFFFFFF  }
0x9e: {  	s18 =	sld [smem:$0x3FDB];
	_ =	sdelay $0x1  }
0x9f: {  	s19 =	simm.s32 $_scs_section_size  }
0xa0: {  	s5 =	simm.s32 $_size__tile_overlayer_lowered;
	s6 =	simm.s32 $_tile_overlayer_lowered  }
0xa1: {  	s22 =	simm.s32 $0x1BFF;
	s21 =	sshll.u32 s6, $0x1;
	s3 =	sadd.s32 s19, s18  }
0xa2: {  	s7 =	simm.s32 $0x0;
	s20 =	sshll.u32 s5, $0x1;
	s5 =	sadd.s32 s21, s3  }
0xa3: {  	[timem:s7], [sflag:s22] =	dma.local [hbm:s5], s20  }
0xa4: {  	_ =	swait.ge [sflag:s22], s20  }
0xa5: {  	s4 =	ssub.s32 $0x0, s20;
	[sflag:s22] =	ssyncset.done $0x0  }
0xa6: {  	[sflag:s22] =	ssyncadd.s32 s4;
	_ =	sdelay $0x1  }
0xa7: {  	s23 =	simm.s32 $0x1B8B  }
0xa8: {  	_ =	swait.ge [sflag:s23], $0x1  }
0xa9: {  	[sflag:s23] =	ssyncset.done $0x0  }
0xaa: {  	s25 =	simm.s32 $0x1B8E;
	s24 =	sld [smem:$0x3FFE];
	[sflag:s23] =	ssyncadd.s32 $0xFFFFFFFF  }
0xab: {  	s26 =	simm.s32 $execute0_lowered;
	[smem:$0x3FD2] =	sst s25  }
0xac: {  	s5 =	sshll.u32 s26, $0x1;
	_ =	strace $0x8000004C;
	[dreg:$0x1] =	wrdreg $0xFFFFFFFF  }
0xad: {  	s28 =	simm.s32 $_size_execute0_lowered;
	s3 =	sadd.s32 s3, s5;
	[dreg:$0x0] =	wrdreg $0x0  }
0xae: {  	s5 =	sshll.u32 s28, $0x1;
	[dreg:$0x2] =	wrdreg s3  }
0xaf: {  	[dreg:$0x3] =	wrdreg s5  }
0xb0: {  	[dreg:$0x4] =	wrdreg $0xC0  }
0xb1: {  	_ =	task [dreg:s7], $0x5FFFF  }
0xb2: {  	[dreg:$0x1] =	wrdreg $0xFFFFFFFF  }
0xb3: {  	[dreg:$0x0] =	wrdreg $0x60  }
0xb4: {  	[dreg:$0x2] =	wrdreg s24  }
0xb5: {  	[dreg:$0x3] =	wrdreg s16  }
0xb6: {  	[dreg:$0x4] =	wrdreg $0xA8000  }
0xb7: {  	[dreg:$0x5] =	wrdreg $0x9  }
0xb8: {  	_ =	task.clear_ibuf [dreg:s7], $0x6FFFF;
	_ =	strace $0x9000004C  }
0xb9: {  	s29 =	simm.s32 $0x9;
	_ =	strace $0x8000004E  }
0xba: {  	_ =	swait.ge [sflag:s29], $0x1  }
0xbb: {  	[sflag:s29] =	ssyncadd.s32 $0xFFFFFFFF  }
0xbc: {  	_ =	strace $0x9000004E  }
0xbd: {  	_ =	sfence  }
0xbe: {  	s30 =	sld [smem:$0x0];
	_ =	sdelay $0x2  }
0xbf: {  	s31 =	sshll.u32 s1, $0xD;
	s1 =	sshrl.u32 s1, $0x2  }
0xc0: {  	s3 =	sand.u32 $0x4000, s31;
	s1 =	sadd.s32 s1, s30  }
0xc1: {  	s0 =	sor.u32 s3, s0;
	s1 =	sshll.u32 s1, $0x11  }
0xc2: {  	s0 =	sor.u32 s1, s0  }
0xc3: {  	s0 =	sadd.s32 $0x8F2B, s0  }
0xc4: {  	[sflag:s0] =	ssyncadd.remote.s32 $0x1  }
0xc5: {  	_ =	sfence.sel $0xFFFF  }
0xc6: {  	[dreg:$0x0] =	wrdreg $0xFFFFFFFF;
	(pc) =	sbr.abs _section_cstart, $3  }
0xc7: {  	[dreg:$0x1] =	wrdreg $0xFFFFFFFF  }
0xc8: {  	_ =	task.clear_ibuf [dreg:s7], $0x2FFFF;
	_ =	strace $0x9FFFFFFF  }
0xc9: {  	(tm) =	ssettm $0x7FFFFFFF  }
tec
execute0_lowered:
.L_overlay_start_1:
0x0: {  	(tag) =	ssettag $0x1  }
0x1: {  	s6 =	rddreg [dreg:$0x0]  }
0x2: {  	s1 =	rddreg [dreg:$0x1]  }
0x3: {  	s3 =	rddreg [dreg:$0x2]  }
0x4: {  	s0 =	rddreg [dreg:$0x3]  }
0x5: {  	s4 =	simm.s32 $0x0;
	s5 =	srdreg.scid;
	s2 =	stileid.u32  }
0x6: {  	s16 =	simm.s32 $0x80;
	s17 =	simm.s32 $0x2800;
	s18 =	simm.s32 $0x4800  }
0x7: {  	s19 =	simm.s32 $0x1;
	s20 =	simm.s32 $0x6800;
	s21 =	simm.s32 $0x2  }
0x8: {  	s22 =	simm.s32 $0x0;
	[smem:$0x7FF] =	sst s4;
	s7 =	sand.u32 $0x1, s5  }
0x9: {  	s8 =	smul.u32 $0x14000, s2;
	s5 =	sadd.s32 $0x2E00, s6;
	s10 =	sadd.s32 $0x20800, s6  }
0xa: {  	s13 =	sadd.s32 $0x16800, s6;
	s30 =	sshll.u32 s2, $0x6;
	_ =	strace $0x8000004D  }
0xb: {  	s9 =	smul.u32 $0x140000, s7;
	s11 =	sshll.u32 s7, $0x4;
	s7 =	ssub.s32 $0x2, s7  }
0xc: {  	s11 =	sor.u32 s2, s11;
	s12 =	sshrl.u32 s7, $0x1;
	s15 =	sadd.s32 s8, s3  }
0xd: {  	s9 =	sadd.s32 s8, s9;
	s11 =	smul.u32 $0x2800, s11;
	s12 =	ssub.s32 s7, s12  }
.Ltmp0:
0xe: {  	s9 =	sshrl.u32 s9, $0x3;
	s12 =	smax.u32 s12, $0x1;
	(pc) =	sbr.rel .LBB2_1-.Ltmp0, $4  }
0xf: {  	s14 =	sadd.s32 s9, s6;
	s31 =	sshrl.u32 s11, $0x3;
	s6 =	sor.u32 $0x1C03, s30  }
0x10: {  	s7 =	sadd.s32 s10, s31;
	s11 =	sadd.s32 $0x280, s31;
	s8 =	sadd.s32 s13, s31  }
0x11: {  	s9 =	sadd.s32 s10, s11;
	s10 =	sadd.s32 s13, s11;
	s11 =	sadd.s32 $0x2A800, s14  }
0x12: {  	s13 =	sshrl.u32 s15, $0x3;
	s14 =	simm.s32 $0x3;
	s15 =	simm.s32 $0x1400  }
.LBB2_15:
0x13: {  	s22 =	sadd.s32 $0x1, s22  }
0x14: {  	p0 =	sne.s32 s22, s12  }
.Ltmp1:
0x15: {  	[bflag:$0x0] =	sbarrier.arrive $0xFFFF;
	(pc) =	sbr.rel @!p0 .LBB2_16-.Ltmp1, $4  }
0x16: {  	[hbm:s11], [sflag:s6] =	dma.local [spmem:s13], $0x2800  }
0x17: {  	_ =	swait.ge [sflag:s14], $0x2800  }
0x18: {  	[sflag:s14] =	ssyncset.done $0x0  }
0x19: {  	[sflag:s14] =	ssyncadd.s32 $0xFFFFD800  }
.LBB2_1:
0x1a: {  	[spmem:s13], [sflag:s6] =	dma.local [hbm:s1], $0x2800  }
0x1b: {  	_ =	swait.ge [sflag:s14], $0x2800  }
0x1c: {  	[sflag:s14] =	ssyncset.done $0x0  }
0x1d: {  	[sflag:s14] =	ssyncadd.s32 $0xFFFFD800  }
0x1e: {  	[bflag:$0x0] =	sbarrier.arrive $0xFFFF  }
0x1f: {  	[tilespmem:s4], [sflag:$0x3] =	stream.linear.gather [hbm4b:s7+s4], $0x1400, $0x38;
	[tilespmem:$0x1E800] =	vst v63  }
0x20: {  	_ =	swait.ge [sflag:s14], $0x1400  }
0x21: {  	[sflag:s14] =	ssyncset.done $0x0  }
0x22: {  	[sflag:s14] =	ssyncadd.s32 $0xFFFFEC00  }
0x23: {  	[tilespmem:s15], [sflag:$0x3] =	stream.linear.gather [hbm4b:s8+s4], $0x1400, $0x38;
	[tilespmem:$0x1E800] =	vst v63  }
0x24: {  	_ =	swait.ge [sflag:s14], $0x1400  }
0x25: {  	[sflag:s14] =	ssyncset.done $0x0  }
0x26: {  	[sflag:s14] =	ssyncadd.s32 $0xFFFFEC00  }
0x27: {  	[tilespmem:s17], [sflag:$0x1] =	stream.indirect.gather [hbm4b:s5+s16], $0x40, s4, s16, $0xb8;
	[tilespmem:$0x1E800] =	vst v63  }
0x28: {  	s23 =	simm.s32 $0x0  }
0x29: {  	[tilespmem:s18], [sflag:$0x2] =	stream.indirect.gather [hbm4b:s5+s16], $0x40, s16, s16, $0xb8;
	[tilespmem:$0x1E800] =	vst v63  }
.LBB2_2:
0x2a: {  	_ =	swait.ge [sflag:s19], $0x2000  }
0x2b: {  	[sflag:s19] =	ssyncset.done $0x0  }
0x2c: {  	s25 =	simm.s32 $0x0;
	[sflag:s19] =	ssyncadd.s32 $0xFFFFE000  }
0x2d: {  	v0 =	vld [tilespmem:s25+$0x2800];
	_ =	sdelay $0x4  }
0x2e: {  	s24 =	simm.s32 $0x6840;
	v1 =	vshll.u32 v0, $0x10  }
0x2f: {  	v0 =	vand.u32 $0xFFFF0000, v0;
	[tilespmem:s24+$0xFFFFFFC0] =	vst v1  }
0x30: {  	[tilespmem:s24+$0xFFFFFFD0] =	vst v0  }
0x31: {  	v0 =	vld [tilespmem:s25+$0x2810];
	_ =	sdelay $0x4  }
0x32: {  	v1 =	vshll.u32 v0, $0x10  }
0x33: {  	v0 =	vand.u32 $0xFFFF0000, v0;
	[tilespmem:s24+$0xFFFFFFE0] =	vst v1  }
0x34: {  	[tilespmem:s24+$0xFFFFFFF0] =	vst v0  }
0x35: {  	v0 =	vld [tilespmem:s25+$0x2820];
	_ =	sdelay $0x4  }
0x36: {  	v1 =	vand.u32 $0xFFFF0000, v0  }
0x37: {  	v0 =	vshll.u32 v0, $0x10;
	[tilespmem:s24+$0x10] =	vst v1  }
0x38: {  	[tilespmem:s24+$0x0] =	vst v0  }
0x39: {  	v0 =	vld [tilespmem:s25+$0x2830];
	_ =	sdelay $0x4  }
0x3a: {  	v1 =	vshll.u32 v0, $0x10  }
0x3b: {  	v0 =	vand.u32 $0xFFFF0000, v0;
	[tilespmem:s24+$0x20] =	vst v1  }
0x3c: {  	s25 =	simm.s32 $0x40;
	[tilespmem:s24+$0x30] =	vst v0  }
0x3d: {  	v0 =	vld [tilespmem:s25+$0x2800]  }
0x3e: {  	s26 =	simm.s32 $0x200  }
.LBB2_3:
0x3f: {  	p0 =	sne.s32 s26, $0x7F00;
	_ =	sdelay $0x2  }
0x40: {  	s24 =	sadd.s32 $0x80, s24;
	v1 =	vshll.u32 v0, $0x10  }
0x41: {  	v0 =	vand.u32 $0xFFFF0000, v0;
	[tilespmem:s24+$0xFFFFFFC0] =	vst v1  }
0x42: {  	[tilespmem:s24+$0xFFFFFFD0] =	vst v0  }
0x43: {  	v0 =	vld [tilespmem:s25+$0x2810];
	_ =	sdelay $0x4  }
0x44: {  	v1 =	vshll.u32 v0, $0x10  }
0x45: {  	v0 =	vand.u32 $0xFFFF0000, v0;
	[tilespmem:s24+$0xFFFFFFE0] =	vst v1  }
0x46: {  	[tilespmem:s24+$0xFFFFFFF0] =	vst v0  }
0x47: {  	v0 =	vld [tilespmem:s25+$0x2820];
	_ =	sdelay $0x4  }
0x48: {  	v1 =	vshll.u32 v0, $0x10;
	v0 =	vand.u32 $0xFFFF0000, v0  }
0x49: {  	[tilespmem:s24+$0x10] =	vst v0  }
0x4a: {  	[tilespmem:s24+$0x0] =	vst v1  }
0x4b: {  	v0 =	vld [tilespmem:s25+$0x2830];
	_ =	sdelay $0x4  }
.Ltmp2:
0x4c: {  	v1 =	vshll.u32 v0, $0x10;
	v0 =	vand.u32 $0xFFFF0000, v0;
	(pc) =	sbr.rel @p0 .LBB2_3-.Ltmp2, $4  }
0x4d: {  	[tilespmem:s24+$0x20] =	vst v1  }
0x4e: {  	s25 =	sshra.s32 s26, $0x2;
	[tilespmem:s24+$0x30] =	vst v0  }
0x4f: {  	v0 =	vld [tilespmem:s25+$0x2800]  }
0x50: {  	s26 =	sadd.s32 $0x100, s26  }
0x51: {  	_ =	sdelay $0x2  }
0x52: {  	s26 =	sadd.s32 $0x80, s24;
	v1 =	vshll.u32 v0, $0x10  }
0x53: {  	v0 =	vand.u32 $0xFFFF0000, v0;
	[tilespmem:s26+$0xFFFFFFC0] =	vst v1  }
0x54: {  	[tilespmem:s26+$0xFFFFFFD0] =	vst v0  }
0x55: {  	v0 =	vld [tilespmem:s25+$0x2810];
	_ =	sdelay $0x4  }
0x56: {  	v1 =	vshll.u32 v0, $0x10  }
0x57: {  	v0 =	vand.u32 $0xFFFF0000, v0;
	[tilespmem:s26+$0xFFFFFFE0] =	vst v1  }
0x58: {  	[tilespmem:s26+$0xFFFFFFF0] =	vst v0  }
0x59: {  	v0 =	vld [tilespmem:s25+$0x2820];
	_ =	sdelay $0x4  }
0x5a: {  	v1 =	vand.u32 $0xFFFF0000, v0  }
0x5b: {  	v0 =	vshll.u32 v0, $0x10;
	[tilespmem:s26+$0x10] =	vst v1  }
0x5c: {  	[tilespmem:s26+$0x0] =	vst v0  }
0x5d: {  	v0 =	vld [tilespmem:s25+$0x2830];
	_ =	sdelay $0x4  }
0x5e: {  	s25 =	sshll.u32 s23, $0xA;
	v1 =	vshll.u32 v0, $0x10  }
0x5f: {  	s24 =	sshrl.u32 s25, $0x2;
	v0 =	vand.u32 $0xFFFF0000, v0;
	[tilespmem:s26+$0x20] =	vst v1  }
0x60: {  	s30 =	sadd.s32 $0x1400, s24;
	[tilespmem:s26+$0x30] =	vst v0  }
0x61: {  	[spmem:s3] =	stream.indirect.scatter.add.f32 [tilespmem:s20], [sflag:$0x3], $0x80, s30, s16, $0xb8;
	[tilespmem:$0x1E800] =	vst v63  }
0x62: {  	p0 =	seq.s32 s23, $0x13;
	_ =	swait.ge [sflag:s14], $0x4000  }
0x63: {  	s28 =	simm.s32 @!p0 $0x2800;
	s25 =	sshrl.u32 @!p0 s25, $0x2;
	[sflag:s14] =	ssyncset.done $0x0  }
0x64: {  	s25 =	sadd.s32 @!p0 $0x100, s25;
	s26 =	simm.s32 @!p0 $0x80;
	[sflag:s14] =	ssyncadd.s32 $0xFFFFC000  }
0x65: {  	[tilespmem:s28], [sflag:$0x1] =	stream.indirect.gather @!p0 [hbm4b:s5+s26], $0x40, s25, s26, $0xb8;
	[tilespmem:$0x1E800] =	vst v63  }
0x66: {  	_ =	swait.ge [sflag:s21], $0x2000  }
0x67: {  	[sflag:s21] =	ssyncset.done $0x0  }
0x68: {  	s31 =	simm.s32 $0x0;
	[sflag:s21] =	ssyncadd.s32 $0xFFFFE000  }
0x69: {  	v0 =	vld [tilespmem:s31+$0x4800];
	_ =	sdelay $0x4  }
0x6a: {  	s25 =	simm.s32 $0x6840;
	v1 =	vshll.u32 v0, $0x10  }
0x6b: {  	v0 =	vand.u32 $0xFFFF0000, v0;
	[tilespmem:s25+$0xFFFFFFC0] =	vst v1  }
0x6c: {  	[tilespmem:s25+$0xFFFFFFD0] =	vst v0  }
0x6d: {  	v0 =	vld [tilespmem:s31+$0x4810];
	_ =	sdelay $0x4  }
0x6e: {  	v1 =	vshll.u32 v0, $0x10  }
0x6f: {  	v0 =	vand.u32 $0xFFFF0000, v0;
	[tilespmem:s25+$0xFFFFFFE0] =	vst v1  }
0x70: {  	[tilespmem:s25+$0xFFFFFFF0] =	vst v0  }
0x71: {  	v0 =	vld [tilespmem:s31+$0x4820];
	_ =	sdelay $0x4  }
0x72: {  	v1 =	vand.u32 $0xFFFF0000, v0  }
0x73: {  	v0 =	vshll.u32 v0, $0x10;
	[tilespmem:s25+$0x10] =	vst v1  }
0x74: {  	[tilespmem:s25+$0x0] =	vst v0  }
0x75: {  	v0 =	vld [tilespmem:s31+$0x4830];
	_ =	sdelay $0x4  }
0x76: {  	v1 =	vshll.u32 v0, $0x10  }
0x77: {  	v0 =	vand.u32 $0xFFFF0000, v0;
	[tilespmem:s25+$0x20] =	vst v1  }
0x78: {  	s26 =	simm.s32 $0x40;
	[tilespmem:s25+$0x30] =	vst v0  }
0x79: {  	v0 =	vld [tilespmem:s26+$0x4800]  }
0x7a: {  	s28 =	simm.s32 $0x200  }
.LBB2_5:
0x7b: {  	p1 =	sne.s32 s28, $0x7F00;
	_ =	sdelay $0x2  }
0x7c: {  	s25 =	sadd.s32 $0x80, s25;
	v1 =	vshll.u32 v0, $0x10  }
0x7d: {  	v0 =	vand.u32 $0xFFFF0000, v0;
	[tilespmem:s25+$0xFFFFFFC0] =	vst v1  }
0x7e: {  	[tilespmem:s25+$0xFFFFFFD0] =	vst v0  }
0x7f: {  	v0 =	vld [tilespmem:s26+$0x4810];
	_ =	sdelay $0x4  }
0x80: {  	v1 =	vshll.u32 v0, $0x10  }
0x81: {  	v0 =	vand.u32 $0xFFFF0000, v0;
	[tilespmem:s25+$0xFFFFFFE0] =	vst v1  }
0x82: {  	[tilespmem:s25+$0xFFFFFFF0] =	vst v0  }
0x83: {  	v0 =	vld [tilespmem:s26+$0x4820];
	_ =	sdelay $0x4  }
0x84: {  	v1 =	vshll.u32 v0, $0x10;
	v0 =	vand.u32 $0xFFFF0000, v0  }
0x85: {  	[tilespmem:s25+$0x10] =	vst v0  }
0x86: {  	[tilespmem:s25+$0x0] =	vst v1  }
0x87: {  	v0 =	vld [tilespmem:s26+$0x4830];
	_ =	sdelay $0x4  }
.Ltmp3:
0x88: {  	v1 =	vshll.u32 v0, $0x10;
	v0 =	vand.u32 $0xFFFF0000, v0;
	(pc) =	sbr.rel @p1 .LBB2_5-.Ltmp3, $4  }
0x89: {  	[tilespmem:s25+$0x20] =	vst v1  }
0x8a: {  	s26 =	sshra.s32 s28, $0x2;
	[tilespmem:s25+$0x30] =	vst v0  }
0x8b: {  	v0 =	vld [tilespmem:s26+$0x4800]  }
0x8c: {  	s28 =	sadd.s32 $0x100, s28  }
0x8d: {  	_ =	sdelay $0x2  }
0x8e: {  	s25 =	sadd.s32 $0x80, s25;
	v1 =	vshll.u32 v0, $0x10  }
0x8f: {  	v60 =	vand.u32 $0xFFFF0000, v0;
	[tilespmem:s25+$0xFFFFFFC0] =	vst v1  }
0x90: {  	[tilespmem:s25+$0xFFFFFFD0] =	vst v60  }
0x91: {  	v0 =	vld [tilespmem:s26+$0x4810];
	_ =	sdelay $0x4  }
0x92: {  	v61 =	vshll.u32 v0, $0x10  }
0x93: {  	v0 =	vand.u32 $0xFFFF0000, v0;
	[tilespmem:s25+$0xFFFFFFE0] =	vst v61  }
0x94: {  	[tilespmem:s25+$0xFFFFFFF0] =	vst v0  }
0x95: {  	v0 =	vld [tilespmem:s26+$0x4820];
	_ =	sdelay $0x4  }
0x96: {  	v62 =	vand.u32 $0xFFFF0000, v0  }
0x97: {  	v0 =	vshll.u32 v0, $0x10;
	[tilespmem:s25+$0x10] =	vst v62  }
0x98: {  	[tilespmem:s25+$0x0] =	vst v0  }
0x99: {  	v0 =	vld [tilespmem:s26+$0x4830];
	_ =	sdelay $0x4  }
0x9a: {  	v63 =	vshll.u32 v0, $0x10  }
0x9b: {  	v0 =	vand.u32 $0xFFFF0000, v0;
	[tilespmem:s25+$0x20] =	vst v63  }
.Ltmp4:
0x9c: {  	s31 =	sadd.s32 $0x1480, s24;
	[tilespmem:s25+$0x30] =	vst v0;
	(pc) =	sbr.rel @p0 .LBB2_8-.Ltmp4, $4  }
0x9d: {  	[spmem:s3] =	stream.indirect.scatter.add.f32 [tilespmem:s20], [sflag:$0x3], $0x80, s31, s16, $0xb8;
	[tilespmem:$0x1E800] =	vst v63  }
0x9e: {  	_ =	swait.ge [sflag:s14], $0x4000  }
0x9f: {  	[sflag:s14] =	ssyncset.done $0x0  }
0xa0: {  	[sflag:s14] =	ssyncadd.s32 $0xFFFFC000  }
.Ltmp5:
0xa1: {  	(pc) =	sbr.rel .LBB2_2-.Ltmp5, $3  }
0xa2: {  	_ =	sdelay $0x1  }
0xa3: {  	s24 =	sadd.s32 $0x180, s24;
	s23 =	sadd.s32 $0x1, s23  }
0xa4: {  	[tilespmem:s18], [sflag:$0x2] =	stream.indirect.gather [hbm4b:s5+s16], $0x40, s24, s16, $0xb8;
	[tilespmem:$0x1E800] =	vst v63  }
.LBB2_8:
0xa5: {  	s23 =	simm.s32 $0x0  }
0xa6: {  	[tilespmem:s23], [sflag:$0x3] =	stream.linear.gather [hbm4b:s9+s23], $0x1400, $0x38;
	[tilespmem:$0x1E800] =	vst v63  }
0xa7: {  	_ =	swait.ge [sflag:s14], $0x1400  }
0xa8: {  	[sflag:s14] =	ssyncset.done $0x0  }
0xa9: {  	[sflag:s14] =	ssyncadd.s32 $0xFFFFEC00  }
0xaa: {  	[tilespmem:s15], [sflag:$0x3] =	stream.linear.gather [hbm4b:s10+s23], $0x1400, $0x38;
	[tilespmem:$0x1E800] =	vst v63  }
0xab: {  	_ =	swait.ge [sflag:s14], $0x1400  }
0xac: {  	[sflag:s14] =	ssyncset.done $0x0  }
0xad: {  	[sflag:s14] =	ssyncadd.s32 $0xFFFFEC00  }
0xae: {  	[tilespmem:s17], [sflag:$0x1] =	stream.indirect.gather [hbm4b:s5+s16], $0x40, s23, s16, $0xb8;
	[tilespmem:$0x1E800] =	vst v63  }
0xaf: {  	_ = 	snop  }
0xb0: {  	[tilespmem:s18], [sflag:$0x2] =	stream.indirect.gather [hbm4b:s5+s16], $0x40, s16, s16, $0xb8;
	[tilespmem:$0x1E800] =	vst v63  }
.LBB2_9:
0xb1: {  	_ =	swait.ge [sflag:s19], $0x2000  }
0xb2: {  	[sflag:s19] =	ssyncset.done $0x0  }
0xb3: {  	s25 =	simm.s32 $0x0;
	[sflag:s19] =	ssyncadd.s32 $0xFFFFE000  }
0xb4: {  	v0 =	vld [tilespmem:s25+$0x2800];
	_ =	sdelay $0x4  }
0xb5: {  	s24 =	simm.s32 $0x6840;
	v1 =	vshll.u32 v0, $0x10  }
0xb6: {  	v0 =	vand.u32 $0xFFFF0000, v0;
	[tilespmem:s24+$0xFFFFFFC0] =	vst v1  }
0xb7: {  	[tilespmem:s24+$0xFFFFFFD0] =	vst v0  }
0xb8: {  	v0 =	vld [tilespmem:s25+$0x2810];
	_ =	sdelay $0x4  }
0xb9: {  	v1 =	vshll.u32 v0, $0x10  }
0xba: {  	v0 =	vand.u32 $0xFFFF0000, v0;
	[tilespmem:s24+$0xFFFFFFE0] =	vst v1  }
0xbb: {  	[tilespmem:s24+$0xFFFFFFF0] =	vst v0  }
0xbc: {  	v0 =	vld [tilespmem:s25+$0x2820];
	_ =	sdelay $0x4  }
0xbd: {  	v1 =	vand.u32 $0xFFFF0000, v0  }
0xbe: {  	v0 =	vshll.u32 v0, $0x10;
	[tilespmem:s24+$0x10] =	vst v1  }
0xbf: {  	[tilespmem:s24+$0x0] =	vst v0  }
0xc0: {  	v0 =	vld [tilespmem:s25+$0x2830];
	_ =	sdelay $0x4  }
0xc1: {  	v1 =	vshll.u32 v0, $0x10  }
0xc2: {  	v0 =	vand.u32 $0xFFFF0000, v0;
	[tilespmem:s24+$0x20] =	vst v1  }
0xc3: {  	s25 =	simm.s32 $0x40;
	[tilespmem:s24+$0x30] =	vst v0  }
0xc4: {  	v0 =	vld [tilespmem:s25+$0x2800]  }
0xc5: {  	s26 =	simm.s32 $0x200  }
.LBB2_10:
0xc6: {  	p0 =	sne.s32 s26, $0x7F00;
	_ =	sdelay $0x2  }
0xc7: {  	s24 =	sadd.s32 $0x80, s24;
	v1 =	vshll.u32 v0, $0x10  }
0xc8: {  	v0 =	vand.u32 $0xFFFF0000, v0;
	[tilespmem:s24+$0xFFFFFFC0] =	vst v1  }
0xc9: {  	[tilespmem:s24+$0xFFFFFFD0] =	vst v0  }
0xca: {  	v0 =	vld [tilespmem:s25+$0x2810];
	_ =	sdelay $0x4  }
0xcb: {  	v1 =	vshll.u32 v0, $0x10  }
0xcc: {  	v0 =	vand.u32 $0xFFFF0000, v0;
	[tilespmem:s24+$0xFFFFFFE0] =	vst v1  }
0xcd: {  	[tilespmem:s24+$0xFFFFFFF0] =	vst v0  }
0xce: {  	v0 =	vld [tilespmem:s25+$0x2820];
	_ =	sdelay $0x4  }
0xcf: {  	v1 =	vshll.u32 v0, $0x10;
	v0 =	vand.u32 $0xFFFF0000, v0  }
0xd0: {  	[tilespmem:s24+$0x10] =	vst v0  }
0xd1: {  	[tilespmem:s24+$0x0] =	vst v1  }
0xd2: {  	v0 =	vld [tilespmem:s25+$0x2830];
	_ =	sdelay $0x4  }
.Ltmp6:
0xd3: {  	v1 =	vshll.u32 v0, $0x10;
	v0 =	vand.u32 $0xFFFF0000, v0;
	(pc) =	sbr.rel @p0 .LBB2_10-.Ltmp6, $4  }
0xd4: {  	[tilespmem:s24+$0x20] =	vst v1  }
0xd5: {  	s25 =	sshra.s32 s26, $0x2;
	[tilespmem:s24+$0x30] =	vst v0  }
0xd6: {  	v0 =	vld [tilespmem:s25+$0x2800]  }
0xd7: {  	s26 =	sadd.s32 $0x100, s26  }
0xd8: {  	_ =	sdelay $0x2  }
0xd9: {  	s26 =	sadd.s32 $0x80, s24;
	v1 =	vshll.u32 v0, $0x10  }
0xda: {  	v0 =	vand.u32 $0xFFFF0000, v0;
	[tilespmem:s26+$0xFFFFFFC0] =	vst v1  }
0xdb: {  	[tilespmem:s26+$0xFFFFFFD0] =	vst v0  }
0xdc: {  	v0 =	vld [tilespmem:s25+$0x2810];
	_ =	sdelay $0x4  }
0xdd: {  	v1 =	vshll.u32 v0, $0x10  }
0xde: {  	v0 =	vand.u32 $0xFFFF0000, v0;
	[tilespmem:s26+$0xFFFFFFE0] =	vst v1  }
0xdf: {  	[tilespmem:s26+$0xFFFFFFF0] =	vst v0  }
0xe0: {  	v0 =	vld [tilespmem:s25+$0x2820];
	_ =	sdelay $0x4  }
0xe1: {  	v1 =	vand.u32 $0xFFFF0000, v0  }
0xe2: {  	v0 =	vshll.u32 v0, $0x10;
	[tilespmem:s26+$0x10] =	vst v1  }
0xe3: {  	[tilespmem:s26+$0x0] =	vst v0  }
0xe4: {  	v0 =	vld [tilespmem:s25+$0x2830];
	_ =	sdelay $0x4  }
0xe5: {  	s25 =	sshll.u32 s23, $0xA;
	v1 =	vshll.u32 v0, $0x10  }
0xe6: {  	s24 =	sshrl.u32 s25, $0x2;
	v0 =	vand.u32 $0xFFFF0000, v0;
	[tilespmem:s26+$0x20] =	vst v1  }
0xe7: {  	s30 =	sadd.s32 $0x1400, s24;
	[tilespmem:s26+$0x30] =	vst v0  }
0xe8: {  	[spmem:s3] =	stream.indirect.scatter.add.f32 [tilespmem:s20], [sflag:$0x3], $0x80, s30, s16, $0xb8;
	[tilespmem:$0x1E800] =	vst v63  }
0xe9: {  	p0 =	seq.s32 s23, $0x13;
	_ =	swait.ge [sflag:s14], $0x4000  }
0xea: {  	s28 =	simm.s32 @!p0 $0x2800;
	s25 =	sshrl.u32 @!p0 s25, $0x2;
	[sflag:s14] =	ssyncset.done $0x0  }
0xeb: {  	s25 =	sadd.s32 @!p0 $0x100, s25;
	s26 =	simm.s32 @!p0 $0x80;
	[sflag:s14] =	ssyncadd.s32 $0xFFFFC000  }
0xec: {  	[tilespmem:s28], [sflag:$0x1] =	stream.indirect.gather @!p0 [hbm4b:s5+s26], $0x40, s25, s26, $0xb8;
	[tilespmem:$0x1E800] =	vst v63  }
0xed: {  	_ =	swait.ge [sflag:s21], $0x2000  }
0xee: {  	[sflag:s21] =	ssyncset.done $0x0  }
0xef: {  	s31 =	simm.s32 $0x0;
	[sflag:s21] =	ssyncadd.s32 $0xFFFFE000  }
0xf0: {  	v0 =	vld [tilespmem:s31+$0x4800];
	_ =	sdelay $0x4  }
0xf1: {  	s25 =	simm.s32 $0x6840;
	v1 =	vshll.u32 v0, $0x10  }
0xf2: {  	v0 =	vand.u32 $0xFFFF0000, v0;
	[tilespmem:s25+$0xFFFFFFC0] =	vst v1  }
0xf3: {  	[tilespmem:s25+$0xFFFFFFD0] =	vst v0  }
0xf4: {  	v0 =	vld [tilespmem:s31+$0x4810];
	_ =	sdelay $0x4  }
0xf5: {  	v1 =	vshll.u32 v0, $0x10  }
0xf6: {  	v0 =	vand.u32 $0xFFFF0000, v0;
	[tilespmem:s25+$0xFFFFFFE0] =	vst v1  }
0xf7: {  	[tilespmem:s25+$0xFFFFFFF0] =	vst v0  }
0xf8: {  	v0 =	vld [tilespmem:s31+$0x4820];
	_ =	sdelay $0x4  }
0xf9: {  	v1 =	vand.u32 $0xFFFF0000, v0  }
0xfa: {  	v0 =	vshll.u32 v0, $0x10;
	[tilespmem:s25+$0x10] =	vst v1  }
0xfb: {  	[tilespmem:s25+$0x0] =	vst v0  }
0xfc: {  	v0 =	vld [tilespmem:s31+$0x4830];
	_ =	sdelay $0x4  }
0xfd: {  	v1 =	vshll.u32 v0, $0x10  }
0xfe: {  	v0 =	vand.u32 $0xFFFF0000, v0;
	[tilespmem:s25+$0x20] =	vst v1  }
0xff: {  	s26 =	simm.s32 $0x40;
	[tilespmem:s25+$0x30] =	vst v0  }
0x100: {  	v0 =	vld [tilespmem:s26+$0x4800]  }
0x101: {  	s28 =	simm.s32 $0x200  }
.LBB2_12:
0x102: {  	p1 =	sne.s32 s28, $0x7F00;
	_ =	sdelay $0x2  }
0x103: {  	s25 =	sadd.s32 $0x80, s25;
	v1 =	vshll.u32 v0, $0x10  }
0x104: {  	v0 =	vand.u32 $0xFFFF0000, v0;
	[tilespmem:s25+$0xFFFFFFC0] =	vst v1  }
0x105: {  	[tilespmem:s25+$0xFFFFFFD0] =	vst v0  }
0x106: {  	v0 =	vld [tilespmem:s26+$0x4810];
	_ =	sdelay $0x4  }
0x107: {  	v1 =	vshll.u32 v0, $0x10  }
0x108: {  	v0 =	vand.u32 $0xFFFF0000, v0;
	[tilespmem:s25+$0xFFFFFFE0] =	vst v1  }
0x109: {  	[tilespmem:s25+$0xFFFFFFF0] =	vst v0  }
0x10a: {  	v0 =	vld [tilespmem:s26+$0x4820];
	_ =	sdelay $0x4  }
0x10b: {  	v1 =	vshll.u32 v0, $0x10;
	v0 =	vand.u32 $0xFFFF0000, v0  }
0x10c: {  	[tilespmem:s25+$0x10] =	vst v0  }
0x10d: {  	[tilespmem:s25+$0x0] =	vst v1  }
0x10e: {  	v0 =	vld [tilespmem:s26+$0x4830];
	_ =	sdelay $0x4  }
.Ltmp7:
0x10f: {  	v1 =	vshll.u32 v0, $0x10;
	v0 =	vand.u32 $0xFFFF0000, v0;
	(pc) =	sbr.rel @p1 .LBB2_12-.Ltmp7, $4  }
0x110: {  	[tilespmem:s25+$0x20] =	vst v1  }
0x111: {  	s26 =	sshra.s32 s28, $0x2;
	[tilespmem:s25+$0x30] =	vst v0  }
0x112: {  	v0 =	vld [tilespmem:s26+$0x4800]  }
0x113: {  	s28 =	sadd.s32 $0x100, s28  }
0x114: {  	_ =	sdelay $0x2  }
0x115: {  	s25 =	sadd.s32 $0x80, s25;
	v1 =	vshll.u32 v0, $0x10  }
0x116: {  	v60 =	vand.u32 $0xFFFF0000, v0;
	[tilespmem:s25+$0xFFFFFFC0] =	vst v1  }
0x117: {  	[tilespmem:s25+$0xFFFFFFD0] =	vst v60  }
0x118: {  	v0 =	vld [tilespmem:s26+$0x4810];
	_ =	sdelay $0x4  }
0x119: {  	v61 =	vshll.u32 v0, $0x10  }
0x11a: {  	v0 =	vand.u32 $0xFFFF0000, v0;
	[tilespmem:s25+$0xFFFFFFE0] =	vst v61  }
0x11b: {  	[tilespmem:s25+$0xFFFFFFF0] =	vst v0  }
0x11c: {  	v0 =	vld [tilespmem:s26+$0x4820];
	_ =	sdelay $0x4  }
0x11d: {  	v62 =	vand.u32 $0xFFFF0000, v0  }
0x11e: {  	v0 =	vshll.u32 v0, $0x10;
	[tilespmem:s25+$0x10] =	vst v62  }
0x11f: {  	[tilespmem:s25+$0x0] =	vst v0  }
0x120: {  	v0 =	vld [tilespmem:s26+$0x4830];
	_ =	sdelay $0x4  }
0x121: {  	v63 =	vshll.u32 v0, $0x10  }
0x122: {  	v0 =	vand.u32 $0xFFFF0000, v0;
	[tilespmem:s25+$0x20] =	vst v63  }
.Ltmp8:
0x123: {  	s31 =	sadd.s32 $0x1480, s24;
	[tilespmem:s25+$0x30] =	vst v0;
	(pc) =	sbr.rel @p0 .LBB2_15-.Ltmp8, $4  }
0x124: {  	[spmem:s3] =	stream.indirect.scatter.add.f32 [tilespmem:s20], [sflag:$0x3], $0x80, s31, s16, $0xb8;
	[tilespmem:$0x1E800] =	vst v63  }
0x125: {  	_ =	swait.ge [sflag:s14], $0x4000  }
0x126: {  	[sflag:s14] =	ssyncset.done $0x0  }
0x127: {  	[sflag:s14] =	ssyncadd.s32 $0xFFFFC000  }
.Ltmp9:
0x128: {  	(pc) =	sbr.rel .LBB2_9-.Ltmp9, $3  }
0x129: {  	_ =	sdelay $0x1  }
0x12a: {  	s24 =	sadd.s32 $0x180, s24;
	s23 =	sadd.s32 $0x1, s23  }
0x12b: {  	[tilespmem:s18], [sflag:$0x2] =	stream.indirect.gather [hbm4b:s5+s16], $0x40, s24, s16, $0xb8;
	[tilespmem:$0x1E800] =	vst v63  }
.LBB2_16:
0x12c: {  	_ =	sfence.sel $0x180000  }
0x12d: {  	[bflag:$0x0] =	sbarrier.arrive $0xFFFF  }
0x12e: {  	p0 =	sne.s32 s2, $0x0;
	_ =	strace $0x9000004D  }
0x12f: {  	s0 =	sadd.s32 @!p0 $0x100000, s0;
	[bflag:$0x2] =	sbarrier.arrive $0xFFFF  }
0x130: {  	[sflag:s0] =	ssyncadd.tile.s32 @!p0 $0x1;
	_ =	shalt  }
.Lfunc_end2:
_tile_overlayer_lowered:
.L_overlay_start_2:
0x131: {  	(tag) =	ssettag $0x2  }
0x132: {  	s0 =	rddreg [dreg:$0x0];
	s2 =	stileid.u32  }
0x133: {  	s1 =	rddreg [dreg:$0x1];
	p0 =	sne.s32 s2, $0x0  }
0x134: {  	s3 =	rddreg [dreg:$0x2];
	[bflag:$0x3] =	sbarrier.arrive $0xFFFF;
	s2 =	simm.s32 @!p0 $0x1C03  }
0x135: {  	[timem:s3], [sflag:s2] =	dma.local @!p0 [hbm:s0], s1  }
0x136: {  	s0 =	simm.s32 @!p0 $0x3  }
0x137: {  	_ =	swait.ge @!p0 [sflag:s0], s1  }
0x138: {  	s1 =	ssub.s32 @!p0 $0x0, s1;
	[sflag:s0] =	ssyncset.done @!p0 $0x0  }
0x139: {  	[sflag:s0] =	ssyncadd.s32 @!p0 s1  }
0x13a: {  	[bflag:$0x3] =	sbarrier.arrive $0xFFFF  }
0x13b: {  	_ =	shalt  }

// kernel: kernel.8.cloned.1.call-start
scs
__scs_entry_jumppad:
0x0: {  	(pc) =	sbr.rel $0x88, $3  }
0x1: {  	(tag) =	ssettag $0x0;
	lr =	simm.s32 $0x1  }
0x2: {  	[smem:$0x3F89] =	sst lr;
	_ =	strace $0xD0000000  }
0x3: {  	_ = 	snop  }
0x4: {  	_ = 	snop  }
0x5: {  	_ = 	snop  }
0x6: {  	_ = 	snop  }
0x7: {  	_ = 	snop  }
__scs_overlays_trampoline_lowered:
0x8: {  	[smem:$0x3F98] =	sst s0  }
0x9: {  	[smem:$0x3F99] =	sst s1  }
0xa: {  	[smem:$0x3F9A] =	sst s2  }
0xb: {  	[smem:$0x3F9B] =	sst s3  }
0xc: {  	[smem:$0x3F9C] =	sst s4  }
0xd: {  	[smem:$0x3F9D] =	sst s5  }
0xe: {  	[smem:$0x3F9E] =	sst s6  }
0xf: {  	[smem:$0x3F9F] =	sst s7  }
0x10: {  	[smem:$0x3FA0] =	sst s8  }
0x11: {  	[smem:$0x3FA1] =	sst s9;
	s0 =	simm.s32 @!p0 $0x0  }
0x12: {  	s1 =	sld [smem:$0x3F87];
	s0 =	simm.s32 @p0 $0x1  }
0x13: {  	[smem:$0x3FA2] =	sst s0;
	s0 =	simm.s32 @!p1 $0x0  }
0x14: {  	s2 =	sld [smem:$0x3F86];
	s0 =	simm.s32 @p1 $0x1  }
0x15: {  	[smem:$0x3FA3] =	sst s0;
	s0 =	simm.s32 @!p2 $0x0  }
0x16: {  	s3 =	sld [smem:$0x3FDB];
	s0 =	simm.s32 @p2 $0x1  }
0x17: {  	s4 =	simm.s32 $0x1BF5;
	[smem:$0x3FA5] =	sst s0  }
0x18: {  	s0 =	sld [smem:$0x3F88];
	_ =	swait.ge [sflag:s4], $0x0  }
0x19: {  	s7 =	sld [smem:$0x3F89]  }
0x1a: {  	s8 =	sadd.s32 $0xFFFFE003, lr  }
0x1b: {  	s9 =	sadd.s32 $0xFFFFFEF7, lr;
	s5 =	simm.s32 $0xFFFFFFFF;
	p2 =	slt.u32 s8, $0xFFFFF086  }
0x1c: {  	p1 =	slt.u32 s9, $0xF7A;
	s5 =	simm.s32 @!p2 $0x0  }
0x1d: {  	s5 =	simm.s32 @p1 $0x1;
	p0 =	seq.s32 s7, s2  }
0x1e: {  	s7 =	smul.u32 @!p0 $0xF7A, s2;
	p2 =	seq.s32 @!p0 s5, $0x0  }
0x1f: {  	s9 =	smul.u32 $0xF7A, s1;
	s8 =	simm.s32 @!p0 $0x1BF5;
	p2 =	por !p2, p0  }
0x20: {  	[sflag:s8] =	ssyncset.s32 @!p0 $0xFFFFF086;
	s6 =	sadd.s32 @!p0 s3, s7;
	s7 =	simm.s32 @!p0 $0x108  }
0x21: {  	s3 =	sadd.s32 s3, s9;
	s6 =	sadd.s32 @!p0 $0x88, s6;
	s7 =	simm.s32 @p2 $0x1082  }
0x22: {  	[simem:s7], [sflag:s8] =	dma.local @!p0 [hbm:s6], $0xF7A  }
0x23: {  	s9 =	sor.u32 $0xD0000000, s2;
	s6 =	simm.s32 $0x108;
	_ =	swait.ge @!p0 [sflag:s8], $0x0  }
0x24: {  	s3 =	sadd.s32 $0x88, s3;
	s6 =	simm.s32 @!p1 $0x1082;
	[sflag:s4] =	ssyncset.s32 $0xFFFFF086  }
0x25: {  	[simem:s6], [sflag:s4] =	dma.local [hbm:s3], $0xF7A  }
0x26: {  	[smem:$0x3F89] =	sst s1;
	(tag) =	ssettag s2;
	_ =	strace s9  }
0x27: {  	s1 =	sld [smem:$0x3F99]  }
0x28: {  	s2 =	sld [smem:$0x3F9A]  }
0x29: {  	s4 =	sld [smem:$0x3F9C]  }
0x2a: {  	p0 =	seq.s32 s5, $0x0;
	s5 =	sld [smem:$0x3F9D]  }
0x2b: {  	s6 =	sld [smem:$0x3F9E]  }
0x2c: {  	s7 =	sld [smem:$0x3F9F]  }
0x2d: {  	s3 =	simm.s32 $0x108;
	s8 =	sld [smem:$0x3FA0]  }
0x2e: {  	s3 =	simm.s32 @!p0 $0x1082;
	s9 =	sld [smem:$0x3FA1]  }
0x2f: {  	lr =	sadd.s32 s0, s3;
	s0 =	sld [smem:$0x3F98]  }
0x30: {  	s3 =	sld [smem:$0x3F9B]  }
0x31: {  	[smem:$0x3FA4] =	sst s10  }
0x32: {  	s10 =	sld [smem:$0x3FA2];
	_ =	sdelay $0x3  }
0x33: {  	p0 =	seq.s32 s10, $0x1;
	s10 =	sld [smem:$0x3FA4];
	_ =	sdelay $0x3  }
0x34: {  	[smem:$0x3FA4] =	sst s10  }
0x35: {  	s10 =	sld [smem:$0x3FA3];
	_ =	sdelay $0x3  }
0x36: {  	p1 =	seq.s32 s10, $0x1;
	s10 =	sld [smem:$0x3FA4];
	_ =	sdelay $0x3  }
0x37: {  	[smem:$0x3FA4] =	sst s10  }
0x38: {  	s10 =	sld [smem:$0x3FA5]  }
0x39: {  	_ = 	snop;
	(pc) =	sbr.ind lr, $3  }
0x3a: {  	_ = 	snop  }
0x3b: {  	_ = 	snop  }
0x3c: {  	p2 =	seq.s32 s10, $0x1;
	s10 =	sld [smem:$0x3FA4]  }
0x3d: {  	_ =	shalt  }
0x3e: {  	_ =	shalt  }
0x3f: {  	_ =	shalt  }
0x40: {  	_ =	shalt  }
0x41: {  	_ =	shalt  }
0x42: {  	_ =	shalt  }
0x43: {  	_ =	shalt  }
0x44: {  	_ =	shalt  }
0x45: {  	_ =	shalt  }
0x46: {  	_ =	shalt  }
0x47: {  	_ =	shalt  }
0x48: {  	_ =	shalt  }
0x49: {  	_ =	shalt  }
0x4a: {  	_ =	shalt  }
0x4b: {  	_ =	shalt  }
0x4c: {  	_ =	shalt  }
0x4d: {  	_ =	shalt  }
0x4e: {  	_ =	shalt  }
0x4f: {  	_ =	shalt  }
0x50: {  	_ =	shalt  }
0x51: {  	_ =	shalt  }
0x52: {  	_ =	shalt  }
0x53: {  	_ =	shalt  }
0x54: {  	_ =	shalt  }
0x55: {  	_ =	shalt  }
0x56: {  	_ =	shalt  }
0x57: {  	_ =	shalt  }
0x58: {  	_ =	shalt  }
0x59: {  	_ =	shalt  }
0x5a: {  	_ =	shalt  }
0x5b: {  	_ =	shalt  }
0x5c: {  	_ =	shalt  }
0x5d: {  	_ =	shalt  }
0x5e: {  	_ =	shalt  }
0x5f: {  	_ =	shalt  }
0x60: {  	_ =	shalt  }
0x61: {  	_ =	shalt  }
0x62: {  	_ =	shalt  }
0x63: {  	_ =	shalt  }
0x64: {  	_ =	shalt  }
0x65: {  	_ =	shalt  }
0x66: {  	_ =	shalt  }
0x67: {  	_ =	shalt  }
0x68: {  	_ =	shalt  }
0x69: {  	_ =	shalt  }
0x6a: {  	_ =	shalt  }
0x6b: {  	_ =	shalt  }
0x6c: {  	_ =	shalt  }
0x6d: {  	_ =	shalt  }
0x6e: {  	_ =	shalt  }
0x6f: {  	_ =	shalt  }
0x70: {  	_ =	shalt  }
0x71: {  	_ =	shalt  }
0x72: {  	_ =	shalt  }
0x73: {  	_ =	shalt  }
0x74: {  	_ =	shalt  }
0x75: {  	_ =	shalt  }
0x76: {  	_ =	shalt  }
0x77: {  	_ =	shalt  }
0x78: {  	_ =	shalt  }
0x79: {  	_ =	shalt  }
0x7a: {  	_ =	shalt  }
0x7b: {  	_ =	shalt  }
0x7c: {  	_ =	shalt  }
0x7d: {  	_ =	shalt  }
0x7e: {  	_ =	shalt  }
0x7f: {  	_ =	shalt  }
0x80: {  	_ =	shalt  }
0x81: {  	_ =	shalt  }
0x82: {  	_ =	shalt  }
0x83: {  	_ =	shalt  }
0x84: {  	_ =	shalt  }
0x85: {  	_ =	shalt  }
0x86: {  	_ =	shalt  }
0x87: {  	_ =	shalt  }
.Lfunc_end0:
.L_simem_size_0:
called_computation_lowered:
.L_overlay_start_0:
0x88: {  	s2 =	sld [smem:$0x3FD9]  }
0x89: {  	s3 =	sld [smem:$0x3FFE];
	_ =	sdelay $0x1  }
0x8a: {  	s1 =	srdreg.scid  }
0x8b: {  	s0 =	sand.u32 $0x1, s1  }
0x8c: {  	s17 =	sshll.u32 s0, $0xA;
	s2 =	sadd.s32 s3, s2  }
0x8d: {  	s2 =	sadd.s32 s2, s17  }
0x8e: {  	[smem:$0x3FB0] =	sst s2  }
0x8f: {  	_ = 	snop  }
0x90: {  	(tm) =	ssettm $0x1  }
0x91: {  	s18 =	sld [smem:$0x3FFB];
	_ =	sdelay $0x3  }
0x92: {  	_ =	strace s18  }
0x93: {  	s2 =	sld [smem:$0x3FFC];
	_ =	sdelay $0x3  }
0x94: {  	_ =	strace s2  }
0x95: {  	s2 =	sld [smem:$0x3FFD];
	_ =	sdelay $0x3  }
0x96: {  	_ =	strace s2  }
0x97: {  	_ =	strace $0x8FFFFFFF  }
0x98: {  	s19 =	sld [smem:$0x3FDB];
	_ =	sdelay $0x1  }
0x99: {  	s20 =	simm.s32 $_scs_section_size  }
0x9a: {  	s4 =	simm.s32 $_size__tile_overlayer_lowered;
	s5 =	simm.s32 $_tile_overlayer_lowered  }
0x9b: {  	s6 =	simm.s32 $0x1BFF;
	s21 =	sshll.u32 s5, $0x1;
	s3 =	sadd.s32 s20, s19  }
0x9c: {  	s22 =	simm.s32 $0x0;
	s4 =	sshll.u32 s4, $0x1;
	s5 =	sadd.s32 s21, s3  }
0x9d: {  	[timem:s22], [sflag:s6] =	dma.local [hbm:s5], s4  }
0x9e: {  	_ =	swait.ge [sflag:s6], s4  }
0x9f: {  	s4 =	ssub.s32 $0x0, s4;
	[sflag:s6] =	ssyncset.done $0x0  }
0xa0: {  	[sflag:s6] =	ssyncadd.s32 s4;
	_ =	sdelay $0x1  }
0xa1: {  	s23 =	simm.s32 $0x1B8B  }
0xa2: {  	_ =	swait.ge [sflag:s23], $0x1  }
0xa3: {  	[sflag:s23] =	ssyncset.done $0x0  }
0xa4: {  	[sflag:s23] =	ssyncadd.s32 $0xFFFFFFFF  }
0xa5: {  	s4 =	sld [smem:$0x0]  }
0xa6: {  	s5 =	sand.u32 $0xFFFFFFFE, s1  }
0xa7: {  	p0 =	sne.s32 s1, s5  }
0xa8: {  	s5 =	sshll.u32 @p0 s5, $0xE  }
0xa9: {  	s5 =	sadd.s32 @p0 $0x11B8D, s5;
	s6 =	sshll.u32 @p0 s4, $0x11  }
0xaa: {  	s5 =	sor.u32 @p0 s6, s5  }
0xab: {  	[sflag:s5] =	ssyncadd.remote.s32 @p0 $0x1;
	_ =	sdelay $0x1  }
0xac: {  	s5 =	simm.s32 @p0 $0x1B8D  }
0xad: {  	_ =	swait.eq @p0 [sflag:s5], $0x1  }
0xae: {  	[sflag:s5] =	ssyncadd.s32 @p0 $0xFFFFFFFF  }
0xaf: {  	s6 =	sshll.u32 @!p0 s1, $0xE  }
0xb0: {  	s6 =	sor.u32 @!p0 $0x4000, s6;
	s5 =	simm.s32 @!p0 $0x1B8D  }
0xb1: {  	s4 =	sshll.u32 @!p0 s4, $0x11;
	s6 =	sadd.s32 @!p0 $0x11B8D, s6;
	_ =	swait.eq @!p0 [sflag:s5], $0x1  }
0xb2: {  	s4 =	sor.u32 @!p0 s4, s6;
	[sflag:s5] =	ssyncadd.s32 @!p0 $0xFFFFFFFF  }
0xb3: {  	s25 =	simm.s32 $0x1B8E;
	s24 =	sld [smem:$0x3FFE];
	[sflag:s4] =	ssyncadd.remote.s32 @!p0 $0x1  }
0xb4: {  	s26 =	simm.s32 $execute0_lowered;
	[smem:$0x3FD2] =	sst s25  }
0xb5: {  	s5 =	sshll.u32 s26, $0x1;
	_ =	strace $0x80000049;
	[dreg:$0x1] =	wrdreg $0xFFFFFFFF  }
0xb6: {  	s28 =	simm.s32 $_size_execute0_lowered;
	s3 =	sadd.s32 s3, s5;
	[dreg:$0x0] =	wrdreg $0x0  }
0xb7: {  	s5 =	sshll.u32 s28, $0x1;
	[dreg:$0x2] =	wrdreg s3  }
0xb8: {  	[dreg:$0x3] =	wrdreg s5  }
0xb9: {  	[dreg:$0x4] =	wrdreg $0xC0  }
0xba: {  	_ =	task [dreg:s22], $0x5FFFF  }
0xbb: {  	[dreg:$0x1] =	wrdreg $0xFFFFFFFF  }
0xbc: {  	[dreg:$0x0] =	wrdreg $0x60  }
0xbd: {  	[dreg:$0x2] =	wrdreg s24  }
0xbe: {  	[dreg:$0x3] =	wrdreg $0x68000  }
0xbf: {  	[dreg:$0x4] =	wrdreg $0x9  }
0xc0: {  	_ =	task.clear_ibuf [dreg:s22], $0x5FFFF;
	_ =	strace $0x90000049  }
0xc1: {  	s29 =	simm.s32 $0x9;
	_ =	strace $0x8000004B  }
0xc2: {  	_ =	swait.ge [sflag:s29], $0x1  }
0xc3: {  	[sflag:s29] =	ssyncadd.s32 $0xFFFFFFFF  }
0xc4: {  	_ =	strace $0x9000004B  }
0xc5: {  	_ =	sfence  }
0xc6: {  	s30 =	sld [smem:$0x0];
	_ =	sdelay $0x2  }
0xc7: {  	s31 =	sshll.u32 s1, $0xD;
	s1 =	sshrl.u32 s1, $0x2  }
0xc8: {  	s4 =	sand.u32 $0x4000, s31;
	s1 =	sadd.s32 s1, s30  }
0xc9: {  	s0 =	sor.u32 s4, s0;
	s1 =	sshll.u32 s1, $0x11  }
0xca: {  	s0 =	sor.u32 s1, s0  }
0xcb: {  	s0 =	sadd.s32 $0x8F2B, s0  }
0xcc: {  	[sflag:s0] =	ssyncadd.remote.s32 $0x1  }
0xcd: {  	_ =	sfence.sel $0xFFFF  }
0xce: {  	[dreg:$0x0] =	wrdreg $0xFFFFFFFF;
	(pc) =	sbr.abs _section_cstart, $3  }
0xcf: {  	[dreg:$0x1] =	wrdreg $0xFFFFFFFF  }
0xd0: {  	_ =	task.clear_ibuf [dreg:s22], $0x2FFFF;
	_ =	strace $0x9FFFFFFF  }
0xd1: {  	(tm) =	ssettm $0x7FFFFFFF  }
tec
execute0_lowered:
.L_overlay_start_1:
0x0: {  	(tag) =	ssettag $0x1  }
0x1: {  	s7 =	rddreg [dreg:$0x0]  }
0x2: {  	s0 =	srdreg.scid;
	s2 =	rddreg [dreg:$0x1]  }
0x3: {  	s3 =	simm.s32 $0x0;
	s12 =	simm.s32 $0x2800;
	s6 =	sand.u32 $0x1, s0  }
0x4: {  	s13 =	simm.s32 $0x80;
	s0 =	stileid.u32;
	s5 =	smul.u32 $0x140000, s6  }
0x5: {  	s14 =	simm.s32 $0x0;
	[smem:$0x7FF] =	sst s3;
	s8 =	smul.u32 $0x14000, s0  }
0x6: {  	s1 =	sshll.u32 s6, $0x4;
	s10 =	smul.u32 $0x50000, s0;
	s6 =	ssub.s32 $0x2, s6  }
0x7: {  	s31 =	sshll.u32 s0, $0x6;
	s1 =	sor.u32 s0, s1;
	s30 =	sshrl.u32 s6, $0x1  }
0x8: {  	s4 =	smul.u32 $0x500, s1;
	s1 =	rddreg [dreg:$0x2];
	_ =	strace $0x8000004A  }
0x9: {  	s8 =	sadd.s32 s8, s5;
	s5 =	sadd.s32 $0x7D000, s7;
	s10 =	sshrl.u32 s10, $0x2  }
0xa: {  	s11 =	ssub.s32 s6, s30;
	s6 =	sor.u32 $0x1C01, s31;
	s8 =	sshrl.u32 s8, $0x3  }
0xb: {  	s10 =	sadd.s32 s10, s2;
	s9 =	sadd.s32 s4, s7;
	s4 =	sadd.s32 $0x7A800, s7  }
0xc: {  	s8 =	sadd.s32 s8, s7;
	s10 =	sshrl.u32 s10, $0x3;
	s7 =	sadd.s32 $0x16800, s9  }
0xd: {  	s8 =	sadd.s32 $0x7D800, s8;
	s9 =	smax.u32 s11, $0x1;
	s11 =	simm.s32 $0x1  }
.LBB2_1:
0xe: {  	[spmem:s10], [sflag:s6] =	dma.local [hbm:s4], $0x2800  }
0xf: {  	_ =	swait.ge [sflag:s11], $0x2800  }
0x10: {  	[sflag:s11] =	ssyncset.done $0x0  }
0x11: {  	[sflag:s11] =	ssyncadd.s32 $0xFFFFD800  }
0x12: {  	[tilespmem:s3], [sflag:$0x1] =	stream.linear.gather [hbm4b:s7+s3], $0x2800, $0x38;
	[tilespmem:$0x1A800] =	vst v63  }
0x13: {  	_ =	swait.ge [sflag:s11], $0x2800  }
0x14: {  	[sflag:s11] =	ssyncset.done $0x0  }
0x15: {  	[sflag:s11] =	ssyncadd.s32 $0xFFFFD800  }
0x16: {  	[tilespmem:s12], [sflag:$0x1] =	stream.linear.gather [hbm4b:s5+s3], $0x4000, $0x38;
	[tilespmem:$0x1A800] =	vst v63  }
0x17: {  	_ =	swait.ge [sflag:s11], $0x4000  }
0x18: {  	[sflag:s11] =	ssyncset.done $0x0  }
0x19: {  	[sflag:s11] =	ssyncadd.s32 $0xFFFFC000  }
0x1a: {  	s15 =	simm.s32 $0x0;
	[bflag:$0x0] =	sbarrier.arrive $0xFFFF  }
0x1b: {  	[spmem:s2] =	stream.indirect.scatter.add.f32 [tilespmem:s12], [sflag:$0x1], $0x80, s15, s13, $0xb8;
	[tilespmem:$0x1A800] =	vst v63  }
0x1c: {  	_ =	swait.ge [sflag:s11], $0x4000  }
0x1d: {  	s15 =	simm.s32 $0x200;
	[sflag:s11] =	ssyncset.done $0x0  }
.LBB2_2:
0x1e: {  	s16 =	sshra.s32 s15, $0x2;
	[sflag:s11] =	ssyncadd.s32 $0xFFFFC000;
	p0 =	sne.s32 s15, $0x9E00  }
0x1f: {  	[spmem:s2] =	stream.indirect.scatter.add.f32 [tilespmem:s12], [sflag:$0x1], $0x80, s16, s13, $0xb8;
	[tilespmem:$0x1A800] =	vst v63  }
.Ltmp0:
0x20: {  	_ = 	snop;
	(pc) =	sbr.rel @p0 .LBB2_2-.Ltmp0, $4  }
0x21: {  	_ = 	snop  }
0x22: {  	s15 =	sadd.s32 $0x200, s15  }
0x23: {  	_ =	swait.ge [sflag:s11], $0x4000  }
0x24: {  	[sflag:s11] =	ssyncset.done $0x0  }
0x25: {  	s14 =	sadd.s32 $0x1, s14  }
0x26: {  	[sflag:s11] =	ssyncadd.s32 $0xFFFFC000;
	p0 =	sne.s32 s14, s9  }
.Ltmp1:
0x27: {  	[bflag:$0x0] =	sbarrier.arrive $0xFFFF;
	(pc) =	sbr.rel @p0 .LBB2_1-.Ltmp1, $4  }
0x28: {  	[hbm:s8], [sflag:s6] =	dma.local [spmem:s10], $0x2800  }
0x29: {  	_ =	swait.ge [sflag:s11], $0x2800  }
0x2a: {  	[sflag:s11] =	ssyncset.done $0x0  }
0x2b: {  	[sflag:s11] =	ssyncadd.s32 $0xFFFFD800  }
0x2c: {  	_ =	sfence.sel $0x180000  }
0x2d: {  	[bflag:$0x0] =	sbarrier.arrive $0xFFFF  }
0x2e: {  	p0 =	sne.s32 s0, $0x0;
	_ =	strace $0x9000004A  }
0x2f: {  	s0 =	sadd.s32 @!p0 $0x100000, s1;
	[bflag:$0x2] =	sbarrier.arrive $0xFFFF  }
0x30: {  	[sflag:s0] =	ssyncadd.tile.s32 @!p0 $0x1;
	_ =	shalt  }
.Lfunc_end2:
_tile_overlayer_lowered:
.L_overlay_start_2:
0x31: {  	(tag) =	ssettag $0x2  }
0x32: {  	s0 =	rddreg [dreg:$0x0];
	s2 =	stileid.u32  }
0x33: {  	s1 =	rddreg [dreg:$0x1];
	p0 =	sne.s32 s2, $0x0  }
0x34: {  	s3 =	rddreg [dreg:$0x2];
	[bflag:$0x3] =	sbarrier.arrive $0xFFFF;
	s2 =	simm.s32 @!p0 $0x1C01  }
0x35: {  	[timem:s3], [sflag:s2] =	dma.local @!p0 [hbm:s0], s1  }
0x36: {  	s0 =	simm.s32 @!p0 $0x1  }
0x37: {  	_ =	swait.ge @!p0 [sflag:s0], s1  }
0x38: {  	s1 =	ssub.s32 @!p0 $0x0, s1;
	[sflag:s0] =	ssyncset.done @!p0 $0x0  }
0x39: {  	[sflag:s0] =	ssyncadd.s32 @!p0 s1  }
0x3a: {  	[bflag:$0x3] =	sbarrier.arrive $0xFFFF  }
0x3b: {  	_ =	shalt  }

</sc_bundles>
